<compile_context>
chip_gen: v7x
topology: tpu7x:2x2x1
jax: 0.10.2.dev20260603
libtpu: 0.0.44.dev20260713+nightly
codegen_flags: <defaults>
</compile_context>

<pallas_src>
import functools

import jax
import jax.numpy as jnp
from jax import lax
from jax.experimental import pallas as pl
from jax.experimental.pallas import tpu as pltpu
from jax.experimental.pallas import tpu_sc as plsc

Q_SIZE = 1024
K_SIZE = 100000
D_SIZE = 128
MASKW = 200
MASKW_PAD = 256
K_PAD = 100352
KB = 2048
NKB = K_PAD // KB
BMIN = 128
NB = K_PAD // BMIN
NB_PAD = 896
QT = 256
NQT = Q_SIZE // QT
QTA = 1024
NQTA = Q_SIZE // QTA
TOPK_N = 16
NCAND = TOPK_N * BMIN
BIG_F = 1e30
BIG_I = 2**30

NC = 2
NS = 16
NW = NC * NS


def _rowsumsq(h):
    x = h * h
    acc = x[:, 0:8]
    for i in range(1, 16):
        acc = acc + x[:, 8 * i:8 * (i + 1)]
    w = 4
    while w >= 1:
        acc = acc[:, :w] + acc[:, w:2 * w]
        w //= 2
    return acc


def _proj_body(x_ref, w_ref, b_ref, h_ref, n_ref):
    h = jnp.tanh(
        lax.dot_general(x_ref[...], w_ref[...], (((1,), (0,)), ((), ())),
                        preferred_element_type=jnp.float32) + b_ref[...])
    norm = jnp.sqrt(_rowsumsq(h))
    scale = jnp.where(norm > 0.95, 0.95 / norm, jnp.float32(1.0))
    h2 = h * scale
    h_ref[...] = h2
    n_ref[...] = _rowsumsq(h2)


def _project(x, w, b, rows_per_step):
    n = x.shape[0]
    grid = (n // rows_per_step,)
    return pl.pallas_call(
        _proj_body,
        grid=grid,
        in_specs=[
            pl.BlockSpec((rows_per_step, D_SIZE), lambda i: (i, 0)),
            pl.BlockSpec((D_SIZE, D_SIZE), lambda i: (0, 0)),
            pl.BlockSpec((1, D_SIZE), lambda i: (0, 0)),
        ],
        out_specs=[
            pl.BlockSpec((rows_per_step, D_SIZE), lambda i: (i, 0)),
            pl.BlockSpec((rows_per_step, 1), lambda i: (i, 0)),
        ],
        out_shape=[
            jax.ShapeDtypeStruct((n, D_SIZE), jnp.float32),
            jax.ShapeDtypeStruct((n, 1), jnp.float32),
        ],
    )(x, w, b)


def _score_body(qh_ref, qn_ref, mh_ref, yn_ref, s_ref, bm_ref):
    xy = lax.dot_general(qh_ref[...], mh_ref[...], (((1,), (1,)), ((), ())),
                         preferred_element_type=jnp.float32)
    qn = qn_ref[...]
    yn = yn_ref[...]
    num = jnp.maximum(qn + yn - 2.0 * xy, 0.0)
    den = (1.0 - qn) * (1.0 - yn)
    s = (2.0 * num) / (den + 1e-08)
    ragged = pl.program_id(1) == (NKB - 1)

    @pl.when(ragged)
    def _():
        col = (NKB - 1) * KB + lax.broadcasted_iota(jnp.int32, s.shape, 1)
        sm = jnp.where(col >= K_SIZE, BIG_F, s)
        s_ref[...] = sm
        bm_ref[...] = jnp.min(sm.reshape(QTA, KB // BMIN, BMIN), axis=2
                              ).reshape(1, 1, QTA, KB // BMIN)

    @pl.when(jnp.logical_not(ragged))
    def _():
        s_ref[...] = s
        bm_ref[...] = jnp.min(s.reshape(QTA, KB // BMIN, BMIN), axis=2
                              ).reshape(1, 1, QTA, KB // BMIN)


def _scores(q_hyp, q_nsq, m_hyp, y_nsq_row):
    return pl.pallas_call(
        _score_body,
        grid=(NQTA, NKB),
        in_specs=[
            pl.BlockSpec((QTA, D_SIZE), lambda q, k: (q, 0)),
            pl.BlockSpec((QTA, 1), lambda q, k: (q, 0)),
            pl.BlockSpec((KB, D_SIZE), lambda q, k: (k, 0)),
            pl.BlockSpec((1, KB), lambda q, k: (0, k)),
        ],
        out_specs=[
            pl.BlockSpec((QTA, KB), lambda q, k: (q, k)),
            pl.BlockSpec((1, 1, QTA, KB // BMIN), lambda q, k: (q, k, 0, 0)),
        ],
        out_shape=[
            jax.ShapeDtypeStruct((Q_SIZE, K_PAD), jnp.float32),
            jax.ShapeDtypeStruct((NQTA, NKB, QTA, KB // BMIN), jnp.float32),
        ],
    )(q_hyp, q_nsq, m_hyp, y_nsq_row)


def _blocktop_body(bm_ref, out_ref):
    m = bm_ref[...]
    col = lax.broadcasted_iota(jnp.int32, m.shape, 1)
    m = jnp.where(col >= NB, BIG_F, m)
    ids = []
    for _ in range(TOPK_N):
        v = jnp.min(m, axis=1, keepdims=True)
        bi = jnp.min(jnp.where(m == v, col, BIG_I), axis=1, keepdims=True)
        ids.append(bi)
        m = jnp.where(col == bi, BIG_F, m)
    blk = jnp.concatenate(ids, axis=1)
    out_cols = []
    for _ in range(TOPK_N):
        mn = jnp.min(blk, axis=1, keepdims=True)
        out_cols.append(mn)
        blk = jnp.where(blk == mn, BIG_I, blk)
    out_ref[...] = jnp.concatenate(out_cols, axis=1)


def _blocktop(bm_pad):
    return pl.pallas_call(
        _blocktop_body,
        grid=(NQT,),
        in_specs=[pl.BlockSpec((QT, NB_PAD), lambda q: (q, 0))],
        out_specs=pl.BlockSpec((QT, TOPK_N), lambda q: (q, 0)),
        out_shape=jax.ShapeDtypeStruct((Q_SIZE, TOPK_N), jnp.int32),
    )(bm_pad)


def _final_body(cand_ref, blk_ref, w_ref, idx_ref):
    s = cand_ref[...]
    blk = blk_ref[...]
    gk = (blk[:, :, None] * BMIN
          + lax.broadcasted_iota(jnp.int32, (QT, TOPK_N, BMIN), 2)
          ).reshape(QT, NCAND)
    z = jnp.maximum(1.0 + s, 1.0 + 1e-6)
    sm1 = jnp.sqrt(z - 1.0)
    d = jnp.log1p(sm1 * (sm1 + jnp.sqrt(z + 1.0)))
    vals, idxs = [], []
    for _ in range(TOPK_N):
        v = jnp.min(d, axis=1, keepdims=True)
        gi = jnp.min(jnp.where(d == v, gk, BIG_I), axis=1, keepdims=True)
        vals.append(v)
        idxs.append(gi)
        d = jnp.where(gk == gi, BIG_F, d)
    d16 = jnp.concatenate(vals, axis=1)
    i16 = jnp.concatenate(idxs, axis=1)
    e = jnp.exp(d16[:, 0:1] - d16)
    acc = e
    w = 8
    while w >= 1:
        acc = acc[:, :w] + acc[:, w:2 * w]
        w //= 2
    w_ref[...] = e / acc
    idx_ref[...] = i16


def _final(cand, blk_sorted):
    return pl.pallas_call(
        _final_body,
        grid=(NQT,),
        in_specs=[
            pl.BlockSpec((QT, NCAND), lambda q: (q, 0)),
            pl.BlockSpec((QT, TOPK_N), lambda q: (q, 0)),
        ],
        out_specs=[
            pl.BlockSpec((QT, TOPK_N), lambda q: (q, 0)),
            pl.BlockSpec((QT, TOPK_N), lambda q: (q, 0)),
        ],
        out_shape=[
            jax.ShapeDtypeStruct((Q_SIZE, TOPK_N), jnp.float32),
            jax.ShapeDtypeStruct((Q_SIZE, TOPK_N), jnp.int32),
        ],
    )(cand, blk_sorted)


def _sc_gather_candidates(blk_flat, score_rows):
    qp = Q_SIZE // NW
    rp = qp * TOPK_N
    chunk = 128

    mesh = plsc.VectorSubcoreMesh(core_axis_name="c", subcore_axis_name="s")

    @functools.partial(
        pl.kernel, mesh=mesh,
        out_type=jax.ShapeDtypeStruct((Q_SIZE * TOPK_N, BMIN), jnp.float32),
        scratch_types=[
            pltpu.VMEM((rp,), jnp.int32),
            pltpu.VMEM((chunk, BMIN), jnp.float32),
            pltpu.SemaphoreType.DMA,
        ],
    )
    def k(blk_hbm, srows_hbm, out_hbm, idx_v, rows_v, sem):
        wid = lax.axis_index("s") * NC + lax.axis_index("c")
        base = wid * rp
        pltpu.sync_copy(blk_hbm.at[pl.ds(base, rp)], idx_v)
        for j in range(qp):
            sl = pl.ds(TOPK_N * j, TOPK_N)
            idx_v[sl] = idx_v[sl] + (wid * qp + j) * NB
        for c in range(rp // chunk):
            pltpu.async_copy(
                srows_hbm.at[idx_v.at[pl.ds(c * chunk, chunk)]],
                rows_v, sem).wait()
            pltpu.sync_copy(rows_v, out_hbm.at[pl.ds(base + c * chunk, chunk)])

    return k(blk_flat, score_rows)


def _padmask_body(x_ref, o_ref):
    x = x_ref[...]
    o_ref[...] = jnp.concatenate(
        [x, jnp.zeros((x.shape[0], MASKW_PAD - MASKW), jnp.float32)], axis=1)


def _pad_masks(masks):
    rows = 2000
    return pl.pallas_call(
        _padmask_body,
        grid=(K_SIZE // rows,),
        in_specs=[pl.BlockSpec((rows, MASKW), lambda i: (i, 0))],
        out_specs=pl.BlockSpec((rows, MASKW_PAD), lambda i: (i, 0)),
        out_shape=jax.ShapeDtypeStruct((K_SIZE, MASKW_PAD), jnp.float32),
    )(masks)


def _sc_gather_masks(idx_flat, masks_pad):
    rows_total = Q_SIZE * TOPK_N
    rp = rows_total // NW
    chunk = 128

    mesh = plsc.VectorSubcoreMesh(core_axis_name="c", subcore_axis_name="s")

    @functools.partial(
        pl.kernel, mesh=mesh,
        out_type=jax.ShapeDtypeStruct((rows_total, MASKW_PAD), jnp.float32),
        scratch_types=[
            pltpu.VMEM((rp,), jnp.int32),
            pltpu.VMEM((chunk, MASKW_PAD), jnp.float32),
            pltpu.SemaphoreType.DMA,
        ],
    )
    def k(idx_hbm, masks_hbm, out_hbm, idx_v, rows_v, sem):
        wid = lax.axis_index("s") * NC + lax.axis_index("c")
        base = wid * rp
        pltpu.sync_copy(idx_hbm.at[pl.ds(base, rp)], idx_v)
        for j in range(rp // chunk):
            pltpu.async_copy(
                masks_hbm.at[idx_v.at[pl.ds(j * chunk, chunk)]],
                rows_v, sem).wait()
            pltpu.sync_copy(rows_v, out_hbm.at[pl.ds(base + j * chunk, chunk)])

    return k(idx_flat, masks_pad)


def kernel(query, memory_embeddings, memory_som_masks, W, b, k):
    del k
    b_row = b.reshape(1, D_SIZE)
    mem_pad = jnp.pad(memory_embeddings, ((0, K_PAD - K_SIZE), (0, 0)))
    masks_pad = _pad_masks(memory_som_masks)

    q_hyp, q_nsq = _project(query, W, b_row, Q_SIZE)
    m_hyp, m_nsq = _project(mem_pad, W, b_row, 1024)
    y_nsq_row = m_nsq.reshape(1, K_PAD)

    scores, bm4 = _scores(q_hyp, q_nsq, m_hyp, y_nsq_row)
    bm = jnp.transpose(bm4, (0, 2, 1, 3)).reshape(Q_SIZE, NB)
    bm_pad = jnp.pad(bm, ((0, 0), (0, NB_PAD - NB)))
    blk_sorted = _blocktop(bm_pad)

    score_rows = scores.reshape(Q_SIZE * NB, BMIN)
    cand = _sc_gather_candidates(blk_sorted.reshape(Q_SIZE * TOPK_N),
                                 score_rows)

    weights, top_idx = _final(cand.reshape(Q_SIZE, NCAND), blk_sorted)

    som_rows = _sc_gather_masks(top_idx.reshape(Q_SIZE * TOPK_N), masks_pad)
    som_hints = som_rows[:, :MASKW].reshape(Q_SIZE, TOPK_N, MASKW)
    return (weights, som_hints)

# --- scband reference (transcript-rebuilt; emitter-appended) ---
"""Pipeline reference for scband-hybrid-nexus-dynamic-72919954751572 (READ-ONLY COPY).

The authoritative reference and input builder live on the scoring server;
editing this copy changes nothing except your own understanding.
"""

import jax, jax.numpy as jnp
import numpy as np

Q = 1024
K = 100000
D = 128
MASK_W = 200
TOPK = 16


def _to_poincare(x, W, b):
    # project = Linear + Tanh, then rescale so norm < 0.95
    h = jnp.tanh(x @ W + b)
    norm = jnp.linalg.norm(h, axis=-1, keepdims=True)
    scale = jnp.where(norm > 0.95, 0.95 / norm, jnp.ones_like(norm))
    return h * scale


def _hyperbolic_distance(x, y):
    # Poincare-ball distance; ||x - y||^2 expanded algebraically to avoid
    # materializing the [Q, K, D] diff tensor (same math as the torch code)
    x_norm_sq = (x ** 2).sum(-1, keepdims=True)            # [Q, 1]
    y_norm_sq = (y ** 2).sum(-1)[None, :]                  # [1, K]
    xy = x @ y.T                                           # [Q, K]
    diff_norm_sq = jnp.maximum(x_norm_sq + y_norm_sq - 2.0 * xy, 0.0)
    denom = (1.0 - x_norm_sq) * (1.0 - y_norm_sq)
    arg = 1.0 + 2.0 * diff_norm_sq / (denom + 1e-08)
    return jnp.arccosh(jnp.clip(arg, 1.0 + 1e-06, None))


def setup_inputs(seed: int = 0) -> dict:
    key = jax.random.key(seed)
    k0, k1, k2, k3 = jax.random.split(key, 4)
    query = jax.random.normal(k0, (Q, D), dtype=jnp.float32)
    memory_embeddings = jax.random.normal(k1, (K, D), dtype=jnp.float32)
    memory_som_masks = jax.random.uniform(k2, (K, MASK_W), dtype=jnp.float32)
    # learned params of HyperbolicMemory.project (Linear(D, D) + Tanh)
    W = jax.random.normal(k3, (D, D), dtype=jnp.float32) * (1.0 / np.sqrt(D))
    b = jnp.zeros((D,), dtype=jnp.float32)
    return {
        "query": query,
        "memory_embeddings": memory_embeddings,
        "memory_som_masks": memory_som_masks,
        "W": W,
        "b": b,
        "k": TOPK,
    }


def reference(query, memory_embeddings, memory_som_masks, W, b, k):
    # HyperbolicMemory.retrieve: project query + memory bank into Poincare
    # ball, compute hyperbolic distances, take k nearest, softmax weights,
    # gather the stored SoM masks of the retrieved neighbors.
    query_hyp = _to_poincare(query, W, b)
    memory_hyp = _to_poincare(memory_embeddings, W, b)
    dists = _hyperbolic_distance(query_hyp, memory_hyp)   # [Q, K]
    k_residual = (jnp.asarray(k) - TOPK).astype(dists.dtype)  # always 0
    dists = dists + k_residual
    neg_top, top_indices = jax.lax.top_k(-dists, TOPK)    # k smallest dists
    top_dists = -neg_top                                   # [Q, k]
    weights = jax.nn.softmax(-top_dists, axis=-1)          # [Q, k]
    som_hints = memory_som_masks[top_indices]              # [Q, k, MASK_W]
    return (weights, som_hints)

if __name__ == "__main__":
    import jax
    _d = setup_inputs()
    print(jax.jit(kernel)(*tuple(_d.values())))

</pallas_src>

<mosaic_0001>
#map = affine_map<(d0, d1) -> (0)>
#map1 = affine_map<(d0, d1) -> (0, 0)>
module attributes {stable_mosaic.version = 14 : i64} {
  func.func @k(%arg0: i32, %arg1: i32, %arg2: memref<16384xi32, #tpu.memory_space<hbm>>, %arg3: memref<100000x256xf32, #tpu.memory_space<hbm>>, %arg4: memref<16384x256xf32, #tpu.memory_space<hbm>>, %arg5: memref<512xi32, #tpu.memory_space<vmem>>, %arg6: memref<128x256xf32, #tpu.memory_space<vmem>>, %arg7: memref<!tpu.dma_semaphore, #tpu.memory_space<semaphore_mem>>) attributes {dimension_semantics = [#tpu.dimension_semantics<core_parallel>, #tpu.dimension_semantics<subcore_parallel>], iteration_bounds = array<i64: 2, 16>, scalar_prefetch = 0 : i64, scratch_operands = 3 : i64, tpu.core_type = #tpu.core_type<sc_vector_subcore>, window_params = [{transform_indices = #map}, {transform_indices = #map1}, {transform_indices = #map1}]} {
    %mul3A = arith.constant 2 : i32
    %mul3A_0 = arith.muli %arg1, %mul3A : i32
    %add3A = arith.addi %mul3A_0, %arg0 : i32
    %mul3A_1 = arith.constant 512 : i32
    %mul3A_2 = arith.muli %add3A, %mul3A_1 : i32
    "tpu.region"() ({
      %run_scoped3A = tpu.sem_alloc : memref<!tpu.dma_semaphore, #tpu.memory_space<semaphore_mem>>
      %dma_start3A_49 = tpu.memref_slice %arg2[%mul3A_2] : memref<16384xi32, #tpu.memory_space<hbm>> -> memref<512xi32, #tpu.memory_space<hbm>>
      %dma_start3A_50 = tpu.memref_slice %arg2[%mul3A_2] : memref<16384xi32, #tpu.memory_space<hbm>> -> memref<512xi32, #tpu.memory_space<hbm>>
      tpu.enqueue_dma source(%dma_start3A_50 : memref<512xi32, #tpu.memory_space<hbm>>) target(%arg5 : memref<512xi32, #tpu.memory_space<vmem>>) target_semaphore(%run_scoped3A : memref<!tpu.dma_semaphore, #tpu.memory_space<semaphore_mem>>)
      %dma_wait3A_51 = tpu.memref_slice %arg2[%mul3A_2] : memref<16384xi32, #tpu.memory_space<hbm>> -> memref<512xi32, #tpu.memory_space<hbm>>
      %dma_wait3A_52 = tpu.memref_slice %arg2[%mul3A_2] : memref<16384xi32, #tpu.memory_space<hbm>> -> memref<512xi32, #tpu.memory_space<hbm>>
      tpu.wait_dma2 semaphore(%run_scoped3A : memref<!tpu.dma_semaphore, #tpu.memory_space<semaphore_mem>>) src(%dma_wait3A_52 : memref<512xi32, #tpu.memory_space<hbm>>) dst(%arg5 : memref<512xi32, #tpu.memory_space<vmem>>)
      tpu.yield
    }) : () -> ()
    %dma_start3A = arith.constant 0 : i32
    %dma_start3A_3 = tpu.memref_slice %arg5[%dma_start3A] : memref<512xi32, #tpu.memory_space<vmem>> -> memref<128xi32, #tpu.memory_space<vmem>>
    %dma_start3A_4 = arith.constant 0 : i32
    %dma_start3A_5 = arith.constant 0 : i32
    %dma_start3A_6 = tpu.memref_slice %arg3[%dma_start3A_4, %dma_start3A_5] : memref<100000x256xf32, #tpu.memory_space<hbm>> -> memref<100000x256xf32, #tpu.memory_space<hbm>>
    tpu.enqueue_indirect_dma source(%dma_start3A_6 : memref<100000x256xf32, #tpu.memory_space<hbm>>) target(%arg6 : memref<128x256xf32, #tpu.memory_space<vmem>>) offsets(%dma_start3A_3 : memref<128xi32, #tpu.memory_space<vmem>>) semaphore(%arg7 : memref<!tpu.dma_semaphore, #tpu.memory_space<semaphore_mem>>)
    %dma_wait3A = arith.constant 0 : i32
    %dma_wait3A_7 = tpu.memref_slice %arg5[%dma_wait3A] : memref<512xi32, #tpu.memory_space<vmem>> -> memref<128xi32, #tpu.memory_space<vmem>>
    %dma_wait3A_8 = arith.constant 0 : i32
    %dma_wait3A_9 = arith.constant 0 : i32
    %dma_wait3A_10 = tpu.memref_slice %arg3[%dma_wait3A_8, %dma_wait3A_9] : memref<100000x256xf32, #tpu.memory_space<hbm>> -> memref<100000x256xf32, #tpu.memory_space<hbm>>
    tpu.wait_indirect_dma semaphore(%arg7 : memref<!tpu.dma_semaphore, #tpu.memory_space<semaphore_mem>>) src(%dma_wait3A_10 : memref<100000x256xf32, #tpu.memory_space<hbm>>) dst(%arg6 : memref<128x256xf32, #tpu.memory_space<vmem>>)
    %add3A_11 = arith.constant 0 : i32
    %add3A_12 = arith.addi %mul3A_2, %add3A_11 : i32
    "tpu.region"() ({
      %run_scoped3A = tpu.sem_alloc : memref<!tpu.dma_semaphore, #tpu.memory_space<semaphore_mem>>
      %dma_start3A_49 = arith.constant 0 : i32
      %dma_start3A_50 = tpu.memref_slice %arg4[%add3A_12, %dma_start3A_49] : memref<16384x256xf32, #tpu.memory_space<hbm>> -> memref<128x256xf32, #tpu.memory_space<hbm>>
      %dma_start3A_51 = arith.constant 0 : i32
      %dma_start3A_52 = tpu.memref_slice %arg4[%add3A_12, %dma_start3A_51] : memref<16384x256xf32, #tpu.memory_space<hbm>> -> memref<128x256xf32, #tpu.memory_space<hbm>>
      tpu.enqueue_dma source(%arg6 : memref<128x256xf32, #tpu.memory_space<vmem>>) target(%dma_start3A_52 : memref<128x256xf32, #tpu.memory_space<hbm>>) target_semaphore(%run_scoped3A : memref<!tpu.dma_semaphore, #tpu.memory_space<semaphore_mem>>)
      %dma_wait3A_53 = arith.constant 0 : i32
      %dma_wait3A_54 = tpu.memref_slice %arg4[%add3A_12, %dma_wait3A_53] : memref<16384x256xf32, #tpu.memory_space<hbm>> -> memref<128x256xf32, #tpu.memory_space<hbm>>
      %dma_wait3A_55 = arith.constant 0 : i32
      %dma_wait3A_56 = tpu.memref_slice %arg4[%add3A_12, %dma_wait3A_55] : memref<16384x256xf32, #tpu.memory_space<hbm>> -> memref<128x256xf32, #tpu.memory_space<hbm>>
      tpu.wait_dma2 semaphore(%run_scoped3A : memref<!tpu.dma_semaphore, #tpu.memory_space<semaphore_mem>>) src(%arg6 : memref<128x256xf32, #tpu.memory_space<vmem>>) dst(%dma_wait3A_56 : memref<128x256xf32, #tpu.memory_space<hbm>>)
      tpu.yield
    }) : () -> ()
    %dma_start3A_13 = arith.constant 128 : i32
    %dma_start3A_14 = tpu.memref_slice %arg5[%dma_start3A_13] : memref<512xi32, #tpu.memory_space<vmem>> -> memref<128xi32, #tpu.memory_space<vmem>>
    %dma_start3A_15 = arith.constant 0 : i32
    %dma_start3A_16 = arith.constant 0 : i32
    %dma_start3A_17 = tpu.memref_slice %arg3[%dma_start3A_15, %dma_start3A_16] : memref<100000x256xf32, #tpu.memory_space<hbm>> -> memref<100000x256xf32, #tpu.memory_space<hbm>>
    tpu.enqueue_indirect_dma source(%dma_start3A_17 : memref<100000x256xf32, #tpu.memory_space<hbm>>) target(%arg6 : memref<128x256xf32, #tpu.memory_space<vmem>>) offsets(%dma_start3A_14 : memref<128xi32, #tpu.memory_space<vmem>>) semaphore(%arg7 : memref<!tpu.dma_semaphore, #tpu.memory_space<semaphore_mem>>)
    %dma_wait3A_18 = arith.constant 128 : i32
    %dma_wait3A_19 = tpu.memref_slice %arg5[%dma_wait3A_18] : memref<512xi32, #tpu.memory_space<vmem>> -> memref<128xi32, #tpu.memory_space<vmem>>
    %dma_wait3A_20 = arith.constant 0 : i32
    %dma_wait3A_21 = arith.constant 0 : i32
    %dma_wait3A_22 = tpu.memref_slice %arg3[%dma_wait3A_20, %dma_wait3A_21] : memref<100000x256xf32, #tpu.memory_space<hbm>> -> memref<100000x256xf32, #tpu.memory_space<hbm>>
    tpu.wait_indirect_dma semaphore(%arg7 : memref<!tpu.dma_semaphore, #tpu.memory_space<semaphore_mem>>) src(%dma_wait3A_22 : memref<100000x256xf32, #tpu.memory_space<hbm>>) dst(%arg6 : memref<128x256xf32, #tpu.memory_space<vmem>>)
    %add3A_23 = arith.constant 128 : i32
    %add3A_24 = arith.addi %mul3A_2, %add3A_23 : i32
    "tpu.region"() ({
      %run_scoped3A = tpu.sem_alloc : memref<!tpu.dma_semaphore, #tpu.memory_space<semaphore_mem>>
      %dma_start3A_49 = arith.constant 0 : i32
      %dma_start3A_50 = tpu.memref_slice %arg4[%add3A_24, %dma_start3A_49] : memref<16384x256xf32, #tpu.memory_space<hbm>> -> memref<128x256xf32, #tpu.memory_space<hbm>>
      %dma_start3A_51 = arith.constant 0 : i32
      %dma_start3A_52 = tpu.memref_slice %arg4[%add3A_24, %dma_start3A_51] : memref<16384x256xf32, #tpu.memory_space<hbm>> -> memref<128x256xf32, #tpu.memory_space<hbm>>
      tpu.enqueue_dma source(%arg6 : memref<128x256xf32, #tpu.memory_space<vmem>>) target(%dma_start3A_52 : memref<128x256xf32, #tpu.memory_space<hbm>>) target_semaphore(%run_scoped3A : memref<!tpu.dma_semaphore, #tpu.memory_space<semaphore_mem>>)
      %dma_wait3A_53 = arith.constant 0 : i32
      %dma_wait3A_54 = tpu.memref_slice %arg4[%add3A_24, %dma_wait3A_53] : memref<16384x256xf32, #tpu.memory_space<hbm>> -> memref<128x256xf32, #tpu.memory_space<hbm>>
      %dma_wait3A_55 = arith.constant 0 : i32
      %dma_wait3A_56 = tpu.memref_slice %arg4[%add3A_24, %dma_wait3A_55] : memref<16384x256xf32, #tpu.memory_space<hbm>> -> memref<128x256xf32, #tpu.memory_space<hbm>>
      tpu.wait_dma2 semaphore(%run_scoped3A : memref<!tpu.dma_semaphore, #tpu.memory_space<semaphore_mem>>) src(%arg6 : memref<128x256xf32, #tpu.memory_space<vmem>>) dst(%dma_wait3A_56 : memref<128x256xf32, #tpu.memory_space<hbm>>)
      tpu.yield
    }) : () -> ()
    %dma_start3A_25 = arith.constant 256 : i32
    %dma_start3A_26 = tpu.memref_slice %arg5[%dma_start3A_25] : memref<512xi32, #tpu.memory_space<vmem>> -> memref<128xi32, #tpu.memory_space<vmem>>
    %dma_start3A_27 = arith.constant 0 : i32
    %dma_start3A_28 = arith.constant 0 : i32
    %dma_start3A_29 = tpu.memref_slice %arg3[%dma_start3A_27, %dma_start3A_28] : memref<100000x256xf32, #tpu.memory_space<hbm>> -> memref<100000x256xf32, #tpu.memory_space<hbm>>
    tpu.enqueue_indirect_dma source(%dma_start3A_29 : memref<100000x256xf32, #tpu.memory_space<hbm>>) target(%arg6 : memref<128x256xf32, #tpu.memory_space<vmem>>) offsets(%dma_start3A_26 : memref<128xi32, #tpu.memory_space<vmem>>) semaphore(%arg7 : memref<!tpu.dma_semaphore, #tpu.memory_space<semaphore_mem>>)
    %dma_wait3A_30 = arith.constant 256 : i32
    %dma_wait3A_31 = tpu.memref_slice %arg5[%dma_wait3A_30] : memref<512xi32, #tpu.memory_space<vmem>> -> memref<128xi32, #tpu.memory_space<vmem>>
    %dma_wait3A_32 = arith.constant 0 : i32
    %dma_wait3A_33 = arith.constant 0 : i32
    %dma_wait3A_34 = tpu.memref_slice %arg3[%dma_wait3A_32, %dma_wait3A_33] : memref<100000x256xf32, #tpu.memory_space<hbm>> -> memref<100000x256xf32, #tpu.memory_space<hbm>>
    tpu.wait_indirect_dma semaphore(%arg7 : memref<!tpu.dma_semaphore, #tpu.memory_space<semaphore_mem>>) src(%dma_wait3A_34 : memref<100000x256xf32, #tpu.memory_space<hbm>>) dst(%arg6 : memref<128x256xf32, #tpu.memory_space<vmem>>)
    %add3A_35 = arith.constant 256 : i32
    %add3A_36 = arith.addi %mul3A_2, %add3A_35 : i32
    "tpu.region"() ({
      %run_scoped3A = tpu.sem_alloc : memref<!tpu.dma_semaphore, #tpu.memory_space<semaphore_mem>>
      %dma_start3A_49 = arith.constant 0 : i32
      %dma_start3A_50 = tpu.memref_slice %arg4[%add3A_36, %dma_start3A_49] : memref<16384x256xf32, #tpu.memory_space<hbm>> -> memref<128x256xf32, #tpu.memory_space<hbm>>
      %dma_start3A_51 = arith.constant 0 : i32
      %dma_start3A_52 = tpu.memref_slice %arg4[%add3A_36, %dma_start3A_51] : memref<16384x256xf32, #tpu.memory_space<hbm>> -> memref<128x256xf32, #tpu.memory_space<hbm>>
      tpu.enqueue_dma source(%arg6 : memref<128x256xf32, #tpu.memory_space<vmem>>) target(%dma_start3A_52 : memref<128x256xf32, #tpu.memory_space<hbm>>) target_semaphore(%run_scoped3A : memref<!tpu.dma_semaphore, #tpu.memory_space<semaphore_mem>>)
      %dma_wait3A_53 = arith.constant 0 : i32
      %dma_wait3A_54 = tpu.memref_slice %arg4[%add3A_36, %dma_wait3A_53] : memref<16384x256xf32, #tpu.memory_space<hbm>> -> memref<128x256xf32, #tpu.memory_space<hbm>>
      %dma_wait3A_55 = arith.constant 0 : i32
      %dma_wait3A_56 = tpu.memref_slice %arg4[%add3A_36, %dma_wait3A_55] : memref<16384x256xf32, #tpu.memory_space<hbm>> -> memref<128x256xf32, #tpu.memory_space<hbm>>
      tpu.wait_dma2 semaphore(%run_scoped3A : memref<!tpu.dma_semaphore, #tpu.memory_space<semaphore_mem>>) src(%arg6 : memref<128x256xf32, #tpu.memory_space<vmem>>) dst(%dma_wait3A_56 : memref<128x256xf32, #tpu.memory_space<hbm>>)
      tpu.yield
    }) : () -> ()
    %dma_start3A_37 = arith.constant 384 : i32
    %dma_start3A_38 = tpu.memref_slice %arg5[%dma_start3A_37] : memref<512xi32, #tpu.memory_space<vmem>> -> memref<128xi32, #tpu.memory_space<vmem>>
    %dma_start3A_39 = arith.constant 0 : i32
    %dma_start3A_40 = arith.constant 0 : i32
    %dma_start3A_41 = tpu.memref_slice %arg3[%dma_start3A_39, %dma_start3A_40] : memref<100000x256xf32, #tpu.memory_space<hbm>> -> memref<100000x256xf32, #tpu.memory_space<hbm>>
    tpu.enqueue_indirect_dma source(%dma_start3A_41 : memref<100000x256xf32, #tpu.memory_space<hbm>>) target(%arg6 : memref<128x256xf32, #tpu.memory_space<vmem>>) offsets(%dma_start3A_38 : memref<128xi32, #tpu.memory_space<vmem>>) semaphore(%arg7 : memref<!tpu.dma_semaphore, #tpu.memory_space<semaphore_mem>>)
    %dma_wait3A_42 = arith.constant 384 : i32
    %dma_wait3A_43 = tpu.memref_slice %arg5[%dma_wait3A_42] : memref<512xi32, #tpu.memory_space<vmem>> -> memref<128xi32, #tpu.memory_space<vmem>>
    %dma_wait3A_44 = arith.constant 0 : i32
    %dma_wait3A_45 = arith.constant 0 : i32
    %dma_wait3A_46 = tpu.memref_slice %arg3[%dma_wait3A_44, %dma_wait3A_45] : memref<100000x256xf32, #tpu.memory_space<hbm>> -> memref<100000x256xf32, #tpu.memory_space<hbm>>
    tpu.wait_indirect_dma semaphore(%arg7 : memref<!tpu.dma_semaphore, #tpu.memory_space<semaphore_mem>>) src(%dma_wait3A_46 : memref<100000x256xf32, #tpu.memory_space<hbm>>) dst(%arg6 : memref<128x256xf32, #tpu.memory_space<vmem>>)
    %add3A_47 = arith.constant 384 : i32
    %add3A_48 = arith.addi %mul3A_2, %add3A_47 : i32
    "tpu.region"() ({
      %run_scoped3A = tpu.sem_alloc : memref<!tpu.dma_semaphore, #tpu.memory_space<semaphore_mem>>
      %dma_start3A_49 = arith.constant 0 : i32
      %dma_start3A_50 = tpu.memref_slice %arg4[%add3A_48, %dma_start3A_49] : memref<16384x256xf32, #tpu.memory_space<hbm>> -> memref<128x256xf32, #tpu.memory_space<hbm>>
      %dma_start3A_51 = arith.constant 0 : i32
      %dma_start3A_52 = tpu.memref_slice %arg4[%add3A_48, %dma_start3A_51] : memref<16384x256xf32, #tpu.memory_space<hbm>> -> memref<128x256xf32, #tpu.memory_space<hbm>>
      tpu.enqueue_dma source(%arg6 : memref<128x256xf32, #tpu.memory_space<vmem>>) target(%dma_start3A_52 : memref<128x256xf32, #tpu.memory_space<hbm>>) target_semaphore(%run_scoped3A : memref<!tpu.dma_semaphore, #tpu.memory_space<semaphore_mem>>)
      %dma_wait3A_53 = arith.constant 0 : i32
      %dma_wait3A_54 = tpu.memref_slice %arg4[%add3A_48, %dma_wait3A_53] : memref<16384x256xf32, #tpu.memory_space<hbm>> -> memref<128x256xf32, #tpu.memory_space<hbm>>
      %dma_wait3A_55 = arith.constant 0 : i32
      %dma_wait3A_56 = tpu.memref_slice %arg4[%add3A_48, %dma_wait3A_55] : memref<16384x256xf32, #tpu.memory_space<hbm>> -> memref<128x256xf32, #tpu.memory_space<hbm>>
      tpu.wait_dma2 semaphore(%run_scoped3A : memref<!tpu.dma_semaphore, #tpu.memory_space<semaphore_mem>>) src(%arg6 : memref<128x256xf32, #tpu.memory_space<vmem>>) dst(%dma_wait3A_56 : memref<128x256xf32, #tpu.memory_space<hbm>>)
      tpu.yield
    }) : () -> ()
    return
  }
}

#map = affine_map<(d0, d1) -> (0)>
#map1 = affine_map<(d0, d1) -> (0, 0)>
module attributes {stable_mosaic.version = 14 : i64} {
  func.func @k(%arg0: i32, %arg1: i32, %arg2: memref<16384xi32, #tpu.memory_space<hbm>>, %arg3: memref<802816x128xf32, #tpu.memory_space<hbm>>, %arg4: memref<16384x128xf32, #tpu.memory_space<hbm>>, %arg5: memref<512xi32, #tpu.memory_space<vmem>>, %arg6: memref<128x128xf32, #tpu.memory_space<vmem>>, %arg7: memref<!tpu.dma_semaphore, #tpu.memory_space<semaphore_mem>>) attributes {dimension_semantics = [#tpu.dimension_semantics<core_parallel>, #tpu.dimension_semantics<subcore_parallel>], iteration_bounds = array<i64: 2, 16>, scalar_prefetch = 0 : i64, scratch_operands = 3 : i64, tpu.core_type = #tpu.core_type<sc_vector_subcore>, window_params = [{transform_indices = #map}, {transform_indices = #map1}, {transform_indices = #map1}]} {
    %mul3A = arith.constant 2 : i32
    %mul3A_0 = arith.muli %arg1, %mul3A : i32
    %add3A = arith.addi %mul3A_0, %arg0 : i32
    %mul3A_1 = arith.constant 512 : i32
    %mul3A_2 = arith.muli %add3A, %mul3A_1 : i32
    "tpu.region"() ({
      %run_scoped3A = tpu.sem_alloc : memref<!tpu.dma_semaphore, #tpu.memory_space<semaphore_mem>>
      %dma_start3A_527 = tpu.memref_slice %arg2[%mul3A_2] : memref<16384xi32, #tpu.memory_space<hbm>> -> memref<512xi32, #tpu.memory_space<hbm>>
      %dma_start3A_528 = tpu.memref_slice %arg2[%mul3A_2] : memref<16384xi32, #tpu.memory_space<hbm>> -> memref<512xi32, #tpu.memory_space<hbm>>
      tpu.enqueue_dma source(%dma_start3A_528 : memref<512xi32, #tpu.memory_space<hbm>>) target(%arg5 : memref<512xi32, #tpu.memory_space<vmem>>) target_semaphore(%run_scoped3A : memref<!tpu.dma_semaphore, #tpu.memory_space<semaphore_mem>>)
      %dma_wait3A_529 = tpu.memref_slice %arg2[%mul3A_2] : memref<16384xi32, #tpu.memory_space<hbm>> -> memref<512xi32, #tpu.memory_space<hbm>>
      %dma_wait3A_530 = tpu.memref_slice %arg2[%mul3A_2] : memref<16384xi32, #tpu.memory_space<hbm>> -> memref<512xi32, #tpu.memory_space<hbm>>
      tpu.wait_dma2 semaphore(%run_scoped3A : memref<!tpu.dma_semaphore, #tpu.memory_space<semaphore_mem>>) src(%dma_wait3A_530 : memref<512xi32, #tpu.memory_space<hbm>>) dst(%arg5 : memref<512xi32, #tpu.memory_space<vmem>>)
      tpu.yield
    }) : () -> ()
    %get3A = arith.constant 0 : index
    %get3A_3 = tpu.vector_load %arg5[%get3A] {strides = array<i32>} : memref<512xi32, #tpu.memory_space<vmem>>, vector<16xi32>,
    %get3A_4 = vector.shape_cast %get3A_3 : vector<16xi32> to vector<16xi32>
    %mul3A_5 = arith.constant 32 : i32
    %mul3A_6 = arith.muli %add3A, %mul3A_5 : i32
    %add3A_7 = arith.constant 0 : i32
    %add3A_8 = arith.addi %mul3A_6, %add3A_7 : i32
    %mul3A_9 = arith.constant 784 : i32
    %mul3A_10 = arith.muli %add3A_8, %mul3A_9 : i32
    %add3A_11 = vector.broadcast %mul3A_10 : i32 to vector<16xi32>
    %add3A_12 = arith.addi %get3A_4, %add3A_11 : vector<16xi32>
    %swap3A = arith.constant 0 : index
    %swap3A_13 = tpu.vector_load %arg5[%swap3A] {strides = array<i32>} : memref<512xi32, #tpu.memory_space<vmem>>, vector<16xi32>,
    %swap3A_14 = vector.shape_cast %swap3A_13 : vector<16xi32> to vector<16xi32>
    %swap3A_15 = vector.shape_cast %add3A_12 : vector<16xi32> to vector<16xi32>
    tpu.vector_store %arg5[%swap3A], %swap3A_15 {strides = array<i32>} : memref<512xi32, #tpu.memory_space<vmem>>, vector<16xi32>,
    %get3A_16 = arith.constant 16 : index
    %get3A_17 = tpu.vector_load %arg5[%get3A_16] {strides = array<i32>} : memref<512xi32, #tpu.memory_space<vmem>>, vector<16xi32>,
    %get3A_18 = vector.shape_cast %get3A_17 : vector<16xi32> to vector<16xi32>
    %mul3A_19 = arith.constant 32 : i32
    %mul3A_20 = arith.muli %add3A, %mul3A_19 : i32
    %add3A_21 = arith.constant 1 : i32
    %add3A_22 = arith.addi %mul3A_20, %add3A_21 : i32
    %mul3A_23 = arith.constant 784 : i32
    %mul3A_24 = arith.muli %add3A_22, %mul3A_23 : i32
    %add3A_25 = vector.broadcast %mul3A_24 : i32 to vector<16xi32>
    %add3A_26 = arith.addi %get3A_18, %add3A_25 : vector<16xi32>
    %swap3A_27 = arith.constant 16 : index
    %swap3A_28 = tpu.vector_load %arg5[%swap3A_27] {strides = array<i32>} : memref<512xi32, #tpu.memory_space<vmem>>, vector<16xi32>,
    %swap3A_29 = vector.shape_cast %swap3A_28 : vector<16xi32> to vector<16xi32>
    %swap3A_30 = vector.shape_cast %add3A_26 : vector<16xi32> to vector<16xi32>
    tpu.vector_store %arg5[%swap3A_27], %swap3A_30 {strides = array<i32>} : memref<512xi32, #tpu.memory_space<vmem>>, vector<16xi32>,
    %get3A_31 = arith.constant 32 : index
    %get3A_32 = tpu.vector_load %arg5[%get3A_31] {strides = array<i32>} : memref<512xi32, #tpu.memory_space<vmem>>, vector<16xi32>,
    %get3A_33 = vector.shape_cast %get3A_32 : vector<16xi32> to vector<16xi32>
    %mul3A_34 = arith.constant 32 : i32
    %mul3A_35 = arith.muli %add3A, %mul3A_34 : i32
    %add3A_36 = arith.constant 2 : i32
    %add3A_37 = arith.addi %mul3A_35, %add3A_36 : i32
    %mul3A_38 = arith.constant 784 : i32
    %mul3A_39 = arith.muli %add3A_37, %mul3A_38 : i32
    %add3A_40 = vector.broadcast %mul3A_39 : i32 to vector<16xi32>
    %add3A_41 = arith.addi %get3A_33, %add3A_40 : vector<16xi32>
    %swap3A_42 = arith.constant 32 : index
    %swap3A_43 = tpu.vector_load %arg5[%swap3A_42] {strides = array<i32>} : memref<512xi32, #tpu.memory_space<vmem>>, vector<16xi32>,
    %swap3A_44 = vector.shape_cast %swap3A_43 : vector<16xi32> to vector<16xi32>
    %swap3A_45 = vector.shape_cast %add3A_41 : vector<16xi32> to vector<16xi32>
    tpu.vector_store %arg5[%swap3A_42], %swap3A_45 {strides = array<i32>} : memref<512xi32, #tpu.memory_space<vmem>>, vector<16xi32>,
    %get3A_46 = arith.constant 48 : index
    %get3A_47 = tpu.vector_load %arg5[%get3A_46] {strides = array<i32>} : memref<512xi32, #tpu.memory_space<vmem>>, vector<16xi32>,
    %get3A_48 = vector.shape_cast %get3A_47 : vector<16xi32> to vector<16xi32>
    %mul3A_49 = arith.constant 32 : i32
    %mul3A_50 = arith.muli %add3A, %mul3A_49 : i32
    %add3A_51 = arith.constant 3 : i32
    %add3A_52 = arith.addi %mul3A_50, %add3A_51 : i32
    %mul3A_53 = arith.constant 784 : i32
    %mul3A_54 = arith.muli %add3A_52, %mul3A_53 : i32
    %add3A_55 = vector.broadcast %mul3A_54 : i32 to vector<16xi32>
    %add3A_56 = arith.addi %get3A_48, %add3A_55 : vector<16xi32>
    %swap3A_57 = arith.constant 48 : index
    %swap3A_58 = tpu.vector_load %arg5[%swap3A_57] {strides = array<i32>} : memref<512xi32, #tpu.memory_space<vmem>>, vector<16xi32>,
    %swap3A_59 = vector.shape_cast %swap3A_58 : vector<16xi32> to vector<16xi32>
    %swap3A_60 = vector.shape_cast %add3A_56 : vector<16xi32> to vector<16xi32>
    tpu.vector_store %arg5[%swap3A_57], %swap3A_60 {strides = array<i32>} : memref<512xi32, #tpu.memory_space<vmem>>, vector<16xi32>,
    %get3A_61 = arith.constant 64 : index
    %get3A_62 = tpu.vector_load %arg5[%get3A_61] {strides = array<i32>} : memref<512xi32, #tpu.memory_space<vmem>>, vector<16xi32>,
    %get3A_63 = vector.shape_cast %get3A_62 : vector<16xi32> to vector<16xi32>
    %mul3A_64 = arith.constant 32 : i32
    %mul3A_65 = arith.muli %add3A, %mul3A_64 : i32
    %add3A_66 = arith.constant 4 : i32
    %add3A_67 = arith.addi %mul3A_65, %add3A_66 : i32
    %mul3A_68 = arith.constant 784 : i32
    %mul3A_69 = arith.muli %add3A_67, %mul3A_68 : i32
    %add3A_70 = vector.broadcast %mul3A_69 : i32 to vector<16xi32>
    %add3A_71 = arith.addi %get3A_63, %add3A_70 : vector<16xi32>
    %swap3A_72 = arith.constant 64 : index
    %swap3A_73 = tpu.vector_load %arg5[%swap3A_72] {strides = array<i32>} : memref<512xi32, #tpu.memory_space<vmem>>, vector<16xi32>,
    %swap3A_74 = vector.shape_cast %swap3A_73 : vector<16xi32> to vector<16xi32>
    %swap3A_75 = vector.shape_cast %add3A_71 : vector<16xi32> to vector<16xi32>
    tpu.vector_store %arg5[%swap3A_72], %swap3A_75 {strides = array<i32>} : memref<512xi32, #tpu.memory_space<vmem>>, vector<16xi32>,
    %get3A_76 = arith.constant 80 : index
    %get3A_77 = tpu.vector_load %arg5[%get3A_76] {strides = array<i32>} : memref<512xi32, #tpu.memory_space<vmem>>, vector<16xi32>,
    %get3A_78 = vector.shape_cast %get3A_77 : vector<16xi32> to vector<16xi32>
    %mul3A_79 = arith.constant 32 : i32
    %mul3A_80 = arith.muli %add3A, %mul3A_79 : i32
    %add3A_81 = arith.constant 5 : i32
    %add3A_82 = arith.addi %mul3A_80, %add3A_81 : i32
    %mul3A_83 = arith.constant 784 : i32
    %mul3A_84 = arith.muli %add3A_82, %mul3A_83 : i32
    %add3A_85 = vector.broadcast %mul3A_84 : i32 to vector<16xi32>
    %add3A_86 = arith.addi %get3A_78, %add3A_85 : vector<16xi32>
    %swap3A_87 = arith.constant 80 : index
    %swap3A_88 = tpu.vector_load %arg5[%swap3A_87] {strides = array<i32>} : memref<512xi32, #tpu.memory_space<vmem>>, vector<16xi32>,
    %swap3A_89 = vector.shape_cast %swap3A_88 : vector<16xi32> to vector<16xi32>
    %swap3A_90 = vector.shape_cast %add3A_86 : vector<16xi32> to vector<16xi32>
    tpu.vector_store %arg5[%swap3A_87], %swap3A_90 {strides = array<i32>} : memref<512xi32, #tpu.memory_space<vmem>>, vector<16xi32>,
    %get3A_91 = arith.constant 96 : index
    %get3A_92 = tpu.vector_load %arg5[%get3A_91] {strides = array<i32>} : memref<512xi32, #tpu.memory_space<vmem>>, vector<16xi32>,
    %get3A_93 = vector.shape_cast %get3A_92 : vector<16xi32> to vector<16xi32>
    %mul3A_94 = arith.constant 32 : i32
    %mul3A_95 = arith.muli %add3A, %mul3A_94 : i32
    %add3A_96 = arith.constant 6 : i32
    %add3A_97 = arith.addi %mul3A_95, %add3A_96 : i32
    %mul3A_98 = arith.constant 784 : i32
    %mul3A_99 = arith.muli %add3A_97, %mul3A_98 : i32
    %add3A_100 = vector.broadcast %mul3A_99 : i32 to vector<16xi32>
    %add3A_101 = arith.addi %get3A_93, %add3A_100 : vector<16xi32>
    %swap3A_102 = arith.constant 96 : index
    %swap3A_103 = tpu.vector_load %arg5[%swap3A_102] {strides = array<i32>} : memref<512xi32, #tpu.memory_space<vmem>>, vector<16xi32>,
    %swap3A_104 = vector.shape_cast %swap3A_103 : vector<16xi32> to vector<16xi32>
    %swap3A_105 = vector.shape_cast %add3A_101 : vector<16xi32> to vector<16xi32>
    tpu.vector_store %arg5[%swap3A_102], %swap3A_105 {strides = array<i32>} : memref<512xi32, #tpu.memory_space<vmem>>, vector<16xi32>,
    %get3A_106 = arith.constant 112 : index
    %get3A_107 = tpu.vector_load %arg5[%get3A_106] {strides = array<i32>} : memref<512xi32, #tpu.memory_space<vmem>>, vector<16xi32>,
    %get3A_108 = vector.shape_cast %get3A_107 : vector<16xi32> to vector<16xi32>
    %mul3A_109 = arith.constant 32 : i32
    %mul3A_110 = arith.muli %add3A, %mul3A_109 : i32
    %add3A_111 = arith.constant 7 : i32
    %add3A_112 = arith.addi %mul3A_110, %add3A_111 : i32
    %mul3A_113 = arith.constant 784 : i32
    %mul3A_114 = arith.muli %add3A_112, %mul3A_113 : i32
    %add3A_115 = vector.broadcast %mul3A_114 : i32 to vector<16xi32>
    %add3A_116 = arith.addi %get3A_108, %add3A_115 : vector<16xi32>
    %swap3A_117 = arith.constant 112 : index
    %swap3A_118 = tpu.vector_load %arg5[%swap3A_117] {strides = array<i32>} : memref<512xi32, #tpu.memory_space<vmem>>, vector<16xi32>,
    %swap3A_119 = vector.shape_cast %swap3A_118 : vector<16xi32> to vector<16xi32>
    %swap3A_120 = vector.shape_cast %add3A_116 : vector<16xi32> to vector<16xi32>
    tpu.vector_store %arg5[%swap3A_117], %swap3A_120 {strides = array<i32>} : memref<512xi32, #tpu.memory_space<vmem>>, vector<16xi32>,
    %get3A_121 = arith.constant 128 : index
    %get3A_122 = tpu.vector_load %arg5[%get3A_121] {strides = array<i32>} : memref<512xi32, #tpu.memory_space<vmem>>, vector<16xi32>,
    %get3A_123 = vector.shape_cast %get3A_122 : vector<16xi32> to vector<16xi32>
    %mul3A_124 = arith.constant 32 : i32
    %mul3A_125 = arith.muli %add3A, %mul3A_124 : i32
    %add3A_126 = arith.constant 8 : i32
    %add3A_127 = arith.addi %mul3A_125, %add3A_126 : i32
    %mul3A_128 = arith.constant 784 : i32
    %mul3A_129 = arith.muli %add3A_127, %mul3A_128 : i32
    %add3A_130 = vector.broadcast %mul3A_129 : i32 to vector<16xi32>
    %add3A_131 = arith.addi %get3A_123, %add3A_130 : vector<16xi32>
    %swap3A_132 = arith.constant 128 : index
    %swap3A_133 = tpu.vector_load %arg5[%swap3A_132] {strides = array<i32>} : memref<512xi32, #tpu.memory_space<vmem>>, vector<16xi32>,
    %swap3A_134 = vector.shape_cast %swap3A_133 : vector<16xi32> to vector<16xi32>
    %swap3A_135 = vector.shape_cast %add3A_131 : vector<16xi32> to vector<16xi32>
    tpu.vector_store %arg5[%swap3A_132], %swap3A_135 {strides = array<i32>} : memref<512xi32, #tpu.memory_space<vmem>>, vector<16xi32>,
    %get3A_136 = arith.constant 144 : index
    %get3A_137 = tpu.vector_load %arg5[%get3A_136] {strides = array<i32>} : memref<512xi32, #tpu.memory_space<vmem>>, vector<16xi32>,
    %get3A_138 = vector.shape_cast %get3A_137 : vector<16xi32> to vector<16xi32>
    %mul3A_139 = arith.constant 32 : i32
    %mul3A_140 = arith.muli %add3A, %mul3A_139 : i32
    %add3A_141 = arith.constant 9 : i32
    %add3A_142 = arith.addi %mul3A_140, %add3A_141 : i32
    %mul3A_143 = arith.constant 784 : i32
    %mul3A_144 = arith.muli %add3A_142, %mul3A_143 : i32
    %add3A_145 = vector.broadcast %mul3A_144 : i32 to vector<16xi32>
    %add3A_146 = arith.addi %get3A_138, %add3A_145 : vector<16xi32>
    %swap3A_147 = arith.constant 144 : index
    %swap3A_148 = tpu.vector_load %arg5[%swap3A_147] {strides = array<i32>} : memref<512xi32, #tpu.memory_space<vmem>>, vector<16xi32>,
    %swap3A_149 = vector.shape_cast %swap3A_148 : vector<16xi32> to vector<16xi32>
    %swap3A_150 = vector.shape_cast %add3A_146 : vector<16xi32> to vector<16xi32>
    tpu.vector_store %arg5[%swap3A_147], %swap3A_150 {strides = array<i32>} : memref<512xi32, #tpu.memory_space<vmem>>, vector<16xi32>,
    %get3A_151 = arith.constant 160 : index
    %get3A_152 = tpu.vector_load %arg5[%get3A_151] {strides = array<i32>} : memref<512xi32, #tpu.memory_space<vmem>>, vector<16xi32>,
    %get3A_153 = vector.shape_cast %get3A_152 : vector<16xi32> to vector<16xi32>
    %mul3A_154 = arith.constant 32 : i32
    %mul3A_155 = arith.muli %add3A, %mul3A_154 : i32
    %add3A_156 = arith.constant 10 : i32
    %add3A_157 = arith.addi %mul3A_155, %add3A_156 : i32
    %mul3A_158 = arith.constant 784 : i32
    %mul3A_159 = arith.muli %add3A_157, %mul3A_158 : i32
    %add3A_160 = vector.broadcast %mul3A_159 : i32 to vector<16xi32>
    %add3A_161 = arith.addi %get3A_153, %add3A_160 : vector<16xi32>
    %swap3A_162 = arith.constant 160 : index
    %swap3A_163 = tpu.vector_load %arg5[%swap3A_162] {strides = array<i32>} : memref<512xi32, #tpu.memory_space<vmem>>, vector<16xi32>,
    %swap3A_164 = vector.shape_cast %swap3A_163 : vector<16xi32> to vector<16xi32>
    %swap3A_165 = vector.shape_cast %add3A_161 : vector<16xi32> to vector<16xi32>
    tpu.vector_store %arg5[%swap3A_162], %swap3A_165 {strides = array<i32>} : memref<512xi32, #tpu.memory_space<vmem>>, vector<16xi32>,
    %get3A_166 = arith.constant 176 : index
    %get3A_167 = tpu.vector_load %arg5[%get3A_166] {strides = array<i32>} : memref<512xi32, #tpu.memory_space<vmem>>, vector<16xi32>,
    %get3A_168 = vector.shape_cast %get3A_167 : vector<16xi32> to vector<16xi32>
    %mul3A_169 = arith.constant 32 : i32
    %mul3A_170 = arith.muli %add3A, %mul3A_169 : i32
    %add3A_171 = arith.constant 11 : i32
    %add3A_172 = arith.addi %mul3A_170, %add3A_171 : i32
    %mul3A_173 = arith.constant 784 : i32
    %mul3A_174 = arith.muli %add3A_172, %mul3A_173 : i32
    %add3A_175 = vector.broadcast %mul3A_174 : i32 to vector<16xi32>
    %add3A_176 = arith.addi %get3A_168, %add3A_175 : vector<16xi32>
    %swap3A_177 = arith.constant 176 : index
    %swap3A_178 = tpu.vector_load %arg5[%swap3A_177] {strides = array<i32>} : memref<512xi32, #tpu.memory_space<vmem>>, vector<16xi32>,
    %swap3A_179 = vector.shape_cast %swap3A_178 : vector<16xi32> to vector<16xi32>
    %swap3A_180 = vector.shape_cast %add3A_176 : vector<16xi32> to vector<16xi32>
    tpu.vector_store %arg5[%swap3A_177], %swap3A_180 {strides = array<i32>} : memref<512xi32, #tpu.memory_space<vmem>>, vector<16xi32>,
    %get3A_181 = arith.constant 192 : index
    %get3A_182 = tpu.vector_load %arg5[%get3A_181] {strides = array<i32>} : memref<512xi32, #tpu.memory_space<vmem>>, vector<16xi32>,
    %get3A_183 = vector.shape_cast %get3A_182 : vector<16xi32> to vector<16xi32>
    %mul3A_184 = arith.constant 32 : i32
    %mul3A_185 = arith.muli %add3A, %mul3A_184 : i32
    %add3A_186 = arith.constant 12 : i32
    %add3A_187 = arith.addi %mul3A_185, %add3A_186 : i32
    %mul3A_188 = arith.constant 784 : i32
    %mul3A_189 = arith.muli %add3A_187, %mul3A_188 : i32
    %add3A_190 = vector.broadcast %mul3A_189 : i32 to vector<16xi32>
    %add3A_191 = arith.addi %get3A_183, %add3A_190 : vector<16xi32>
    %swap3A_192 = arith.constant 192 : index
    %swap3A_193 = tpu.vector_load %arg5[%swap3A_192] {strides = array<i32>} : memref<512xi32, #tpu.memory_space<vmem>>, vector<16xi32>,
    %swap3A_194 = vector.shape_cast %swap3A_193 : vector<16xi32> to vector<16xi32>
    %swap3A_195 = vector.shape_cast %add3A_191 : vector<16xi32> to vector<16xi32>
    tpu.vector_store %arg5[%swap3A_192], %swap3A_195 {strides = array<i32>} : memref<512xi32, #tpu.memory_space<vmem>>, vector<16xi32>,
    %get3A_196 = arith.constant 208 : index
    %get3A_197 = tpu.vector_load %arg5[%get3A_196] {strides = array<i32>} : memref<512xi32, #tpu.memory_space<vmem>>, vector<16xi32>,
    %get3A_198 = vector.shape_cast %get3A_197 : vector<16xi32> to vector<16xi32>
    %mul3A_199 = arith.constant 32 : i32
    %mul3A_200 = arith.muli %add3A, %mul3A_199 : i32
    %add3A_201 = arith.constant 13 : i32
    %add3A_202 = arith.addi %mul3A_200, %add3A_201 : i32
    %mul3A_203 = arith.constant 784 : i32
    %mul3A_204 = arith.muli %add3A_202, %mul3A_203 : i32
    %add3A_205 = vector.broadcast %mul3A_204 : i32 to vector<16xi32>
    %add3A_206 = arith.addi %get3A_198, %add3A_205 : vector<16xi32>
    %swap3A_207 = arith.constant 208 : index
    %swap3A_208 = tpu.vector_load %arg5[%swap3A_207] {strides = array<i32>} : memref<512xi32, #tpu.memory_space<vmem>>, vector<16xi32>,
    %swap3A_209 = vector.shape_cast %swap3A_208 : vector<16xi32> to vector<16xi32>
    %swap3A_210 = vector.shape_cast %add3A_206 : vector<16xi32> to vector<16xi32>
    tpu.vector_store %arg5[%swap3A_207], %swap3A_210 {strides = array<i32>} : memref<512xi32, #tpu.memory_space<vmem>>, vector<16xi32>,
    %get3A_211 = arith.constant 224 : index
    %get3A_212 = tpu.vector_load %arg5[%get3A_211] {strides = array<i32>} : memref<512xi32, #tpu.memory_space<vmem>>, vector<16xi32>,
    %get3A_213 = vector.shape_cast %get3A_212 : vector<16xi32> to vector<16xi32>
    %mul3A_214 = arith.constant 32 : i32
    %mul3A_215 = arith.muli %add3A, %mul3A_214 : i32
    %add3A_216 = arith.constant 14 : i32
    %add3A_217 = arith.addi %mul3A_215, %add3A_216 : i32
    %mul3A_218 = arith.constant 784 : i32
    %mul3A_219 = arith.muli %add3A_217, %mul3A_218 : i32
    %add3A_220 = vector.broadcast %mul3A_219 : i32 to vector<16xi32>
    %add3A_221 = arith.addi %get3A_213, %add3A_220 : vector<16xi32>
    %swap3A_222 = arith.constant 224 : index
    %swap3A_223 = tpu.vector_load %arg5[%swap3A_222] {strides = array<i32>} : memref<512xi32, #tpu.memory_space<vmem>>, vector<16xi32>,
    %swap3A_224 = vector.shape_cast %swap3A_223 : vector<16xi32> to vector<16xi32>
    %swap3A_225 = vector.shape_cast %add3A_221 : vector<16xi32> to vector<16xi32>
    tpu.vector_store %arg5[%swap3A_222], %swap3A_225 {strides = array<i32>} : memref<512xi32, #tpu.memory_space<vmem>>, vector<16xi32>,
    %get3A_226 = arith.constant 240 : index
    %get3A_227 = tpu.vector_load %arg5[%get3A_226] {strides = array<i32>} : memref<512xi32, #tpu.memory_space<vmem>>, vector<16xi32>,
    %get3A_228 = vector.shape_cast %get3A_227 : vector<16xi32> to vector<16xi32>
    %mul3A_229 = arith.constant 32 : i32
    %mul3A_230 = arith.muli %add3A, %mul3A_229 : i32
    %add3A_231 = arith.constant 15 : i32
    %add3A_232 = arith.addi %mul3A_230, %add3A_231 : i32
    %mul3A_233 = arith.constant 784 : i32
    %mul3A_234 = arith.muli %add3A_232, %mul3A_233 : i32
    %add3A_235 = vector.broadcast %mul3A_234 : i32 to vector<16xi32>
    %add3A_236 = arith.addi %get3A_228, %add3A_235 : vector<16xi32>
    %swap3A_237 = arith.constant 240 : index
    %swap3A_238 = tpu.vector_load %arg5[%swap3A_237] {strides = array<i32>} : memref<512xi32, #tpu.memory_space<vmem>>, vector<16xi32>,
    %swap3A_239 = vector.shape_cast %swap3A_238 : vector<16xi32> to vector<16xi32>
    %swap3A_240 = vector.shape_cast %add3A_236 : vector<16xi32> to vector<16xi32>
    tpu.vector_store %arg5[%swap3A_237], %swap3A_240 {strides = array<i32>} : memref<512xi32, #tpu.memory_space<vmem>>, vector<16xi32>,
    %get3A_241 = arith.constant 256 : index
    %get3A_242 = tpu.vector_load %arg5[%get3A_241] {strides = array<i32>} : memref<512xi32, #tpu.memory_space<vmem>>, vector<16xi32>,
    %get3A_243 = vector.shape_cast %get3A_242 : vector<16xi32> to vector<16xi32>
    %mul3A_244 = arith.constant 32 : i32
    %mul3A_245 = arith.muli %add3A, %mul3A_244 : i32
    %add3A_246 = arith.constant 16 : i32
    %add3A_247 = arith.addi %mul3A_245, %add3A_246 : i32
    %mul3A_248 = arith.constant 784 : i32
    %mul3A_249 = arith.muli %add3A_247, %mul3A_248 : i32
    %add3A_250 = vector.broadcast %mul3A_249 : i32 to vector<16xi32>
    %add3A_251 = arith.addi %get3A_243, %add3A_250 : vector<16xi32>
    %swap3A_252 = arith.constant 256 : index
    %swap3A_253 = tpu.vector_load %arg5[%swap3A_252] {strides = array<i32>} : memref<512xi32, #tpu.memory_space<vmem>>, vector<16xi32>,
    %swap3A_254 = vector.shape_cast %swap3A_253 : vector<16xi32> to vector<16xi32>
    %swap3A_255 = vector.shape_cast %add3A_251 : vector<16xi32> to vector<16xi32>
    tpu.vector_store %arg5[%swap3A_252], %swap3A_255 {strides = array<i32>} : memref<512xi32, #tpu.memory_space<vmem>>, vector<16xi32>,
    %get3A_256 = arith.constant 272 : index
    %get3A_257 = tpu.vector_load %arg5[%get3A_256] {strides = array<i32>} : memref<512xi32, #tpu.memory_space<vmem>>, vector<16xi32>,
    %get3A_258 = vector.shape_cast %get3A_257 : vector<16xi32> to vector<16xi32>
    %mul3A_259 = arith.constant 32 : i32
    %mul3A_260 = arith.muli %add3A, %mul3A_259 : i32
    %add3A_261 = arith.constant 17 : i32
    %add3A_262 = arith.addi %mul3A_260, %add3A_261 : i32
    %mul3A_263 = arith.constant 784 : i32
    %mul3A_264 = arith.muli %add3A_262, %mul3A_263 : i32
    %add3A_265 = vector.broadcast %mul3A_264 : i32 to vector<16xi32>
    %add3A_266 = arith.addi %get3A_258, %add3A_265 : vector<16xi32>
    %swap3A_267 = arith.constant 272 : index
    %swap3A_268 = tpu.vector_load %arg5[%swap3A_267] {strides = array<i32>} : memref<512xi32, #tpu.memory_space<vmem>>, vector<16xi32>,
    %swap3A_269 = vector.shape_cast %swap3A_268 : vector<16xi32> to vector<16xi32>
    %swap3A_270 = vector.shape_cast %add3A_266 : vector<16xi32> to vector<16xi32>
    tpu.vector_store %arg5[%swap3A_267], %swap3A_270 {strides = array<i32>} : memref<512xi32, #tpu.memory_space<vmem>>, vector<16xi32>,
    %get3A_271 = arith.constant 288 : index
    %get3A_272 = tpu.vector_load %arg5[%get3A_271] {strides = array<i32>} : memref<512xi32, #tpu.memory_space<vmem>>, vector<16xi32>,
    %get3A_273 = vector.shape_cast %get3A_272 : vector<16xi32> to vector<16xi32>
    %mul3A_274 = arith.constant 32 : i32
    %mul3A_275 = arith.muli %add3A, %mul3A_274 : i32
    %add3A_276 = arith.constant 18 : i32
    %add3A_277 = arith.addi %mul3A_275, %add3A_276 : i32
    %mul3A_278 = arith.constant 784 : i32
    %mul3A_279 = arith.muli %add3A_277, %mul3A_278 : i32
    %add3A_280 = vector.broadcast %mul3A_279 : i32 to vector<16xi32>
    %add3A_281 = arith.addi %get3A_273, %add3A_280 : vector<16xi32>
    %swap3A_282 = arith.constant 288 : index
    %swap3A_283 = tpu.vector_load %arg5[%swap3A_282] {strides = array<i32>} : memref<512xi32, #tpu.memory_space<vmem>>, vector<16xi32>,
    %swap3A_284 = vector.shape_cast %swap3A_283 : vector<16xi32> to vector<16xi32>
    %swap3A_285 = vector.shape_cast %add3A_281 : vector<16xi32> to vector<16xi32>
    tpu.vector_store %arg5[%swap3A_282], %swap3A_285 {strides = array<i32>} : memref<512xi32, #tpu.memory_space<vmem>>, vector<16xi32>,
    %get3A_286 = arith.constant 304 : index
    %get3A_287 = tpu.vector_load %arg5[%get3A_286] {strides = array<i32>} : memref<512xi32, #tpu.memory_space<vmem>>, vector<16xi32>,
    %get3A_288 = vector.shape_cast %get3A_287 : vector<16xi32> to vector<16xi32>
    %mul3A_289 = arith.constant 32 : i32
    %mul3A_290 = arith.muli %add3A, %mul3A_289 : i32
    %add3A_291 = arith.constant 19 : i32
    %add3A_292 = arith.addi %mul3A_290, %add3A_291 : i32
    %mul3A_293 = arith.constant 784 : i32
    %mul3A_294 = arith.muli %add3A_292, %mul3A_293 : i32
    %add3A_295 = vector.broadcast %mul3A_294 : i32 to vector<16xi32>
    %add3A_296 = arith.addi %get3A_288, %add3A_295 : vector<16xi32>
    %swap3A_297 = arith.constant 304 : index
    %swap3A_298 = tpu.vector_load %arg5[%swap3A_297] {strides = array<i32>} : memref<512xi32, #tpu.memory_space<vmem>>, vector<16xi32>,
    %swap3A_299 = vector.shape_cast %swap3A_298 : vector<16xi32> to vector<16xi32>
    %swap3A_300 = vector.shape_cast %add3A_296 : vector<16xi32> to vector<16xi32>
    tpu.vector_store %arg5[%swap3A_297], %swap3A_300 {strides = array<i32>} : memref<512xi32, #tpu.memory_space<vmem>>, vector<16xi32>,
    %get3A_301 = arith.constant 320 : index
    %get3A_302 = tpu.vector_load %arg5[%get3A_301] {strides = array<i32>} : memref<512xi32, #tpu.memory_space<vmem>>, vector<16xi32>,
    %get3A_303 = vector.shape_cast %get3A_302 : vector<16xi32> to vector<16xi32>
    %mul3A_304 = arith.constant 32 : i32
    %mul3A_305 = arith.muli %add3A, %mul3A_304 : i32
    %add3A_306 = arith.constant 20 : i32
    %add3A_307 = arith.addi %mul3A_305, %add3A_306 : i32
    %mul3A_308 = arith.constant 784 : i32
    %mul3A_309 = arith.muli %add3A_307, %mul3A_308 : i32
    %add3A_310 = vector.broadcast %mul3A_309 : i32 to vector<16xi32>
    %add3A_311 = arith.addi %get3A_303, %add3A_310 : vector<16xi32>
    %swap3A_312 = arith.constant 320 : index
    %swap3A_313 = tpu.vector_load %arg5[%swap3A_312] {strides = array<i32>} : memref<512xi32, #tpu.memory_space<vmem>>, vector<16xi32>,
    %swap3A_314 = vector.shape_cast %swap3A_313 : vector<16xi32> to vector<16xi32>
    %swap3A_315 = vector.shape_cast %add3A_311 : vector<16xi32> to vector<16xi32>
    tpu.vector_store %arg5[%swap3A_312], %swap3A_315 {strides = array<i32>} : memref<512xi32, #tpu.memory_space<vmem>>, vector<16xi32>,
    %get3A_316 = arith.constant 336 : index
    %get3A_317 = tpu.vector_load %arg5[%get3A_316] {strides = array<i32>} : memref<512xi32, #tpu.memory_space<vmem>>, vector<16xi32>,
    %get3A_318 = vector.shape_cast %get3A_317 : vector<16xi32> to vector<16xi32>
    %mul3A_319 = arith.constant 32 : i32
    %mul3A_320 = arith.muli %add3A, %mul3A_319 : i32
    %add3A_321 = arith.constant 21 : i32
    %add3A_322 = arith.addi %mul3A_320, %add3A_321 : i32
    %mul3A_323 = arith.constant 784 : i32
    %mul3A_324 = arith.muli %add3A_322, %mul3A_323 : i32
    %add3A_325 = vector.broadcast %mul3A_324 : i32 to vector<16xi32>
    %add3A_326 = arith.addi %get3A_318, %add3A_325 : vector<16xi32>
    %swap3A_327 = arith.constant 336 : index
    %swap3A_328 = tpu.vector_load %arg5[%swap3A_327] {strides = array<i32>} : memref<512xi32, #tpu.memory_space<vmem>>, vector<16xi32>,
    %swap3A_329 = vector.shape_cast %swap3A_328 : vector<16xi32> to vector<16xi32>
    %swap3A_330 = vector.shape_cast %add3A_326 : vector<16xi32> to vector<16xi32>
    tpu.vector_store %arg5[%swap3A_327], %swap3A_330 {strides = array<i32>} : memref<512xi32, #tpu.memory_space<vmem>>, vector<16xi32>,
    %get3A_331 = arith.constant 352 : index
    %get3A_332 = tpu.vector_load %arg5[%get3A_331] {strides = array<i32>} : memref<512xi32, #tpu.memory_space<vmem>>, vector<16xi32>,
    %get3A_333 = vector.shape_cast %get3A_332 : vector<16xi32> to vector<16xi32>
    %mul3A_334 = arith.constant 32 : i32
    %mul3A_335 = arith.muli %add3A, %mul3A_334 : i32
    %add3A_336 = arith.constant 22 : i32
    %add3A_337 = arith.addi %mul3A_335, %add3A_336 : i32
    %mul3A_338 = arith.constant 784 : i32
    %mul3A_339 = arith.muli %add3A_337, %mul3A_338 : i32
    %add3A_340 = vector.broadcast %mul3A_339 : i32 to vector<16xi32>
    %add3A_341 = arith.addi %get3A_333, %add3A_340 : vector<16xi32>
    %swap3A_342 = arith.constant 352 : index
    %swap3A_343 = tpu.vector_load %arg5[%swap3A_342] {strides = array<i32>} : memref<512xi32, #tpu.memory_space<vmem>>, vector<16xi32>,
    %swap3A_344 = vector.shape_cast %swap3A_343 : vector<16xi32> to vector<16xi32>
    %swap3A_345 = vector.shape_cast %add3A_341 : vector<16xi32> to vector<16xi32>
    tpu.vector_store %arg5[%swap3A_342], %swap3A_345 {strides = array<i32>} : memref<512xi32, #tpu.memory_space<vmem>>, vector<16xi32>,
    %get3A_346 = arith.constant 368 : index
    %get3A_347 = tpu.vector_load %arg5[%get3A_346] {strides = array<i32>} : memref<512xi32, #tpu.memory_space<vmem>>, vector<16xi32>,
    %get3A_348 = vector.shape_cast %get3A_347 : vector<16xi32> to vector<16xi32>
    %mul3A_349 = arith.constant 32 : i32
    %mul3A_350 = arith.muli %add3A, %mul3A_349 : i32
    %add3A_351 = arith.constant 23 : i32
    %add3A_352 = arith.addi %mul3A_350, %add3A_351 : i32
    %mul3A_353 = arith.constant 784 : i32
    %mul3A_354 = arith.muli %add3A_352, %mul3A_353 : i32
    %add3A_355 = vector.broadcast %mul3A_354 : i32 to vector<16xi32>
    %add3A_356 = arith.addi %get3A_348, %add3A_355 : vector<16xi32>
    %swap3A_357 = arith.constant 368 : index
    %swap3A_358 = tpu.vector_load %arg5[%swap3A_357] {strides = array<i32>} : memref<512xi32, #tpu.memory_space<vmem>>, vector<16xi32>,
    %swap3A_359 = vector.shape_cast %swap3A_358 : vector<16xi32> to vector<16xi32>
    %swap3A_360 = vector.shape_cast %add3A_356 : vector<16xi32> to vector<16xi32>
    tpu.vector_store %arg5[%swap3A_357], %swap3A_360 {strides = array<i32>} : memref<512xi32, #tpu.memory_space<vmem>>, vector<16xi32>,
    %get3A_361 = arith.constant 384 : index
    %get3A_362 = tpu.vector_load %arg5[%get3A_361] {strides = array<i32>} : memref<512xi32, #tpu.memory_space<vmem>>, vector<16xi32>,
    %get3A_363 = vector.shape_cast %get3A_362 : vector<16xi32> to vector<16xi32>
    %mul3A_364 = arith.constant 32 : i32
    %mul3A_365 = arith.muli %add3A, %mul3A_364 : i32
    %add3A_366 = arith.constant 24 : i32
    %add3A_367 = arith.addi %mul3A_365, %add3A_366 : i32
    %mul3A_368 = arith.constant 784 : i32
    %mul3A_369 = arith.muli %add3A_367, %mul3A_368 : i32
    %add3A_370 = vector.broadcast %mul3A_369 : i32 to vector<16xi32>
    %add3A_371 = arith.addi %get3A_363, %add3A_370 : vector<16xi32>
    %swap3A_372 = arith.constant 384 : index
    %swap3A_373 = tpu.vector_load %arg5[%swap3A_372] {strides = array<i32>} : memref<512xi32, #tpu.memory_space<vmem>>, vector<16xi32>,
    %swap3A_374 = vector.shape_cast %swap3A_373 : vector<16xi32> to vector<16xi32>
    %swap3A_375 = vector.shape_cast %add3A_371 : vector<16xi32> to vector<16xi32>
    tpu.vector_store %arg5[%swap3A_372], %swap3A_375 {strides = array<i32>} : memref<512xi32, #tpu.memory_space<vmem>>, vector<16xi32>,
    %get3A_376 = arith.constant 400 : index
    %get3A_377 = tpu.vector_load %arg5[%get3A_376] {strides = array<i32>} : memref<512xi32, #tpu.memory_space<vmem>>, vector<16xi32>,
    %get3A_378 = vector.shape_cast %get3A_377 : vector<16xi32> to vector<16xi32>
    %mul3A_379 = arith.constant 32 : i32
    %mul3A_380 = arith.muli %add3A, %mul3A_379 : i32
    %add3A_381 = arith.constant 25 : i32
    %add3A_382 = arith.addi %mul3A_380, %add3A_381 : i32
    %mul3A_383 = arith.constant 784 : i32
    %mul3A_384 = arith.muli %add3A_382, %mul3A_383 : i32
    %add3A_385 = vector.broadcast %mul3A_384 : i32 to vector<16xi32>
    %add3A_386 = arith.addi %get3A_378, %add3A_385 : vector<16xi32>
    %swap3A_387 = arith.constant 400 : index
    %swap3A_388 = tpu.vector_load %arg5[%swap3A_387] {strides = array<i32>} : memref<512xi32, #tpu.memory_space<vmem>>, vector<16xi32>,
    %swap3A_389 = vector.shape_cast %swap3A_388 : vector<16xi32> to vector<16xi32>
    %swap3A_390 = vector.shape_cast %add3A_386 : vector<16xi32> to vector<16xi32>
    tpu.vector_store %arg5[%swap3A_387], %swap3A_390 {strides = array<i32>} : memref<512xi32, #tpu.memory_space<vmem>>, vector<16xi32>,
    %get3A_391 = arith.constant 416 : index
    %get3A_392 = tpu.vector_load %arg5[%get3A_391] {strides = array<i32>} : memref<512xi32, #tpu.memory_space<vmem>>, vector<16xi32>,
    %get3A_393 = vector.shape_cast %get3A_392 : vector<16xi32> to vector<16xi32>
    %mul3A_394 = arith.constant 32 : i32
    %mul3A_395 = arith.muli %add3A, %mul3A_394 : i32
    %add3A_396 = arith.constant 26 : i32
    %add3A_397 = arith.addi %mul3A_395, %add3A_396 : i32
    %mul3A_398 = arith.constant 784 : i32
    %mul3A_399 = arith.muli %add3A_397, %mul3A_398 : i32
    %add3A_400 = vector.broadcast %mul3A_399 : i32 to vector<16xi32>
    %add3A_401 = arith.addi %get3A_393, %add3A_400 : vector<16xi32>
    %swap3A_402 = arith.constant 416 : index
    %swap3A_403 = tpu.vector_load %arg5[%swap3A_402] {strides = array<i32>} : memref<512xi32, #tpu.memory_space<vmem>>, vector<16xi32>,
    %swap3A_404 = vector.shape_cast %swap3A_403 : vector<16xi32> to vector<16xi32>
    %swap3A_405 = vector.shape_cast %add3A_401 : vector<16xi32> to vector<16xi32>
    tpu.vector_store %arg5[%swap3A_402], %swap3A_405 {strides = array<i32>} : memref<512xi32, #tpu.memory_space<vmem>>, vector<16xi32>,
    %get3A_406 = arith.constant 432 : index
    %get3A_407 = tpu.vector_load %arg5[%get3A_406] {strides = array<i32>} : memref<512xi32, #tpu.memory_space<vmem>>, vector<16xi32>,
    %get3A_408 = vector.shape_cast %get3A_407 : vector<16xi32> to vector<16xi32>
    %mul3A_409 = arith.constant 32 : i32
    %mul3A_410 = arith.muli %add3A, %mul3A_409 : i32
    %add3A_411 = arith.constant 27 : i32
    %add3A_412 = arith.addi %mul3A_410, %add3A_411 : i32
    %mul3A_413 = arith.constant 784 : i32
    %mul3A_414 = arith.muli %add3A_412, %mul3A_413 : i32
    %add3A_415 = vector.broadcast %mul3A_414 : i32 to vector<16xi32>
    %add3A_416 = arith.addi %get3A_408, %add3A_415 : vector<16xi32>
    %swap3A_417 = arith.constant 432 : index
    %swap3A_418 = tpu.vector_load %arg5[%swap3A_417] {strides = array<i32>} : memref<512xi32, #tpu.memory_space<vmem>>, vector<16xi32>,
    %swap3A_419 = vector.shape_cast %swap3A_418 : vector<16xi32> to vector<16xi32>
    %swap3A_420 = vector.shape_cast %add3A_416 : vector<16xi32> to vector<16xi32>
    tpu.vector_store %arg5[%swap3A_417], %swap3A_420 {strides = array<i32>} : memref<512xi32, #tpu.memory_space<vmem>>, vector<16xi32>,
    %get3A_421 = arith.constant 448 : index
    %get3A_422 = tpu.vector_load %arg5[%get3A_421] {strides = array<i32>} : memref<512xi32, #tpu.memory_space<vmem>>, vector<16xi32>,
    %get3A_423 = vector.shape_cast %get3A_422 : vector<16xi32> to vector<16xi32>
    %mul3A_424 = arith.constant 32 : i32
    %mul3A_425 = arith.muli %add3A, %mul3A_424 : i32
    %add3A_426 = arith.constant 28 : i32
    %add3A_427 = arith.addi %mul3A_425, %add3A_426 : i32
    %mul3A_428 = arith.constant 784 : i32
    %mul3A_429 = arith.muli %add3A_427, %mul3A_428 : i32
    %add3A_430 = vector.broadcast %mul3A_429 : i32 to vector<16xi32>
    %add3A_431 = arith.addi %get3A_423, %add3A_430 : vector<16xi32>
    %swap3A_432 = arith.constant 448 : index
    %swap3A_433 = tpu.vector_load %arg5[%swap3A_432] {strides = array<i32>} : memref<512xi32, #tpu.memory_space<vmem>>, vector<16xi32>,
    %swap3A_434 = vector.shape_cast %swap3A_433 : vector<16xi32> to vector<16xi32>
    %swap3A_435 = vector.shape_cast %add3A_431 : vector<16xi32> to vector<16xi32>
    tpu.vector_store %arg5[%swap3A_432], %swap3A_435 {strides = array<i32>} : memref<512xi32, #tpu.memory_space<vmem>>, vector<16xi32>,
    %get3A_436 = arith.constant 464 : index
    %get3A_437 = tpu.vector_load %arg5[%get3A_436] {strides = array<i32>} : memref<512xi32, #tpu.memory_space<vmem>>, vector<16xi32>,
    %get3A_438 = vector.shape_cast %get3A_437 : vector<16xi32> to vector<16xi32>
    %mul3A_439 = arith.constant 32 : i32
    %mul3A_440 = arith.muli %add3A, %mul3A_439 : i32
    %add3A_441 = arith.constant 29 : i32
    %add3A_442 = arith.addi %mul3A_440, %add3A_441 : i32
    %mul3A_443 = arith.constant 784 : i32
    %mul3A_444 = arith.muli %add3A_442, %mul3A_443 : i32
    %add3A_445 = vector.broadcast %mul3A_444 : i32 to vector<16xi32>
    %add3A_446 = arith.addi %get3A_438, %add3A_445 : vector<16xi32>
    %swap3A_447 = arith.constant 464 : index
    %swap3A_448 = tpu.vector_load %arg5[%swap3A_447] {strides = array<i32>} : memref<512xi32, #tpu.memory_space<vmem>>, vector<16xi32>,
    %swap3A_449 = vector.shape_cast %swap3A_448 : vector<16xi32> to vector<16xi32>
    %swap3A_450 = vector.shape_cast %add3A_446 : vector<16xi32> to vector<16xi32>
    tpu.vector_store %arg5[%swap3A_447], %swap3A_450 {strides = array<i32>} : memref<512xi32, #tpu.memory_space<vmem>>, vector<16xi32>,
    %get3A_451 = arith.constant 480 : index
    %get3A_452 = tpu.vector_load %arg5[%get3A_451] {strides = array<i32>} : memref<512xi32, #tpu.memory_space<vmem>>, vector<16xi32>,
    %get3A_453 = vector.shape_cast %get3A_452 : vector<16xi32> to vector<16xi32>
    %mul3A_454 = arith.constant 32 : i32
    %mul3A_455 = arith.muli %add3A, %mul3A_454 : i32
    %add3A_456 = arith.constant 30 : i32
    %add3A_457 = arith.addi %mul3A_455, %add3A_456 : i32
    %mul3A_458 = arith.constant 784 : i32
    %mul3A_459 = arith.muli %add3A_457, %mul3A_458 : i32
    %add3A_460 = vector.broadcast %mul3A_459 : i32 to vector<16xi32>
    %add3A_461 = arith.addi %get3A_453, %add3A_460 : vector<16xi32>
    %swap3A_462 = arith.constant 480 : index
    %swap3A_463 = tpu.vector_load %arg5[%swap3A_462] {strides = array<i32>} : memref<512xi32, #tpu.memory_space<vmem>>, vector<16xi32>,
    %swap3A_464 = vector.shape_cast %swap3A_463 : vector<16xi32> to vector<16xi32>
    %swap3A_465 = vector.shape_cast %add3A_461 : vector<16xi32> to vector<16xi32>
    tpu.vector_store %arg5[%swap3A_462], %swap3A_465 {strides = array<i32>} : memref<512xi32, #tpu.memory_space<vmem>>, vector<16xi32>,
    %get3A_466 = arith.constant 496 : index
    %get3A_467 = tpu.vector_load %arg5[%get3A_466] {strides = array<i32>} : memref<512xi32, #tpu.memory_space<vmem>>, vector<16xi32>,
    %get3A_468 = vector.shape_cast %get3A_467 : vector<16xi32> to vector<16xi32>
    %mul3A_469 = arith.constant 32 : i32
    %mul3A_470 = arith.muli %add3A, %mul3A_469 : i32
    %add3A_471 = arith.constant 31 : i32
    %add3A_472 = arith.addi %mul3A_470, %add3A_471 : i32
    %mul3A_473 = arith.constant 784 : i32
    %mul3A_474 = arith.muli %add3A_472, %mul3A_473 : i32
    %add3A_475 = vector.broadcast %mul3A_474 : i32 to vector<16xi32>
    %add3A_476 = arith.addi %get3A_468, %add3A_475 : vector<16xi32>
    %swap3A_477 = arith.constant 496 : index
    %swap3A_478 = tpu.vector_load %arg5[%swap3A_477] {strides = array<i32>} : memref<512xi32, #tpu.memory_space<vmem>>, vector<16xi32>,
    %swap3A_479 = vector.shape_cast %swap3A_478 : vector<16xi32> to vector<16xi32>
    %swap3A_480 = vector.shape_cast %add3A_476 : vector<16xi32> to vector<16xi32>
    tpu.vector_store %arg5[%swap3A_477], %swap3A_480 {strides = array<i32>} : memref<512xi32, #tpu.memory_space<vmem>>, vector<16xi32>,
    %dma_start3A = arith.constant 0 : i32
    %dma_start3A_481 = tpu.memref_slice %arg5[%dma_start3A] : memref<512xi32, #tpu.memory_space<vmem>> -> memref<128xi32, #tpu.memory_space<vmem>>
    %dma_start3A_482 = arith.constant 0 : i32
    %dma_start3A_483 = arith.constant 0 : i32
    %dma_start3A_484 = tpu.memref_slice %arg3[%dma_start3A_482, %dma_start3A_483] : memref<802816x128xf32, #tpu.memory_space<hbm>> -> memref<802816x128xf32, #tpu.memory_space<hbm>>
    tpu.enqueue_indirect_dma source(%dma_start3A_484 : memref<802816x128xf32, #tpu.memory_space<hbm>>) target(%arg6 : memref<128x128xf32, #tpu.memory_space<vmem>>) offsets(%dma_start3A_481 : memref<128xi32, #tpu.memory_space<vmem>>) semaphore(%arg7 : memref<!tpu.dma_semaphore, #tpu.memory_space<semaphore_mem>>)
    %dma_wait3A = arith.constant 0 : i32
    %dma_wait3A_485 = tpu.memref_slice %arg5[%dma_wait3A] : memref<512xi32, #tpu.memory_space<vmem>> -> memref<128xi32, #tpu.memory_space<vmem>>
    %dma_wait3A_486 = arith.constant 0 : i32
    %dma_wait3A_487 = arith.constant 0 : i32
    %dma_wait3A_488 = tpu.memref_slice %arg3[%dma_wait3A_486, %dma_wait3A_487] : memref<802816x128xf32, #tpu.memory_space<hbm>> -> memref<802816x128xf32, #tpu.memory_space<hbm>>
    tpu.wait_indirect_dma semaphore(%arg7 : memref<!tpu.dma_semaphore, #tpu.memory_space<semaphore_mem>>) src(%dma_wait3A_488 : memref<802816x128xf32, #tpu.memory_space<hbm>>) dst(%arg6 : memref<128x128xf32, #tpu.memory_space<vmem>>)
    %add3A_489 = arith.constant 0 : i32
    %add3A_490 = arith.addi %mul3A_2, %add3A_489 : i32
    "tpu.region"() ({
      %run_scoped3A = tpu.sem_alloc : memref<!tpu.dma_semaphore, #tpu.memory_space<semaphore_mem>>
      %dma_start3A_527 = arith.constant 0 : i32
      %dma_start3A_528 = tpu.memref_slice %arg4[%add3A_490, %dma_start3A_527] : memref<16384x128xf32, #tpu.memory_space<hbm>> -> memref<128x128xf32, #tpu.memory_space<hbm>>
      %dma_start3A_529 = arith.constant 0 : i32
      %dma_start3A_530 = tpu.memref_slice %arg4[%add3A_490, %dma_start3A_529] : memref<16384x128xf32, #tpu.memory_space<hbm>> -> memref<128x128xf32, #tpu.memory_space<hbm>>
      tpu.enqueue_dma source(%arg6 : memref<128x128xf32, #tpu.memory_space<vmem>>) target(%dma_start3A_530 : memref<128x128xf32, #tpu.memory_space<hbm>>) target_semaphore(%run_scoped3A : memref<!tpu.dma_semaphore, #tpu.memory_space<semaphore_mem>>)
      %dma_wait3A_531 = arith.constant 0 : i32
      %dma_wait3A_532 = tpu.memref_slice %arg4[%add3A_490, %dma_wait3A_531] : memref<16384x128xf32, #tpu.memory_space<hbm>> -> memref<128x128xf32, #tpu.memory_space<hbm>>
      %dma_wait3A_533 = arith.constant 0 : i32
      %dma_wait3A_534 = tpu.memref_slice %arg4[%add3A_490, %dma_wait3A_533] : memref<16384x128xf32, #tpu.memory_space<hbm>> -> memref<128x128xf32, #tpu.memory_space<hbm>>
      tpu.wait_dma2 semaphore(%run_scoped3A : memref<!tpu.dma_semaphore, #tpu.memory_space<semaphore_mem>>) src(%arg6 : memref<128x128xf32, #tpu.memory_space<vmem>>) dst(%dma_wait3A_534 : memref<128x128xf32, #tpu.memory_space<hbm>>)
      tpu.yield
    }) : () -> ()
    %dma_start3A_491 = arith.constant 128 : i32
    %dma_start3A_492 = tpu.memref_slice %arg5[%dma_start3A_491] : memref<512xi32, #tpu.memory_space<vmem>> -> memref<128xi32, #tpu.memory_space<vmem>>
    %dma_start3A_493 = arith.constant 0 : i32
    %dma_start3A_494 = arith.constant 0 : i32
    %dma_start3A_495 = tpu.memref_slice %arg3[%dma_start3A_493, %dma_start3A_494] : memref<802816x128xf32, #tpu.memory_space<hbm>> -> memref<802816x128xf32, #tpu.memory_space<hbm>>
    tpu.enqueue_indirect_dma source(%dma_start3A_495 : memref<802816x128xf32, #tpu.memory_space<hbm>>) target(%arg6 : memref<128x128xf32, #tpu.memory_space<vmem>>) offsets(%dma_start3A_492 : memref<128xi32, #tpu.memory_space<vmem>>) semaphore(%arg7 : memref<!tpu.dma_semaphore, #tpu.memory_space<semaphore_mem>>)
    %dma_wait3A_496 = arith.constant 128 : i32
    %dma_wait3A_497 = tpu.memref_slice %arg5[%dma_wait3A_496] : memref<512xi32, #tpu.memory_space<vmem>> -> memref<128xi32, #tpu.memory_space<vmem>>
    %dma_wait3A_498 = arith.constant 0 : i32
    %dma_wait3A_499 = arith.constant 0 : i32
    %dma_wait3A_500 = tpu.memref_slice %arg3[%dma_wait3A_498, %dma_wait3A_499] : memref<802816x128xf32, #tpu.memory_space<hbm>> -> memref<802816x128xf32, #tpu.memory_space<hbm>>
    tpu.wait_indirect_dma semaphore(%arg7 : memref<!tpu.dma_semaphore, #tpu.memory_space<semaphore_mem>>) src(%dma_wait3A_500 : memref<802816x128xf32, #tpu.memory_space<hbm>>) dst(%arg6 : memref<128x128xf32, #tpu.memory_space<vmem>>)
    %add3A_501 = arith.constant 128 : i32
    %add3A_502 = arith.addi %mul3A_2, %add3A_501 : i32
    "tpu.region"() ({
      %run_scoped3A = tpu.sem_alloc : memref<!tpu.dma_semaphore, #tpu.memory_space<semaphore_mem>>
      %dma_start3A_527 = arith.constant 0 : i32
      %dma_start3A_528 = tpu.memref_slice %arg4[%add3A_502, %dma_start3A_527] : memref<16384x128xf32, #tpu.memory_space<hbm>> -> memref<128x128xf32, #tpu.memory_space<hbm>>
      %dma_start3A_529 = arith.constant 0 : i32
      %dma_start3A_530 = tpu.memref_slice %arg4[%add3A_502, %dma_start3A_529] : memref<16384x128xf32, #tpu.memory_space<hbm>> -> memref<128x128xf32, #tpu.memory_space<hbm>>
      tpu.enqueue_dma source(%arg6 : memref<128x128xf32, #tpu.memory_space<vmem>>) target(%dma_start3A_530 : memref<128x128xf32, #tpu.memory_space<hbm>>) target_semaphore(%run_scoped3A : memref<!tpu.dma_semaphore, #tpu.memory_space<semaphore_mem>>)
      %dma_wait3A_531 = arith.constant 0 : i32
      %dma_wait3A_532 = tpu.memref_slice %arg4[%add3A_502, %dma_wait3A_531] : memref<16384x128xf32, #tpu.memory_space<hbm>> -> memref<128x128xf32, #tpu.memory_space<hbm>>
      %dma_wait3A_533 = arith.constant 0 : i32
      %dma_wait3A_534 = tpu.memref_slice %arg4[%add3A_502, %dma_wait3A_533] : memref<16384x128xf32, #tpu.memory_space<hbm>> -> memref<128x128xf32, #tpu.memory_space<hbm>>
      tpu.wait_dma2 semaphore(%run_scoped3A : memref<!tpu.dma_semaphore, #tpu.memory_space<semaphore_mem>>) src(%arg6 : memref<128x128xf32, #tpu.memory_space<vmem>>) dst(%dma_wait3A_534 : memref<128x128xf32, #tpu.memory_space<hbm>>)
      tpu.yield
    }) : () -> ()
    %dma_start3A_503 = arith.constant 256 : i32
    %dma_start3A_504 = tpu.memref_slice %arg5[%dma_start3A_503] : memref<512xi32, #tpu.memory_space<vmem>> -> memref<128xi32, #tpu.memory_space<vmem>>
    %dma_start3A_505 = arith.constant 0 : i32
    %dma_start3A_506 = arith.constant 0 : i32
    %dma_start3A_507 = tpu.memref_slice %arg3[%dma_start3A_505, %dma_start3A_506] : memref<802816x128xf32, #tpu.memory_space<hbm>> -> memref<802816x128xf32, #tpu.memory_space<hbm>>
    tpu.enqueue_indirect_dma source(%dma_start3A_507 : memref<802816x128xf32, #tpu.memory_space<hbm>>) target(%arg6 : memref<128x128xf32, #tpu.memory_space<vmem>>) offsets(%dma_start3A_504 : memref<128xi32, #tpu.memory_space<vmem>>) semaphore(%arg7 : memref<!tpu.dma_semaphore, #tpu.memory_space<semaphore_mem>>)
    %dma_wait3A_508 = arith.constant 256 : i32
    %dma_wait3A_509 = tpu.memref_slice %arg5[%dma_wait3A_508] : memref<512xi32, #tpu.memory_space<vmem>> -> memref<128xi32, #tpu.memory_space<vmem>>
    %dma_wait3A_510 = arith.constant 0 : i32
    %dma_wait3A_511 = arith.constant 0 : i32
    %dma_wait3A_512 = tpu.memref_slice %arg3[%dma_wait3A_510, %dma_wait3A_511] : memref<802816x128xf32, #tpu.memory_space<hbm>> -> memref<802816x128xf32, #tpu.memory_space<hbm>>
    tpu.wait_indirect_dma semaphore(%arg7 : memref<!tpu.dma_semaphore, #tpu.memory_space<semaphore_mem>>) src(%dma_wait3A_512 : memref<802816x128xf32, #tpu.memory_space<hbm>>) dst(%arg6 : memref<128x128xf32, #tpu.memory_space<vmem>>)
    %add3A_513 = arith.constant 256 : i32
    %add3A_514 = arith.addi %mul3A_2, %add3A_513 : i32
    "tpu.region"() ({
      %run_scoped3A = tpu.sem_alloc : memref<!tpu.dma_semaphore, #tpu.memory_space<semaphore_mem>>
      %dma_start3A_527 = arith.constant 0 : i32
      %dma_start3A_528 = tpu.memref_slice %arg4[%add3A_514, %dma_start3A_527] : memref<16384x128xf32, #tpu.memory_space<hbm>> -> memref<128x128xf32, #tpu.memory_space<hbm>>
      %dma_start3A_529 = arith.constant 0 : i32
      %dma_start3A_530 = tpu.memref_slice %arg4[%add3A_514, %dma_start3A_529] : memref<16384x128xf32, #tpu.memory_space<hbm>> -> memref<128x128xf32, #tpu.memory_space<hbm>>
      tpu.enqueue_dma source(%arg6 : memref<128x128xf32, #tpu.memory_space<vmem>>) target(%dma_start3A_530 : memref<128x128xf32, #tpu.memory_space<hbm>>) target_semaphore(%run_scoped3A : memref<!tpu.dma_semaphore, #tpu.memory_space<semaphore_mem>>)
      %dma_wait3A_531 = arith.constant 0 : i32
      %dma_wait3A_532 = tpu.memref_slice %arg4[%add3A_514, %dma_wait3A_531] : memref<16384x128xf32, #tpu.memory_space<hbm>> -> memref<128x128xf32, #tpu.memory_space<hbm>>
      %dma_wait3A_533 = arith.constant 0 : i32
      %dma_wait3A_534 = tpu.memref_slice %arg4[%add3A_514, %dma_wait3A_533] : memref<16384x128xf32, #tpu.memory_space<hbm>> -> memref<128x128xf32, #tpu.memory_space<hbm>>
      tpu.wait_dma2 semaphore(%run_scoped3A : memref<!tpu.dma_semaphore, #tpu.memory_space<semaphore_mem>>) src(%arg6 : memref<128x128xf32, #tpu.memory_space<vmem>>) dst(%dma_wait3A_534 : memref<128x128xf32, #tpu.memory_space<hbm>>)
      tpu.yield
    }) : () -> ()
    %dma_start3A_515 = arith.constant 384 : i32
    %dma_start3A_516 = tpu.memref_slice %arg5[%dma_start3A_515] : memref<512xi32, #tpu.memory_space<vmem>> -> memref<128xi32, #tpu.memory_space<vmem>>
    %dma_start3A_517 = arith.constant 0 : i32
    %dma_start3A_518 = arith.constant 0 : i32
    %dma_start3A_519 = tpu.memref_slice %arg3[%dma_start3A_517, %dma_start3A_518] : memref<802816x128xf32, #tpu.memory_space<hbm>> -> memref<802816x128xf32, #tpu.memory_space<hbm>>
    tpu.enqueue_indirect_dma source(%dma_start3A_519 : memref<802816x128xf32, #tpu.memory_space<hbm>>) target(%arg6 : memref<128x128xf32, #tpu.memory_space<vmem>>) offsets(%dma_start3A_516 : memref<128xi32, #tpu.memory_space<vmem>>) semaphore(%arg7 : memref<!tpu.dma_semaphore, #tpu.memory_space<semaphore_mem>>)
    %dma_wait3A_520 = arith.constant 384 : i32
    %dma_wait3A_521 = tpu.memref_slice %arg5[%dma_wait3A_520] : memref<512xi32, #tpu.memory_space<vmem>> -> memref<128xi32, #tpu.memory_space<vmem>>
    %dma_wait3A_522 = arith.constant 0 : i32
    %dma_wait3A_523 = arith.constant 0 : i32
    %dma_wait3A_524 = tpu.memref_slice %arg3[%dma_wait3A_522, %dma_wait3A_523] : memref<802816x128xf32, #tpu.memory_space<hbm>> -> memref<802816x128xf32, #tpu.memory_space<hbm>>
    tpu.wait_indirect_dma semaphore(%arg7 : memref<!tpu.dma_semaphore, #tpu.memory_space<semaphore_mem>>) src(%dma_wait3A_524 : memref<802816x128xf32, #tpu.memory_space<hbm>>) dst(%arg6 : memref<128x128xf32, #tpu.memory_space<vmem>>)
    %add3A_525 = arith.constant 384 : i32
    %add3A_526 = arith.addi %mul3A_2, %add3A_525 : i32
    "tpu.region"() ({
      %run_scoped3A = tpu.sem_alloc : memref<!tpu.dma_semaphore, #tpu.memory_space<semaphore_mem>>
      %dma_start3A_527 = arith.constant 0 : i32
      %dma_start3A_528 = tpu.memref_slice %arg4[%add3A_526, %dma_start3A_527] : memref<16384x128xf32, #tpu.memory_space<hbm>> -> memref<128x128xf32, #tpu.memory_space<hbm>>
      %dma_start3A_529 = arith.constant 0 : i32
      %dma_start3A_530 = tpu.memref_slice %arg4[%add3A_526, %dma_start3A_529] : memref<16384x128xf32, #tpu.memory_space<hbm>> -> memref<128x128xf32, #tpu.memory_space<hbm>>
      tpu.enqueue_dma source(%arg6 : memref<128x128xf32, #tpu.memory_space<vmem>>) target(%dma_start3A_530 : memref<128x128xf32, #tpu.memory_space<hbm>>) target_semaphore(%run_scoped3A : memref<!tpu.dma_semaphore, #tpu.memory_space<semaphore_mem>>)
      %dma_wait3A_531 = arith.constant 0 : i32
      %dma_wait3A_532 = tpu.memref_slice %arg4[%add3A_526, %dma_wait3A_531] : memref<16384x128xf32, #tpu.memory_space<hbm>> -> memref<128x128xf32, #tpu.memory_space<hbm>>
      %dma_wait3A_533 = arith.constant 0 : i32
      %dma_wait3A_534 = tpu.memref_slice %arg4[%add3A_526, %dma_wait3A_533] : memref<16384x128xf32, #tpu.memory_space<hbm>> -> memref<128x128xf32, #tpu.memory_space<hbm>>
      tpu.wait_dma2 semaphore(%run_scoped3A : memref<!tpu.dma_semaphore, #tpu.memory_space<semaphore_mem>>) src(%arg6 : memref<128x128xf32, #tpu.memory_space<vmem>>) dst(%dma_wait3A_534 : memref<128x128xf32, #tpu.memory_space<hbm>>)
      tpu.yield
    }) : () -> ()
    return
  }
}

module attributes {stable_mosaic.version = 14 : i64} {
  func.func @_proj_body(%arg0: i32, %arg1: memref<1024x128xf32, #tpu.memory_space<vmem>>, %arg2: memref<128x128xf32, #tpu.memory_space<vmem>>, %arg3: memref<1x128xf32, #tpu.memory_space<vmem>>, %arg4: memref<1024x128xf32, #tpu.memory_space<vmem>>, %arg5: memref<1024x1xf32, #tpu.memory_space<vmem>>) attributes {dimension_semantics = [#tpu.dimension_semantics<arbitrary>], iteration_bounds = array<i64: 1>, scalar_prefetch = 0 : i64, scratch_operands = 0 : i64, tpu.core_type = #tpu.core_type<tc>, window_params = [{transform_indices = @transform_0, window_bounds = array<i64: 1024, 128>}, {pipeline_mode = #tpu.pipeline_mode<synchronous>, transform_indices = @transform_1, window_bounds = array<i64: 128, 128>}, {pipeline_mode = #tpu.pipeline_mode<synchronous>, transform_indices = @transform_2, window_bounds = array<i64: 1, 128>}, {transform_indices = @transform_3, window_bounds = array<i64: 1024, 128>}, {transform_indices = @transform_4, window_bounds = array<i64: 1024, 1>}]} {
    %get3A = arith.constant 0 : index
    %get3A_0 = arith.constant 0 : index
    %get3A_1 = vector.load %arg1[%get3A, %get3A_0] : memref<1024x128xf32, #tpu.memory_space<vmem>>, vector<1024x128xf32>
    %get3A_2 = arith.constant 0 : index
    %get3A_3 = arith.constant 0 : index
    %get3A_4 = vector.load %arg2[%get3A_2, %get3A_3] : memref<128x128xf32, #tpu.memory_space<vmem>>, vector<128x128xf32>
    %dot_general3A = arith.constant dense<0.000000e+00> : vector<1024x128xf32>
    %dot_general3A_5 = tpu.matmul %get3A_1, %get3A_4, %dot_general3A {dimension_numbers = #tpu.dot_dimension_numbers<[1], [0], [0], [1], [0, 0, 1, 1], [], []>, transpose_lhs_hint = false} : vector<1024x128xf32>, vector<128x128xf32>, vector<1024x128xf32> -> vector<1024x128xf32>
    %get3A_6 = arith.constant 0 : index
    %get3A_7 = arith.constant 0 : index
    %get3A_8 = vector.load %arg3[%get3A_6, %get3A_7] : memref<1x128xf32, #tpu.memory_space<vmem>>, vector<1x128xf32>
    %add3A = vector.broadcast %get3A_8 : vector<1x128xf32> to vector<1024x128xf32>
    %add3A_9 = arith.addf %dot_general3A_5, %add3A : vector<1024x128xf32>
    %tanh3A = math.tanh %add3A_9 : vector<1024x128xf32>
    %mul3A = arith.mulf %tanh3A, %tanh3A : vector<1024x128xf32>
    %slice3A = vector.extract_strided_slice %mul3A {offsets = [0, 0], sizes = [1024, 8], strides = [1, 1]} : vector<1024x128xf32> to vector<1024x8xf32>
    %slice3A_10 = vector.extract_strided_slice %mul3A {offsets = [0, 8], sizes = [1024, 8], strides = [1, 1]} : vector<1024x128xf32> to vector<1024x8xf32>
    %add3A_11 = arith.addf %slice3A, %slice3A_10 : vector<1024x8xf32>
    %slice3A_12 = vector.extract_strided_slice %mul3A {offsets = [0, 16], sizes = [1024, 8], strides = [1, 1]} : vector<1024x128xf32> to vector<1024x8xf32>
    %add3A_13 = arith.addf %add3A_11, %slice3A_12 : vector<1024x8xf32>
    %slice3A_14 = vector.extract_strided_slice %mul3A {offsets = [0, 24], sizes = [1024, 8], strides = [1, 1]} : vector<1024x128xf32> to vector<1024x8xf32>
    %add3A_15 = arith.addf %add3A_13, %slice3A_14 : vector<1024x8xf32>
    %slice3A_16 = vector.extract_strided_slice %mul3A {offsets = [0, 32], sizes = [1024, 8], strides = [1, 1]} : vector<1024x128xf32> to vector<1024x8xf32>
    %add3A_17 = arith.addf %add3A_15, %slice3A_16 : vector<1024x8xf32>
    %slice3A_18 = vector.extract_strided_slice %mul3A {offsets = [0, 40], sizes = [1024, 8], strides = [1, 1]} : vector<1024x128xf32> to vector<1024x8xf32>
    %add3A_19 = arith.addf %add3A_17, %slice3A_18 : vector<1024x8xf32>
    %slice3A_20 = vector.extract_strided_slice %mul3A {offsets = [0, 48], sizes = [1024, 8], strides = [1, 1]} : vector<1024x128xf32> to vector<1024x8xf32>
    %add3A_21 = arith.addf %add3A_19, %slice3A_20 : vector<1024x8xf32>
    %slice3A_22 = vector.extract_strided_slice %mul3A {offsets = [0, 56], sizes = [1024, 8], strides = [1, 1]} : vector<1024x128xf32> to vector<1024x8xf32>
    %add3A_23 = arith.addf %add3A_21, %slice3A_22 : vector<1024x8xf32>
    %slice3A_24 = vector.extract_strided_slice %mul3A {offsets = [0, 64], sizes = [1024, 8], strides = [1, 1]} : vector<1024x128xf32> to vector<1024x8xf32>
    %add3A_25 = arith.addf %add3A_23, %slice3A_24 : vector<1024x8xf32>
    %slice3A_26 = vector.extract_strided_slice %mul3A {offsets = [0, 72], sizes = [1024, 8], strides = [1, 1]} : vector<1024x128xf32> to vector<1024x8xf32>
    %add3A_27 = arith.addf %add3A_25, %slice3A_26 : vector<1024x8xf32>
    %slice3A_28 = vector.extract_strided_slice %mul3A {offsets = [0, 80], sizes = [1024, 8], strides = [1, 1]} : vector<1024x128xf32> to vector<1024x8xf32>
    %add3A_29 = arith.addf %add3A_27, %slice3A_28 : vector<1024x8xf32>
    %slice3A_30 = vector.extract_strided_slice %mul3A {offsets = [0, 88], sizes = [1024, 8], strides = [1, 1]} : vector<1024x128xf32> to vector<1024x8xf32>
    %add3A_31 = arith.addf %add3A_29, %slice3A_30 : vector<1024x8xf32>
    %slice3A_32 = vector.extract_strided_slice %mul3A {offsets = [0, 96], sizes = [1024, 8], strides = [1, 1]} : vector<1024x128xf32> to vector<1024x8xf32>
    %add3A_33 = arith.addf %add3A_31, %slice3A_32 : vector<1024x8xf32>
    %slice3A_34 = vector.extract_strided_slice %mul3A {offsets = [0, 104], sizes = [1024, 8], strides = [1, 1]} : vector<1024x128xf32> to vector<1024x8xf32>
    %add3A_35 = arith.addf %add3A_33, %slice3A_34 : vector<1024x8xf32>
    %slice3A_36 = vector.extract_strided_slice %mul3A {offsets = [0, 112], sizes = [1024, 8], strides = [1, 1]} : vector<1024x128xf32> to vector<1024x8xf32>
    %add3A_37 = arith.addf %add3A_35, %slice3A_36 : vector<1024x8xf32>
    %slice3A_38 = vector.extract_strided_slice %mul3A {offsets = [0, 120], sizes = [1024, 8], strides = [1, 1]} : vector<1024x128xf32> to vector<1024x8xf32>
    %add3A_39 = arith.addf %add3A_37, %slice3A_38 : vector<1024x8xf32>
    %slice3A_40 = vector.extract_strided_slice %add3A_39 {offsets = [0, 0], sizes = [1024, 4], strides = [1, 1]} : vector<1024x8xf32> to vector<1024x4xf32>
    %slice3A_41 = vector.extract_strided_slice %add3A_39 {offsets = [0, 4], sizes = [1024, 4], strides = [1, 1]} : vector<1024x8xf32> to vector<1024x4xf32>
    %add3A_42 = arith.addf %slice3A_40, %slice3A_41 : vector<1024x4xf32>
    %slice3A_43 = vector.extract_strided_slice %add3A_42 {offsets = [0, 0], sizes = [1024, 2], strides = [1, 1]} : vector<1024x4xf32> to vector<1024x2xf32>
    %slice3A_44 = vector.extract_strided_slice %add3A_42 {offsets = [0, 2], sizes = [1024, 2], strides = [1, 1]} : vector<1024x4xf32> to vector<1024x2xf32>
    %add3A_45 = arith.addf %slice3A_43, %slice3A_44 : vector<1024x2xf32>
    %slice3A_46 = vector.extract_strided_slice %add3A_45 {offsets = [0, 0], sizes = [1024, 1], strides = [1, 1]} : vector<1024x2xf32> to vector<1024x1xf32>
    %slice3A_47 = vector.extract_strided_slice %add3A_45 {offsets = [0, 1], sizes = [1024, 1], strides = [1, 1]} : vector<1024x2xf32> to vector<1024x1xf32>
    %add3A_48 = arith.addf %slice3A_46, %slice3A_47 : vector<1024x1xf32>
    %sqrt3A = math.sqrt %add3A_48 : vector<1024x1xf32>
    %gt3A = arith.constant 0.949999988 : f32
    %gt3A_49 = vector.broadcast %gt3A : f32 to vector<1024x1xf32>
    %gt3A_50 = arith.cmpf ogt, %sqrt3A, %gt3A_49 : vector<1024x1xf32>
    %div3A = arith.constant 0.949999988 : f32
    %div3A_51 = vector.broadcast %div3A : f32 to vector<1024x1xf32>
    %div3A_52 = arith.divf %div3A_51, %sqrt3A : vector<1024x1xf32>
    %jit3A = arith.constant 1.000000e+00 : f32
    %broadcast_in_dim3A = vector.broadcast %jit3A : f32 to vector<1024x1xf32>
    %select_n3A = arith.select %gt3A_50, %div3A_52, %broadcast_in_dim3A : vector<1024x1xi1>, vector<1024x1xf32>
    %mul3A_53 = vector.broadcast %select_n3A : vector<1024x1xf32> to vector<1024x128xf32>
    %mul3A_54 = arith.mulf %tanh3A, %mul3A_53 : vector<1024x128xf32>
    %swap3A = arith.constant 0 : index
    %swap3A_55 = arith.constant 0 : index
    %swap3A_56 = vector.load %arg4[%swap3A, %swap3A_55] : memref<1024x128xf32, #tpu.memory_space<vmem>>, vector<1024x128xf32>
    tpu.vector_store %arg4[%swap3A, %swap3A_55], %mul3A_54 {strides = array<i32>} : memref<1024x128xf32, #tpu.memory_space<vmem>>, vector<1024x128xf32>,
    %mul3A_57 = arith.mulf %mul3A_54, %mul3A_54 : vector<1024x128xf32>
    %slice3A_58 = vector.extract_strided_slice %mul3A_57 {offsets = [0, 0], sizes = [1024, 8], strides = [1, 1]} : vector<1024x128xf32> to vector<1024x8xf32>
    %slice3A_59 = vector.extract_strided_slice %mul3A_57 {offsets = [0, 8], sizes = [1024, 8], strides = [1, 1]} : vector<1024x128xf32> to vector<1024x8xf32>
    %add3A_60 = arith.addf %slice3A_58, %slice3A_59 : vector<1024x8xf32>
    %slice3A_61 = vector.extract_strided_slice %mul3A_57 {offsets = [0, 16], sizes = [1024, 8], strides = [1, 1]} : vector<1024x128xf32> to vector<1024x8xf32>
    %add3A_62 = arith.addf %add3A_60, %slice3A_61 : vector<1024x8xf32>
    %slice3A_63 = vector.extract_strided_slice %mul3A_57 {offsets = [0, 24], sizes = [1024, 8], strides = [1, 1]} : vector<1024x128xf32> to vector<1024x8xf32>
    %add3A_64 = arith.addf %add3A_62, %slice3A_63 : vector<1024x8xf32>
    %slice3A_65 = vector.extract_strided_slice %mul3A_57 {offsets = [0, 32], sizes = [1024, 8], strides = [1, 1]} : vector<1024x128xf32> to vector<1024x8xf32>
    %add3A_66 = arith.addf %add3A_64, %slice3A_65 : vector<1024x8xf32>
    %slice3A_67 = vector.extract_strided_slice %mul3A_57 {offsets = [0, 40], sizes = [1024, 8], strides = [1, 1]} : vector<1024x128xf32> to vector<1024x8xf32>
    %add3A_68 = arith.addf %add3A_66, %slice3A_67 : vector<1024x8xf32>
    %slice3A_69 = vector.extract_strided_slice %mul3A_57 {offsets = [0, 48], sizes = [1024, 8], strides = [1, 1]} : vector<1024x128xf32> to vector<1024x8xf32>
    %add3A_70 = arith.addf %add3A_68, %slice3A_69 : vector<1024x8xf32>
    %slice3A_71 = vector.extract_strided_slice %mul3A_57 {offsets = [0, 56], sizes = [1024, 8], strides = [1, 1]} : vector<1024x128xf32> to vector<1024x8xf32>
    %add3A_72 = arith.addf %add3A_70, %slice3A_71 : vector<1024x8xf32>
    %slice3A_73 = vector.extract_strided_slice %mul3A_57 {offsets = [0, 64], sizes = [1024, 8], strides = [1, 1]} : vector<1024x128xf32> to vector<1024x8xf32>
    %add3A_74 = arith.addf %add3A_72, %slice3A_73 : vector<1024x8xf32>
    %slice3A_75 = vector.extract_strided_slice %mul3A_57 {offsets = [0, 72], sizes = [1024, 8], strides = [1, 1]} : vector<1024x128xf32> to vector<1024x8xf32>
    %add3A_76 = arith.addf %add3A_74, %slice3A_75 : vector<1024x8xf32>
    %slice3A_77 = vector.extract_strided_slice %mul3A_57 {offsets = [0, 80], sizes = [1024, 8], strides = [1, 1]} : vector<1024x128xf32> to vector<1024x8xf32>
    %add3A_78 = arith.addf %add3A_76, %slice3A_77 : vector<1024x8xf32>
    %slice3A_79 = vector.extract_strided_slice %mul3A_57 {offsets = [0, 88], sizes = [1024, 8], strides = [1, 1]} : vector<1024x128xf32> to vector<1024x8xf32>
    %add3A_80 = arith.addf %add3A_78, %slice3A_79 : vector<1024x8xf32>
    %slice3A_81 = vector.extract_strided_slice %mul3A_57 {offsets = [0, 96], sizes = [1024, 8], strides = [1, 1]} : vector<1024x128xf32> to vector<1024x8xf32>
    %add3A_82 = arith.addf %add3A_80, %slice3A_81 : vector<1024x8xf32>
    %slice3A_83 = vector.extract_strided_slice %mul3A_57 {offsets = [0, 104], sizes = [1024, 8], strides = [1, 1]} : vector<1024x128xf32> to vector<1024x8xf32>
    %add3A_84 = arith.addf %add3A_82, %slice3A_83 : vector<1024x8xf32>
    %slice3A_85 = vector.extract_strided_slice %mul3A_57 {offsets = [0, 112], sizes = [1024, 8], strides = [1, 1]} : vector<1024x128xf32> to vector<1024x8xf32>
    %add3A_86 = arith.addf %add3A_84, %slice3A_85 : vector<1024x8xf32>
    %slice3A_87 = vector.extract_strided_slice %mul3A_57 {offsets = [0, 120], sizes = [1024, 8], strides = [1, 1]} : vector<1024x128xf32> to vector<1024x8xf32>
    %add3A_88 = arith.addf %add3A_86, %slice3A_87 : vector<1024x8xf32>
    %slice3A_89 = vector.extract_strided_slice %add3A_88 {offsets = [0, 0], sizes = [1024, 4], strides = [1, 1]} : vector<1024x8xf32> to vector<1024x4xf32>
    %slice3A_90 = vector.extract_strided_slice %add3A_88 {offsets = [0, 4], sizes = [1024, 4], strides = [1, 1]} : vector<1024x8xf32> to vector<1024x4xf32>
    %add3A_91 = arith.addf %slice3A_89, %slice3A_90 : vector<1024x4xf32>
    %slice3A_92 = vector.extract_strided_slice %add3A_91 {offsets = [0, 0], sizes = [1024, 2], strides = [1, 1]} : vector<1024x4xf32> to vector<1024x2xf32>
    %slice3A_93 = vector.extract_strided_slice %add3A_91 {offsets = [0, 2], sizes = [1024, 2], strides = [1, 1]} : vector<1024x4xf32> to vector<1024x2xf32>
    %add3A_94 = arith.addf %slice3A_92, %slice3A_93 : vector<1024x2xf32>
    %slice3A_95 = vector.extract_strided_slice %add3A_94 {offsets = [0, 0], sizes = [1024, 1], strides = [1, 1]} : vector<1024x2xf32> to vector<1024x1xf32>
    %slice3A_96 = vector.extract_strided_slice %add3A_94 {offsets = [0, 1], sizes = [1024, 1], strides = [1, 1]} : vector<1024x2xf32> to vector<1024x1xf32>
    %add3A_97 = arith.addf %slice3A_95, %slice3A_96 : vector<1024x1xf32>
    %swap3A_98 = arith.constant 0 : index
    %swap3A_99 = arith.constant 0 : index
    %swap3A_100 = vector.load %arg5[%swap3A_98, %swap3A_99] : memref<1024x1xf32, #tpu.memory_space<vmem>>, vector<1024x1xf32>
    tpu.vector_store %arg5[%swap3A_98, %swap3A_99], %add3A_97 {strides = array<i32>} : memref<1024x1xf32, #tpu.memory_space<vmem>>, vector<1024x1xf32>,
    return
  }
  func.func @transform_0(%arg0: i32) -> (i32, i32) {
    %c0_i32 = arith.constant 0 : i32
    %c0_i32_0 = arith.constant 0 : i32
    return %arg0, %c0_i32 : i32, i32
  }
  func.func @transform_1(%arg0: i32) -> (i32, i32) {
    %c0_i32 = arith.constant 0 : i32
    %c0_i32_0 = arith.constant 0 : i32
    %c0_i32_1 = arith.constant 0 : i32
    return %c0_i32, %c0_i32_0 : i32, i32
  }
  func.func @transform_2(%arg0: i32) -> (i32, i32) {
    %c0_i32 = arith.constant 0 : i32
    %c0_i32_0 = arith.constant 0 : i32
    %c0_i32_1 = arith.constant 0 : i32
    return %c0_i32, %c0_i32_0 : i32, i32
  }
  func.func @transform_3(%arg0: i32) -> (i32, i32) {
    %c0_i32 = arith.constant 0 : i32
    %c0_i32_0 = arith.constant 0 : i32
    return %arg0, %c0_i32 : i32, i32
  }
  func.func @transform_4(%arg0: i32) -> (i32, i32) {
    %c0_i32 = arith.constant 0 : i32
    %c0_i32_0 = arith.constant 0 : i32
    return %arg0, %c0_i32 : i32, i32
  }
}

module attributes {stable_mosaic.version = 14 : i64} {
  func.func @_proj_body(%arg0: i32, %arg1: memref<1024x128xf32, #tpu.memory_space<vmem>>, %arg2: memref<128x128xf32, #tpu.memory_space<vmem>>, %arg3: memref<1x128xf32, #tpu.memory_space<vmem>>, %arg4: memref<1024x128xf32, #tpu.memory_space<vmem>>, %arg5: memref<1024x1xf32, #tpu.memory_space<vmem>>) attributes {dimension_semantics = [#tpu.dimension_semantics<arbitrary>], iteration_bounds = array<i64: 98>, scalar_prefetch = 0 : i64, scratch_operands = 0 : i64, tpu.core_type = #tpu.core_type<tc>, window_params = [{transform_indices = @transform_0, window_bounds = array<i64: 1024, 128>}, {pipeline_mode = #tpu.pipeline_mode<synchronous>, transform_indices = @transform_1, window_bounds = array<i64: 128, 128>}, {pipeline_mode = #tpu.pipeline_mode<synchronous>, transform_indices = @transform_2, window_bounds = array<i64: 1, 128>}, {transform_indices = @transform_3, window_bounds = array<i64: 1024, 128>}, {transform_indices = @transform_4, window_bounds = array<i64: 1024, 1>}]} {
    %get3A = arith.constant 0 : index
    %get3A_0 = arith.constant 0 : index
    %get3A_1 = vector.load %arg1[%get3A, %get3A_0] : memref<1024x128xf32, #tpu.memory_space<vmem>>, vector<1024x128xf32>
    %get3A_2 = arith.constant 0 : index
    %get3A_3 = arith.constant 0 : index
    %get3A_4 = vector.load %arg2[%get3A_2, %get3A_3] : memref<128x128xf32, #tpu.memory_space<vmem>>, vector<128x128xf32>
    %dot_general3A = arith.constant dense<0.000000e+00> : vector<1024x128xf32>
    %dot_general3A_5 = tpu.matmul %get3A_1, %get3A_4, %dot_general3A {dimension_numbers = #tpu.dot_dimension_numbers<[1], [0], [0], [1], [0, 0, 1, 1], [], []>, transpose_lhs_hint = false} : vector<1024x128xf32>, vector<128x128xf32>, vector<1024x128xf32> -> vector<1024x128xf32>
    %get3A_6 = arith.constant 0 : index
    %get3A_7 = arith.constant 0 : index
    %get3A_8 = vector.load %arg3[%get3A_6, %get3A_7] : memref<1x128xf32, #tpu.memory_space<vmem>>, vector<1x128xf32>
    %add3A = vector.broadcast %get3A_8 : vector<1x128xf32> to vector<1024x128xf32>
    %add3A_9 = arith.addf %dot_general3A_5, %add3A : vector<1024x128xf32>
    %tanh3A = math.tanh %add3A_9 : vector<1024x128xf32>
    %mul3A = arith.mulf %tanh3A, %tanh3A : vector<1024x128xf32>
    %slice3A = vector.extract_strided_slice %mul3A {offsets = [0, 0], sizes = [1024, 8], strides = [1, 1]} : vector<1024x128xf32> to vector<1024x8xf32>
    %slice3A_10 = vector.extract_strided_slice %mul3A {offsets = [0, 8], sizes = [1024, 8], strides = [1, 1]} : vector<1024x128xf32> to vector<1024x8xf32>
    %add3A_11 = arith.addf %slice3A, %slice3A_10 : vector<1024x8xf32>
    %slice3A_12 = vector.extract_strided_slice %mul3A {offsets = [0, 16], sizes = [1024, 8], strides = [1, 1]} : vector<1024x128xf32> to vector<1024x8xf32>
    %add3A_13 = arith.addf %add3A_11, %slice3A_12 : vector<1024x8xf32>
    %slice3A_14 = vector.extract_strided_slice %mul3A {offsets = [0, 24], sizes = [1024, 8], strides = [1, 1]} : vector<1024x128xf32> to vector<1024x8xf32>
    %add3A_15 = arith.addf %add3A_13, %slice3A_14 : vector<1024x8xf32>
    %slice3A_16 = vector.extract_strided_slice %mul3A {offsets = [0, 32], sizes = [1024, 8], strides = [1, 1]} : vector<1024x128xf32> to vector<1024x8xf32>
    %add3A_17 = arith.addf %add3A_15, %slice3A_16 : vector<1024x8xf32>
    %slice3A_18 = vector.extract_strided_slice %mul3A {offsets = [0, 40], sizes = [1024, 8], strides = [1, 1]} : vector<1024x128xf32> to vector<1024x8xf32>
    %add3A_19 = arith.addf %add3A_17, %slice3A_18 : vector<1024x8xf32>
    %slice3A_20 = vector.extract_strided_slice %mul3A {offsets = [0, 48], sizes = [1024, 8], strides = [1, 1]} : vector<1024x128xf32> to vector<1024x8xf32>
    %add3A_21 = arith.addf %add3A_19, %slice3A_20 : vector<1024x8xf32>
    %slice3A_22 = vector.extract_strided_slice %mul3A {offsets = [0, 56], sizes = [1024, 8], strides = [1, 1]} : vector<1024x128xf32> to vector<1024x8xf32>
    %add3A_23 = arith.addf %add3A_21, %slice3A_22 : vector<1024x8xf32>
    %slice3A_24 = vector.extract_strided_slice %mul3A {offsets = [0, 64], sizes = [1024, 8], strides = [1, 1]} : vector<1024x128xf32> to vector<1024x8xf32>
    %add3A_25 = arith.addf %add3A_23, %slice3A_24 : vector<1024x8xf32>
    %slice3A_26 = vector.extract_strided_slice %mul3A {offsets = [0, 72], sizes = [1024, 8], strides = [1, 1]} : vector<1024x128xf32> to vector<1024x8xf32>
    %add3A_27 = arith.addf %add3A_25, %slice3A_26 : vector<1024x8xf32>
    %slice3A_28 = vector.extract_strided_slice %mul3A {offsets = [0, 80], sizes = [1024, 8], strides = [1, 1]} : vector<1024x128xf32> to vector<1024x8xf32>
    %add3A_29 = arith.addf %add3A_27, %slice3A_28 : vector<1024x8xf32>
    %slice3A_30 = vector.extract_strided_slice %mul3A {offsets = [0, 88], sizes = [1024, 8], strides = [1, 1]} : vector<1024x128xf32> to vector<1024x8xf32>
    %add3A_31 = arith.addf %add3A_29, %slice3A_30 : vector<1024x8xf32>
    %slice3A_32 = vector.extract_strided_slice %mul3A {offsets = [0, 96], sizes = [1024, 8], strides = [1, 1]} : vector<1024x128xf32> to vector<1024x8xf32>
    %add3A_33 = arith.addf %add3A_31, %slice3A_32 : vector<1024x8xf32>
    %slice3A_34 = vector.extract_strided_slice %mul3A {offsets = [0, 104], sizes = [1024, 8], strides = [1, 1]} : vector<1024x128xf32> to vector<1024x8xf32>
    %add3A_35 = arith.addf %add3A_33, %slice3A_34 : vector<1024x8xf32>
    %slice3A_36 = vector.extract_strided_slice %mul3A {offsets = [0, 112], sizes = [1024, 8], strides = [1, 1]} : vector<1024x128xf32> to vector<1024x8xf32>
    %add3A_37 = arith.addf %add3A_35, %slice3A_36 : vector<1024x8xf32>
    %slice3A_38 = vector.extract_strided_slice %mul3A {offsets = [0, 120], sizes = [1024, 8], strides = [1, 1]} : vector<1024x128xf32> to vector<1024x8xf32>
    %add3A_39 = arith.addf %add3A_37, %slice3A_38 : vector<1024x8xf32>
    %slice3A_40 = vector.extract_strided_slice %add3A_39 {offsets = [0, 0], sizes = [1024, 4], strides = [1, 1]} : vector<1024x8xf32> to vector<1024x4xf32>
    %slice3A_41 = vector.extract_strided_slice %add3A_39 {offsets = [0, 4], sizes = [1024, 4], strides = [1, 1]} : vector<1024x8xf32> to vector<1024x4xf32>
    %add3A_42 = arith.addf %slice3A_40, %slice3A_41 : vector<1024x4xf32>
    %slice3A_43 = vector.extract_strided_slice %add3A_42 {offsets = [0, 0], sizes = [1024, 2], strides = [1, 1]} : vector<1024x4xf32> to vector<1024x2xf32>
    %slice3A_44 = vector.extract_strided_slice %add3A_42 {offsets = [0, 2], sizes = [1024, 2], strides = [1, 1]} : vector<1024x4xf32> to vector<1024x2xf32>
    %add3A_45 = arith.addf %slice3A_43, %slice3A_44 : vector<1024x2xf32>
    %slice3A_46 = vector.extract_strided_slice %add3A_45 {offsets = [0, 0], sizes = [1024, 1], strides = [1, 1]} : vector<1024x2xf32> to vector<1024x1xf32>
    %slice3A_47 = vector.extract_strided_slice %add3A_45 {offsets = [0, 1], sizes = [1024, 1], strides = [1, 1]} : vector<1024x2xf32> to vector<1024x1xf32>
    %add3A_48 = arith.addf %slice3A_46, %slice3A_47 : vector<1024x1xf32>
    %sqrt3A = math.sqrt %add3A_48 : vector<1024x1xf32>
    %gt3A = arith.constant 0.949999988 : f32
    %gt3A_49 = vector.broadcast %gt3A : f32 to vector<1024x1xf32>
    %gt3A_50 = arith.cmpf ogt, %sqrt3A, %gt3A_49 : vector<1024x1xf32>
    %div3A = arith.constant 0.949999988 : f32
    %div3A_51 = vector.broadcast %div3A : f32 to vector<1024x1xf32>
    %div3A_52 = arith.divf %div3A_51, %sqrt3A : vector<1024x1xf32>
    %jit3A = arith.constant 1.000000e+00 : f32
    %broadcast_in_dim3A = vector.broadcast %jit3A : f32 to vector<1024x1xf32>
    %select_n3A = arith.select %gt3A_50, %div3A_52, %broadcast_in_dim3A : vector<1024x1xi1>, vector<1024x1xf32>
    %mul3A_53 = vector.broadcast %select_n3A : vector<1024x1xf32> to vector<1024x128xf32>
    %mul3A_54 = arith.mulf %tanh3A, %mul3A_53 : vector<1024x128xf32>
    %swap3A = arith.constant 0 : index
    %swap3A_55 = arith.constant 0 : index
    %swap3A_56 = vector.load %arg4[%swap3A, %swap3A_55] : memref<1024x128xf32, #tpu.memory_space<vmem>>, vector<1024x128xf32>
    tpu.vector_store %arg4[%swap3A, %swap3A_55], %mul3A_54 {strides = array<i32>} : memref<1024x128xf32, #tpu.memory_space<vmem>>, vector<1024x128xf32>,
    %mul3A_57 = arith.mulf %mul3A_54, %mul3A_54 : vector<1024x128xf32>
    %slice3A_58 = vector.extract_strided_slice %mul3A_57 {offsets = [0, 0], sizes = [1024, 8], strides = [1, 1]} : vector<1024x128xf32> to vector<1024x8xf32>
    %slice3A_59 = vector.extract_strided_slice %mul3A_57 {offsets = [0, 8], sizes = [1024, 8], strides = [1, 1]} : vector<1024x128xf32> to vector<1024x8xf32>
    %add3A_60 = arith.addf %slice3A_58, %slice3A_59 : vector<1024x8xf32>
    %slice3A_61 = vector.extract_strided_slice %mul3A_57 {offsets = [0, 16], sizes = [1024, 8], strides = [1, 1]} : vector<1024x128xf32> to vector<1024x8xf32>
    %add3A_62 = arith.addf %add3A_60, %slice3A_61 : vector<1024x8xf32>
    %slice3A_63 = vector.extract_strided_slice %mul3A_57 {offsets = [0, 24], sizes = [1024, 8], strides = [1, 1]} : vector<1024x128xf32> to vector<1024x8xf32>
    %add3A_64 = arith.addf %add3A_62, %slice3A_63 : vector<1024x8xf32>
    %slice3A_65 = vector.extract_strided_slice %mul3A_57 {offsets = [0, 32], sizes = [1024, 8], strides = [1, 1]} : vector<1024x128xf32> to vector<1024x8xf32>
    %add3A_66 = arith.addf %add3A_64, %slice3A_65 : vector<1024x8xf32>
    %slice3A_67 = vector.extract_strided_slice %mul3A_57 {offsets = [0, 40], sizes = [1024, 8], strides = [1, 1]} : vector<1024x128xf32> to vector<1024x8xf32>
    %add3A_68 = arith.addf %add3A_66, %slice3A_67 : vector<1024x8xf32>
    %slice3A_69 = vector.extract_strided_slice %mul3A_57 {offsets = [0, 48], sizes = [1024, 8], strides = [1, 1]} : vector<1024x128xf32> to vector<1024x8xf32>
    %add3A_70 = arith.addf %add3A_68, %slice3A_69 : vector<1024x8xf32>
    %slice3A_71 = vector.extract_strided_slice %mul3A_57 {offsets = [0, 56], sizes = [1024, 8], strides = [1, 1]} : vector<1024x128xf32> to vector<1024x8xf32>
    %add3A_72 = arith.addf %add3A_70, %slice3A_71 : vector<1024x8xf32>
    %slice3A_73 = vector.extract_strided_slice %mul3A_57 {offsets = [0, 64], sizes = [1024, 8], strides = [1, 1]} : vector<1024x128xf32> to vector<1024x8xf32>
    %add3A_74 = arith.addf %add3A_72, %slice3A_73 : vector<1024x8xf32>
    %slice3A_75 = vector.extract_strided_slice %mul3A_57 {offsets = [0, 72], sizes = [1024, 8], strides = [1, 1]} : vector<1024x128xf32> to vector<1024x8xf32>
    %add3A_76 = arith.addf %add3A_74, %slice3A_75 : vector<1024x8xf32>
    %slice3A_77 = vector.extract_strided_slice %mul3A_57 {offsets = [0, 80], sizes = [1024, 8], strides = [1, 1]} : vector<1024x128xf32> to vector<1024x8xf32>
    %add3A_78 = arith.addf %add3A_76, %slice3A_77 : vector<1024x8xf32>
    %slice3A_79 = vector.extract_strided_slice %mul3A_57 {offsets = [0, 88], sizes = [1024, 8], strides = [1, 1]} : vector<1024x128xf32> to vector<1024x8xf32>
    %add3A_80 = arith.addf %add3A_78, %slice3A_79 : vector<1024x8xf32>
    %slice3A_81 = vector.extract_strided_slice %mul3A_57 {offsets = [0, 96], sizes = [1024, 8], strides = [1, 1]} : vector<1024x128xf32> to vector<1024x8xf32>
    %add3A_82 = arith.addf %add3A_80, %slice3A_81 : vector<1024x8xf32>
    %slice3A_83 = vector.extract_strided_slice %mul3A_57 {offsets = [0, 104], sizes = [1024, 8], strides = [1, 1]} : vector<1024x128xf32> to vector<1024x8xf32>
    %add3A_84 = arith.addf %add3A_82, %slice3A_83 : vector<1024x8xf32>
    %slice3A_85 = vector.extract_strided_slice %mul3A_57 {offsets = [0, 112], sizes = [1024, 8], strides = [1, 1]} : vector<1024x128xf32> to vector<1024x8xf32>
    %add3A_86 = arith.addf %add3A_84, %slice3A_85 : vector<1024x8xf32>
    %slice3A_87 = vector.extract_strided_slice %mul3A_57 {offsets = [0, 120], sizes = [1024, 8], strides = [1, 1]} : vector<1024x128xf32> to vector<1024x8xf32>
    %add3A_88 = arith.addf %add3A_86, %slice3A_87 : vector<1024x8xf32>
    %slice3A_89 = vector.extract_strided_slice %add3A_88 {offsets = [0, 0], sizes = [1024, 4], strides = [1, 1]} : vector<1024x8xf32> to vector<1024x4xf32>
    %slice3A_90 = vector.extract_strided_slice %add3A_88 {offsets = [0, 4], sizes = [1024, 4], strides = [1, 1]} : vector<1024x8xf32> to vector<1024x4xf32>
    %add3A_91 = arith.addf %slice3A_89, %slice3A_90 : vector<1024x4xf32>
    %slice3A_92 = vector.extract_strided_slice %add3A_91 {offsets = [0, 0], sizes = [1024, 2], strides = [1, 1]} : vector<1024x4xf32> to vector<1024x2xf32>
    %slice3A_93 = vector.extract_strided_slice %add3A_91 {offsets = [0, 2], sizes = [1024, 2], strides = [1, 1]} : vector<1024x4xf32> to vector<1024x2xf32>
    %add3A_94 = arith.addf %slice3A_92, %slice3A_93 : vector<1024x2xf32>
    %slice3A_95 = vector.extract_strided_slice %add3A_94 {offsets = [0, 0], sizes = [1024, 1], strides = [1, 1]} : vector<1024x2xf32> to vector<1024x1xf32>
    %slice3A_96 = vector.extract_strided_slice %add3A_94 {offsets = [0, 1], sizes = [1024, 1], strides = [1, 1]} : vector<1024x2xf32> to vector<1024x1xf32>
    %add3A_97 = arith.addf %slice3A_95, %slice3A_96 : vector<1024x1xf32>
    %swap3A_98 = arith.constant 0 : index
    %swap3A_99 = arith.constant 0 : index
    %swap3A_100 = vector.load %arg5[%swap3A_98, %swap3A_99] : memref<1024x1xf32, #tpu.memory_space<vmem>>, vector<1024x1xf32>
    tpu.vector_store %arg5[%swap3A_98, %swap3A_99], %add3A_97 {strides = array<i32>} : memref<1024x1xf32, #tpu.memory_space<vmem>>, vector<1024x1xf32>,
    return
  }
  func.func @transform_0(%arg0: i32) -> (i32, i32) {
    %c0_i32 = arith.constant 0 : i32
    %c0_i32_0 = arith.constant 0 : i32
    return %arg0, %c0_i32 : i32, i32
  }
  func.func @transform_1(%arg0: i32) -> (i32, i32) {
    %c0_i32 = arith.constant 0 : i32
    %c0_i32_0 = arith.constant 0 : i32
    %c0_i32_1 = arith.constant 0 : i32
    return %c0_i32, %c0_i32_0 : i32, i32
  }
  func.func @transform_2(%arg0: i32) -> (i32, i32) {
    %c0_i32 = arith.constant 0 : i32
    %c0_i32_0 = arith.constant 0 : i32
    %c0_i32_1 = arith.constant 0 : i32
    return %c0_i32, %c0_i32_0 : i32, i32
  }
  func.func @transform_3(%arg0: i32) -> (i32, i32) {
    %c0_i32 = arith.constant 0 : i32
    %c0_i32_0 = arith.constant 0 : i32
    return %arg0, %c0_i32 : i32, i32
  }
  func.func @transform_4(%arg0: i32) -> (i32, i32) {
    %c0_i32 = arith.constant 0 : i32
    %c0_i32_0 = arith.constant 0 : i32
    return %arg0, %c0_i32 : i32, i32
  }
}

module attributes {stable_mosaic.version = 14 : i64} {
  func.func @_score_body(%arg0: i32, %arg1: i32, %arg2: memref<1024x128xf32, #tpu.memory_space<vmem>>, %arg3: memref<1024x1xf32, #tpu.memory_space<vmem>>, %arg4: memref<2048x128xf32, #tpu.memory_space<vmem>>, %arg5: memref<1x2048xf32, #tpu.memory_space<vmem>>, %arg6: memref<1024x2048xf32, #tpu.memory_space<vmem>>, %arg7: memref<1x1x1024x16xf32, #tpu.memory_space<vmem>>) attributes {dimension_semantics = [#tpu.dimension_semantics<arbitrary>, #tpu.dimension_semantics<arbitrary>], iteration_bounds = array<i64: 1, 49>, scalar_prefetch = 0 : i64, scratch_operands = 0 : i64, tpu.core_type = #tpu.core_type<tc>, window_params = [{transform_indices = @transform_0, window_bounds = array<i64: 1024, 128>}, {transform_indices = @transform_1, window_bounds = array<i64: 1024, 1>}, {transform_indices = @transform_2, window_bounds = array<i64: 2048, 128>}, {transform_indices = @transform_3, window_bounds = array<i64: 1, 2048>}, {transform_indices = @transform_4, window_bounds = array<i64: 1024, 2048>}, {transform_indices = @transform_5, window_bounds = array<i64: 1, 1, 1024, 16>}]} {
    %get3A = arith.constant 0 : index
    %get3A_0 = arith.constant 0 : index
    %get3A_1 = vector.load %arg2[%get3A, %get3A_0] : memref<1024x128xf32, #tpu.memory_space<vmem>>, vector<1024x128xf32>
    %get3A_2 = arith.constant 0 : index
    %get3A_3 = arith.constant 0 : index
    %get3A_4 = vector.load %arg4[%get3A_2, %get3A_3] : memref<2048x128xf32, #tpu.memory_space<vmem>>, vector<2048x128xf32>
    %dot_general3A = arith.constant dense<0.000000e+00> : vector<1024x2048xf32>
    %dot_general3A_5 = tpu.matmul %get3A_1, %get3A_4, %dot_general3A {dimension_numbers = #tpu.dot_dimension_numbers<[1], [1], [0], [0], [0, 0, 1, 0], [], []>, transpose_lhs_hint = false} : vector<1024x128xf32>, vector<2048x128xf32>, vector<1024x2048xf32> -> vector<1024x2048xf32>
    %get3A_6 = arith.constant 0 : index
    %get3A_7 = arith.constant 0 : index
    %get3A_8 = vector.load %arg3[%get3A_6, %get3A_7] : memref<1024x1xf32, #tpu.memory_space<vmem>>, vector<1024x1xf32>
    %get3A_9 = arith.constant 0 : index
    %get3A_10 = arith.constant 0 : index
    %get3A_11 = vector.load %arg5[%get3A_9, %get3A_10] : memref<1x2048xf32, #tpu.memory_space<vmem>>, vector<1x2048xf32>
    %add3A = vector.broadcast %get3A_8 : vector<1024x1xf32> to vector<1024x2048xf32>
    %add3A_12 = vector.broadcast %get3A_11 : vector<1x2048xf32> to vector<1024x2048xf32>
    %add3A_13 = arith.addf %add3A, %add3A_12 : vector<1024x2048xf32>
    %mul3A = arith.constant 2.000000e+00 : f32
    %mul3A_14 = vector.broadcast %mul3A : f32 to vector<1024x2048xf32>
    %mul3A_15 = arith.mulf %mul3A_14, %dot_general3A_5 : vector<1024x2048xf32>
    %sub3A = arith.subf %add3A_13, %mul3A_15 : vector<1024x2048xf32>
    %max3A = arith.constant 0.000000e+00 : f32
    %max3A_16 = vector.broadcast %max3A : f32 to vector<1024x2048xf32>
    %max3A_17 = arith.maximumf %sub3A, %max3A_16 : vector<1024x2048xf32>
    %sub3A_18 = arith.constant 1.000000e+00 : f32
    %sub3A_19 = vector.broadcast %sub3A_18 : f32 to vector<1024x1xf32>
    %sub3A_20 = arith.subf %sub3A_19, %get3A_8 : vector<1024x1xf32>
    %sub3A_21 = arith.constant 1.000000e+00 : f32
    %sub3A_22 = vector.broadcast %sub3A_21 : f32 to vector<1x2048xf32>
    %sub3A_23 = arith.subf %sub3A_22, %get3A_11 : vector<1x2048xf32>
    %mul3A_24 = vector.broadcast %sub3A_20 : vector<1024x1xf32> to vector<1024x2048xf32>
    %mul3A_25 = vector.broadcast %sub3A_23 : vector<1x2048xf32> to vector<1024x2048xf32>
    %mul3A_26 = arith.mulf %mul3A_24, %mul3A_25 : vector<1024x2048xf32>
    %mul3A_27 = arith.constant 2.000000e+00 : f32
    %mul3A_28 = vector.broadcast %mul3A_27 : f32 to vector<1024x2048xf32>
    %mul3A_29 = arith.mulf %mul3A_28, %max3A_17 : vector<1024x2048xf32>
    %add3A_30 = arith.constant 9.99999993E-9 : f32
    %add3A_31 = vector.broadcast %add3A_30 : f32 to vector<1024x2048xf32>
    %add3A_32 = arith.addf %mul3A_26, %add3A_31 : vector<1024x2048xf32>
    %div3A = arith.divf %mul3A_29, %add3A_32 : vector<1024x2048xf32>
    %eq3A = arith.constant 48 : i32
    %eq3A_33 = arith.cmpi eq, %arg1, %eq3A : i32
    %convert_element_type3A = arith.extui %eq3A_33 : i1 to i32
    %cond3A = arith.constant 0 : i32
    %cond3A_34 = arith.cmpi ne, %convert_element_type3A, %cond3A : i32
    scf.if %cond3A_34 {
      %iota3A = tpu.iota {dimensions = array<i32: 1>} : vector<1024x2048xi32>
      %add3A_39 = arith.constant 98304 : i32
      %add3A_40 = vector.broadcast %add3A_39 : i32 to vector<1024x2048xi32>
      %add3A_41 = arith.addi %add3A_40, %iota3A : vector<1024x2048xi32>
      %ge3A = arith.constant 100000 : i32
      %ge3A_42 = vector.broadcast %ge3A : i32 to vector<1024x2048xi32>
      %ge3A_43 = arith.cmpi sge, %add3A_41, %ge3A_42 : vector<1024x2048xi32>
      %jit3A = arith.constant 1.000000e+30 : f32
      %broadcast_in_dim3A = vector.broadcast %jit3A : f32 to vector<1024x2048xf32>
      %select_n3A = arith.select %ge3A_43, %broadcast_in_dim3A, %div3A : vector<1024x2048xi1>, vector<1024x2048xf32>
      %swap3A = arith.constant 0 : index
      %swap3A_44 = arith.constant 0 : index
      %swap3A_45 = vector.load %arg6[%swap3A, %swap3A_44] : memref<1024x2048xf32, #tpu.memory_space<vmem>>, vector<1024x2048xf32>
      tpu.vector_store %arg6[%swap3A, %swap3A_44], %select_n3A {strides = array<i32>} : memref<1024x2048xf32, #tpu.memory_space<vmem>>, vector<1024x2048xf32>,
      %reshape3A = vector.shape_cast %select_n3A : vector<1024x2048xf32> to vector<1024x16x128xf32>
      %reduce_min3A = arith.constant dense<0x7F800000> : vector<1024x16xf32>
      %reduce_min3A_46 = vector.multi_reduction <minimumf>, %reshape3A, %reduce_min3A [2] : vector<1024x16x128xf32> to vector<1024x16xf32>
      %reshape3A_47 = vector.shape_cast %reduce_min3A_46 : vector<1024x16xf32> to vector<1x1x1024x16xf32>
      %swap3A_48 = arith.constant 0 : index
      %swap3A_49 = arith.constant 0 : index
      %swap3A_50 = arith.constant 0 : index
      %swap3A_51 = arith.constant 0 : index
      %swap3A_52 = vector.load %arg7[%swap3A_48, %swap3A_49, %swap3A_50, %swap3A_51] : memref<1x1x1024x16xf32, #tpu.memory_space<vmem>>, vector<1x1x1024x16xf32>
      tpu.vector_store %arg7[%swap3A_48, %swap3A_49, %swap3A_50, %swap3A_51], %reshape3A_47 {strides = array<i32>} : memref<1x1x1024x16xf32, #tpu.memory_space<vmem>>, vector<1x1x1024x16xf32>,
    } else {
    }
    %not3A = arith.constant true
    %not3A_35 = arith.xori %eq3A_33, %not3A : i1
    %convert_element_type3A_36 = arith.extui %not3A_35 : i1 to i32
    %cond3A_37 = arith.constant 0 : i32
    %cond3A_38 = arith.cmpi ne, %convert_element_type3A_36, %cond3A_37 : i32
    scf.if %cond3A_38 {
      %swap3A = arith.constant 0 : index
      %swap3A_39 = arith.constant 0 : index
      %swap3A_40 = vector.load %arg6[%swap3A, %swap3A_39] : memref<1024x2048xf32, #tpu.memory_space<vmem>>, vector<1024x2048xf32>
      tpu.vector_store %arg6[%swap3A, %swap3A_39], %div3A {strides = array<i32>} : memref<1024x2048xf32, #tpu.memory_space<vmem>>, vector<1024x2048xf32>,
      %reshape3A = vector.shape_cast %div3A : vector<1024x2048xf32> to vector<1024x16x128xf32>
      %reduce_min3A = arith.constant dense<0x7F800000> : vector<1024x16xf32>
      %reduce_min3A_41 = vector.multi_reduction <minimumf>, %reshape3A, %reduce_min3A [2] : vector<1024x16x128xf32> to vector<1024x16xf32>
      %reshape3A_42 = vector.shape_cast %reduce_min3A_41 : vector<1024x16xf32> to vector<1x1x1024x16xf32>
      %swap3A_43 = arith.constant 0 : index
      %swap3A_44 = arith.constant 0 : index
      %swap3A_45 = arith.constant 0 : index
      %swap3A_46 = arith.constant 0 : index
      %swap3A_47 = vector.load %arg7[%swap3A_43, %swap3A_44, %swap3A_45, %swap3A_46] : memref<1x1x1024x16xf32, #tpu.memory_space<vmem>>, vector<1x1x1024x16xf32>
      tpu.vector_store %arg7[%swap3A_43, %swap3A_44, %swap3A_45, %swap3A_46], %reshape3A_42 {strides = array<i32>} : memref<1x1x1024x16xf32, #tpu.memory_space<vmem>>, vector<1x1x1024x16xf32>,
    } else {
    }
    return
  }
  func.func @transform_0(%arg0: i32, %arg1: i32) -> (i32, i32) {
    %c0_i32 = arith.constant 0 : i32
    %c0_i32_0 = arith.constant 0 : i32
    return %arg0, %c0_i32 : i32, i32
  }
  func.func @transform_1(%arg0: i32, %arg1: i32) -> (i32, i32) {
    %c0_i32 = arith.constant 0 : i32
    %c0_i32_0 = arith.constant 0 : i32
    return %arg0, %c0_i32 : i32, i32
  }
  func.func @transform_2(%arg0: i32, %arg1: i32) -> (i32, i32) {
    %c0_i32 = arith.constant 0 : i32
    %c0_i32_0 = arith.constant 0 : i32
    return %arg1, %c0_i32 : i32, i32
  }
  func.func @transform_3(%arg0: i32, %arg1: i32) -> (i32, i32) {
    %c0_i32 = arith.constant 0 : i32
    %c0_i32_0 = arith.constant 0 : i32
    return %c0_i32, %arg1 : i32, i32
  }
  func.func @transform_4(%arg0: i32, %arg1: i32) -> (i32, i32) {
    %c0_i32 = arith.constant 0 : i32
    return %arg0, %arg1 : i32, i32
  }
  func.func @transform_5(%arg0: i32, %arg1: i32) -> (i32, i32, i32, i32) {
    %c0_i32 = arith.constant 0 : i32
    %c0_i32_0 = arith.constant 0 : i32
    %c0_i32_1 = arith.constant 0 : i32
    return %arg0, %arg1, %c0_i32, %c0_i32_0 : i32, i32, i32, i32
  }
}

module attributes {stable_mosaic.version = 14 : i64} {
  func.func @_blocktop_body(%arg0: i32, %arg1: memref<256x896xf32, #tpu.memory_space<vmem>>, %arg2: memref<256x16xi32, #tpu.memory_space<vmem>>) attributes {dimension_semantics = [#tpu.dimension_semantics<arbitrary>], iteration_bounds = array<i64: 4>, scalar_prefetch = 0 : i64, scratch_operands = 0 : i64, tpu.core_type = #tpu.core_type<tc>, window_params = [{transform_indices = @transform_0, window_bounds = array<i64: 256, 896>}, {transform_indices = @transform_1, window_bounds = array<i64: 256, 16>}]} {
    %get3A = arith.constant 0 : index
    %get3A_0 = arith.constant 0 : index
    %get3A_1 = vector.load %arg1[%get3A, %get3A_0] : memref<256x896xf32, #tpu.memory_space<vmem>>, vector<256x896xf32>
    %iota3A = tpu.iota {dimensions = array<i32: 1>} : vector<256x896xi32>
    %ge3A = arith.constant 784 : i32
    %ge3A_2 = vector.broadcast %ge3A : i32 to vector<256x896xi32>
    %ge3A_3 = arith.cmpi sge, %iota3A, %ge3A_2 : vector<256x896xi32>
    %jit3A = arith.constant 1.000000e+30 : f32
    %broadcast_in_dim3A = vector.broadcast %jit3A : f32 to vector<256x896xf32>
    %select_n3A = arith.select %ge3A_3, %broadcast_in_dim3A, %get3A_1 : vector<256x896xi1>, vector<256x896xf32>
    %reduce_min3A = arith.constant dense<0x7F800000> : vector<256xf32>
    %reduce_min3A_4 = vector.multi_reduction <minimumf>, %select_n3A, %reduce_min3A [1] : vector<256x896xf32> to vector<256xf32>
    %broadcast_in_dim3A_5 = vector.shape_cast %reduce_min3A_4 : vector<256xf32> to vector<256x1xf32>
    %eq3A = vector.broadcast %broadcast_in_dim3A_5 : vector<256x1xf32> to vector<256x896xf32>
    %eq3A_6 = arith.cmpf oeq, %select_n3A, %eq3A : vector<256x896xf32>
    %jit3A_7 = arith.constant 1073741824 : i32
    %broadcast_in_dim3A_8 = vector.broadcast %jit3A_7 : i32 to vector<256x896xi32>
    %select_n3A_9 = arith.select %eq3A_6, %iota3A, %broadcast_in_dim3A_8 : vector<256x896xi1>, vector<256x896xi32>
    %reduce_min3A_10 = arith.constant dense<2147483647> : vector<256xi32>
    %reduce_min3A_11 = vector.multi_reduction <minsi>, %select_n3A_9, %reduce_min3A_10 [1] : vector<256x896xi32> to vector<256xi32>
    %broadcast_in_dim3A_12 = vector.shape_cast %reduce_min3A_11 : vector<256xi32> to vector<256x1xi32>
    %eq3A_13 = vector.broadcast %broadcast_in_dim3A_12 : vector<256x1xi32> to vector<256x896xi32>
    %eq3A_14 = arith.cmpi eq, %iota3A, %eq3A_13 : vector<256x896xi32>
    %jit3A_15 = arith.constant 1.000000e+30 : f32
    %broadcast_in_dim3A_16 = vector.broadcast %jit3A_15 : f32 to vector<256x896xf32>
    %select_n3A_17 = arith.select %eq3A_14, %broadcast_in_dim3A_16, %select_n3A : vector<256x896xi1>, vector<256x896xf32>
    %reduce_min3A_18 = arith.constant dense<0x7F800000> : vector<256xf32>
    %reduce_min3A_19 = vector.multi_reduction <minimumf>, %select_n3A_17, %reduce_min3A_18 [1] : vector<256x896xf32> to vector<256xf32>
    %broadcast_in_dim3A_20 = vector.shape_cast %reduce_min3A_19 : vector<256xf32> to vector<256x1xf32>
    %eq3A_21 = vector.broadcast %broadcast_in_dim3A_20 : vector<256x1xf32> to vector<256x896xf32>
    %eq3A_22 = arith.cmpf oeq, %select_n3A_17, %eq3A_21 : vector<256x896xf32>
    %jit3A_23 = arith.constant 1073741824 : i32
    %broadcast_in_dim3A_24 = vector.broadcast %jit3A_23 : i32 to vector<256x896xi32>
    %select_n3A_25 = arith.select %eq3A_22, %iota3A, %broadcast_in_dim3A_24 : vector<256x896xi1>, vector<256x896xi32>
    %reduce_min3A_26 = arith.constant dense<2147483647> : vector<256xi32>
    %reduce_min3A_27 = vector.multi_reduction <minsi>, %select_n3A_25, %reduce_min3A_26 [1] : vector<256x896xi32> to vector<256xi32>
    %broadcast_in_dim3A_28 = vector.shape_cast %reduce_min3A_27 : vector<256xi32> to vector<256x1xi32>
    %eq3A_29 = vector.broadcast %broadcast_in_dim3A_28 : vector<256x1xi32> to vector<256x896xi32>
    %eq3A_30 = arith.cmpi eq, %iota3A, %eq3A_29 : vector<256x896xi32>
    %jit3A_31 = arith.constant 1.000000e+30 : f32
    %broadcast_in_dim3A_32 = vector.broadcast %jit3A_31 : f32 to vector<256x896xf32>
    %select_n3A_33 = arith.select %eq3A_30, %broadcast_in_dim3A_32, %select_n3A_17 : vector<256x896xi1>, vector<256x896xf32>
    %reduce_min3A_34 = arith.constant dense<0x7F800000> : vector<256xf32>
    %reduce_min3A_35 = vector.multi_reduction <minimumf>, %select_n3A_33, %reduce_min3A_34 [1] : vector<256x896xf32> to vector<256xf32>
    %broadcast_in_dim3A_36 = vector.shape_cast %reduce_min3A_35 : vector<256xf32> to vector<256x1xf32>
    %eq3A_37 = vector.broadcast %broadcast_in_dim3A_36 : vector<256x1xf32> to vector<256x896xf32>
    %eq3A_38 = arith.cmpf oeq, %select_n3A_33, %eq3A_37 : vector<256x896xf32>
    %jit3A_39 = arith.constant 1073741824 : i32
    %broadcast_in_dim3A_40 = vector.broadcast %jit3A_39 : i32 to vector<256x896xi32>
    %select_n3A_41 = arith.select %eq3A_38, %iota3A, %broadcast_in_dim3A_40 : vector<256x896xi1>, vector<256x896xi32>
    %reduce_min3A_42 = arith.constant dense<2147483647> : vector<256xi32>
    %reduce_min3A_43 = vector.multi_reduction <minsi>, %select_n3A_41, %reduce_min3A_42 [1] : vector<256x896xi32> to vector<256xi32>
    %broadcast_in_dim3A_44 = vector.shape_cast %reduce_min3A_43 : vector<256xi32> to vector<256x1xi32>
    %eq3A_45 = vector.broadcast %broadcast_in_dim3A_44 : vector<256x1xi32> to vector<256x896xi32>
    %eq3A_46 = arith.cmpi eq, %iota3A, %eq3A_45 : vector<256x896xi32>
    %jit3A_47 = arith.constant 1.000000e+30 : f32
    %broadcast_in_dim3A_48 = vector.broadcast %jit3A_47 : f32 to vector<256x896xf32>
    %select_n3A_49 = arith.select %eq3A_46, %broadcast_in_dim3A_48, %select_n3A_33 : vector<256x896xi1>, vector<256x896xf32>
    %reduce_min3A_50 = arith.constant dense<0x7F800000> : vector<256xf32>
    %reduce_min3A_51 = vector.multi_reduction <minimumf>, %select_n3A_49, %reduce_min3A_50 [1] : vector<256x896xf32> to vector<256xf32>
    %broadcast_in_dim3A_52 = vector.shape_cast %reduce_min3A_51 : vector<256xf32> to vector<256x1xf32>
    %eq3A_53 = vector.broadcast %broadcast_in_dim3A_52 : vector<256x1xf32> to vector<256x896xf32>
    %eq3A_54 = arith.cmpf oeq, %select_n3A_49, %eq3A_53 : vector<256x896xf32>
    %jit3A_55 = arith.constant 1073741824 : i32
    %broadcast_in_dim3A_56 = vector.broadcast %jit3A_55 : i32 to vector<256x896xi32>
    %select_n3A_57 = arith.select %eq3A_54, %iota3A, %broadcast_in_dim3A_56 : vector<256x896xi1>, vector<256x896xi32>
    %reduce_min3A_58 = arith.constant dense<2147483647> : vector<256xi32>
    %reduce_min3A_59 = vector.multi_reduction <minsi>, %select_n3A_57, %reduce_min3A_58 [1] : vector<256x896xi32> to vector<256xi32>
    %broadcast_in_dim3A_60 = vector.shape_cast %reduce_min3A_59 : vector<256xi32> to vector<256x1xi32>
    %eq3A_61 = vector.broadcast %broadcast_in_dim3A_60 : vector<256x1xi32> to vector<256x896xi32>
    %eq3A_62 = arith.cmpi eq, %iota3A, %eq3A_61 : vector<256x896xi32>
    %jit3A_63 = arith.constant 1.000000e+30 : f32
    %broadcast_in_dim3A_64 = vector.broadcast %jit3A_63 : f32 to vector<256x896xf32>
    %select_n3A_65 = arith.select %eq3A_62, %broadcast_in_dim3A_64, %select_n3A_49 : vector<256x896xi1>, vector<256x896xf32>
    %reduce_min3A_66 = arith.constant dense<0x7F800000> : vector<256xf32>
    %reduce_min3A_67 = vector.multi_reduction <minimumf>, %select_n3A_65, %reduce_min3A_66 [1] : vector<256x896xf32> to vector<256xf32>
    %broadcast_in_dim3A_68 = vector.shape_cast %reduce_min3A_67 : vector<256xf32> to vector<256x1xf32>
    %eq3A_69 = vector.broadcast %broadcast_in_dim3A_68 : vector<256x1xf32> to vector<256x896xf32>
    %eq3A_70 = arith.cmpf oeq, %select_n3A_65, %eq3A_69 : vector<256x896xf32>
    %jit3A_71 = arith.constant 1073741824 : i32
    %broadcast_in_dim3A_72 = vector.broadcast %jit3A_71 : i32 to vector<256x896xi32>
    %select_n3A_73 = arith.select %eq3A_70, %iota3A, %broadcast_in_dim3A_72 : vector<256x896xi1>, vector<256x896xi32>
    %reduce_min3A_74 = arith.constant dense<2147483647> : vector<256xi32>
    %reduce_min3A_75 = vector.multi_reduction <minsi>, %select_n3A_73, %reduce_min3A_74 [1] : vector<256x896xi32> to vector<256xi32>
    %broadcast_in_dim3A_76 = vector.shape_cast %reduce_min3A_75 : vector<256xi32> to vector<256x1xi32>
    %eq3A_77 = vector.broadcast %broadcast_in_dim3A_76 : vector<256x1xi32> to vector<256x896xi32>
    %eq3A_78 = arith.cmpi eq, %iota3A, %eq3A_77 : vector<256x896xi32>
    %jit3A_79 = arith.constant 1.000000e+30 : f32
    %broadcast_in_dim3A_80 = vector.broadcast %jit3A_79 : f32 to vector<256x896xf32>
    %select_n3A_81 = arith.select %eq3A_78, %broadcast_in_dim3A_80, %select_n3A_65 : vector<256x896xi1>, vector<256x896xf32>
    %reduce_min3A_82 = arith.constant dense<0x7F800000> : vector<256xf32>
    %reduce_min3A_83 = vector.multi_reduction <minimumf>, %select_n3A_81, %reduce_min3A_82 [1] : vector<256x896xf32> to vector<256xf32>
    %broadcast_in_dim3A_84 = vector.shape_cast %reduce_min3A_83 : vector<256xf32> to vector<256x1xf32>
    %eq3A_85 = vector.broadcast %broadcast_in_dim3A_84 : vector<256x1xf32> to vector<256x896xf32>
    %eq3A_86 = arith.cmpf oeq, %select_n3A_81, %eq3A_85 : vector<256x896xf32>
    %jit3A_87 = arith.constant 1073741824 : i32
    %broadcast_in_dim3A_88 = vector.broadcast %jit3A_87 : i32 to vector<256x896xi32>
    %select_n3A_89 = arith.select %eq3A_86, %iota3A, %broadcast_in_dim3A_88 : vector<256x896xi1>, vector<256x896xi32>
    %reduce_min3A_90 = arith.constant dense<2147483647> : vector<256xi32>
    %reduce_min3A_91 = vector.multi_reduction <minsi>, %select_n3A_89, %reduce_min3A_90 [1] : vector<256x896xi32> to vector<256xi32>
    %broadcast_in_dim3A_92 = vector.shape_cast %reduce_min3A_91 : vector<256xi32> to vector<256x1xi32>
    %eq3A_93 = vector.broadcast %broadcast_in_dim3A_92 : vector<256x1xi32> to vector<256x896xi32>
    %eq3A_94 = arith.cmpi eq, %iota3A, %eq3A_93 : vector<256x896xi32>
    %jit3A_95 = arith.constant 1.000000e+30 : f32
    %broadcast_in_dim3A_96 = vector.broadcast %jit3A_95 : f32 to vector<256x896xf32>
    %select_n3A_97 = arith.select %eq3A_94, %broadcast_in_dim3A_96, %select_n3A_81 : vector<256x896xi1>, vector<256x896xf32>
    %reduce_min3A_98 = arith.constant dense<0x7F800000> : vector<256xf32>
    %reduce_min3A_99 = vector.multi_reduction <minimumf>, %select_n3A_97, %reduce_min3A_98 [1] : vector<256x896xf32> to vector<256xf32>
    %broadcast_in_dim3A_100 = vector.shape_cast %reduce_min3A_99 : vector<256xf32> to vector<256x1xf32>
    %eq3A_101 = vector.broadcast %broadcast_in_dim3A_100 : vector<256x1xf32> to vector<256x896xf32>
    %eq3A_102 = arith.cmpf oeq, %select_n3A_97, %eq3A_101 : vector<256x896xf32>
    %jit3A_103 = arith.constant 1073741824 : i32
    %broadcast_in_dim3A_104 = vector.broadcast %jit3A_103 : i32 to vector<256x896xi32>
    %select_n3A_105 = arith.select %eq3A_102, %iota3A, %broadcast_in_dim3A_104 : vector<256x896xi1>, vector<256x896xi32>
    %reduce_min3A_106 = arith.constant dense<2147483647> : vector<256xi32>
    %reduce_min3A_107 = vector.multi_reduction <minsi>, %select_n3A_105, %reduce_min3A_106 [1] : vector<256x896xi32> to vector<256xi32>
    %broadcast_in_dim3A_108 = vector.shape_cast %reduce_min3A_107 : vector<256xi32> to vector<256x1xi32>
    %eq3A_109 = vector.broadcast %broadcast_in_dim3A_108 : vector<256x1xi32> to vector<256x896xi32>
    %eq3A_110 = arith.cmpi eq, %iota3A, %eq3A_109 : vector<256x896xi32>
    %jit3A_111 = arith.constant 1.000000e+30 : f32
    %broadcast_in_dim3A_112 = vector.broadcast %jit3A_111 : f32 to vector<256x896xf32>
    %select_n3A_113 = arith.select %eq3A_110, %broadcast_in_dim3A_112, %select_n3A_97 : vector<256x896xi1>, vector<256x896xf32>
    %reduce_min3A_114 = arith.constant dense<0x7F800000> : vector<256xf32>
    %reduce_min3A_115 = vector.multi_reduction <minimumf>, %select_n3A_113, %reduce_min3A_114 [1] : vector<256x896xf32> to vector<256xf32>
    %broadcast_in_dim3A_116 = vector.shape_cast %reduce_min3A_115 : vector<256xf32> to vector<256x1xf32>
    %eq3A_117 = vector.broadcast %broadcast_in_dim3A_116 : vector<256x1xf32> to vector<256x896xf32>
    %eq3A_118 = arith.cmpf oeq, %select_n3A_113, %eq3A_117 : vector<256x896xf32>
    %jit3A_119 = arith.constant 1073741824 : i32
    %broadcast_in_dim3A_120 = vector.broadcast %jit3A_119 : i32 to vector<256x896xi32>
    %select_n3A_121 = arith.select %eq3A_118, %iota3A, %broadcast_in_dim3A_120 : vector<256x896xi1>, vector<256x896xi32>
    %reduce_min3A_122 = arith.constant dense<2147483647> : vector<256xi32>
    %reduce_min3A_123 = vector.multi_reduction <minsi>, %select_n3A_121, %reduce_min3A_122 [1] : vector<256x896xi32> to vector<256xi32>
    %broadcast_in_dim3A_124 = vector.shape_cast %reduce_min3A_123 : vector<256xi32> to vector<256x1xi32>
    %eq3A_125 = vector.broadcast %broadcast_in_dim3A_124 : vector<256x1xi32> to vector<256x896xi32>
    %eq3A_126 = arith.cmpi eq, %iota3A, %eq3A_125 : vector<256x896xi32>
    %jit3A_127 = arith.constant 1.000000e+30 : f32
    %broadcast_in_dim3A_128 = vector.broadcast %jit3A_127 : f32 to vector<256x896xf32>
    %select_n3A_129 = arith.select %eq3A_126, %broadcast_in_dim3A_128, %select_n3A_113 : vector<256x896xi1>, vector<256x896xf32>
    %reduce_min3A_130 = arith.constant dense<0x7F800000> : vector<256xf32>
    %reduce_min3A_131 = vector.multi_reduction <minimumf>, %select_n3A_129, %reduce_min3A_130 [1] : vector<256x896xf32> to vector<256xf32>
    %broadcast_in_dim3A_132 = vector.shape_cast %reduce_min3A_131 : vector<256xf32> to vector<256x1xf32>
    %eq3A_133 = vector.broadcast %broadcast_in_dim3A_132 : vector<256x1xf32> to vector<256x896xf32>
    %eq3A_134 = arith.cmpf oeq, %select_n3A_129, %eq3A_133 : vector<256x896xf32>
    %jit3A_135 = arith.constant 1073741824 : i32
    %broadcast_in_dim3A_136 = vector.broadcast %jit3A_135 : i32 to vector<256x896xi32>
    %select_n3A_137 = arith.select %eq3A_134, %iota3A, %broadcast_in_dim3A_136 : vector<256x896xi1>, vector<256x896xi32>
    %reduce_min3A_138 = arith.constant dense<2147483647> : vector<256xi32>
    %reduce_min3A_139 = vector.multi_reduction <minsi>, %select_n3A_137, %reduce_min3A_138 [1] : vector<256x896xi32> to vector<256xi32>
    %broadcast_in_dim3A_140 = vector.shape_cast %reduce_min3A_139 : vector<256xi32> to vector<256x1xi32>
    %eq3A_141 = vector.broadcast %broadcast_in_dim3A_140 : vector<256x1xi32> to vector<256x896xi32>
    %eq3A_142 = arith.cmpi eq, %iota3A, %eq3A_141 : vector<256x896xi32>
    %jit3A_143 = arith.constant 1.000000e+30 : f32
    %broadcast_in_dim3A_144 = vector.broadcast %jit3A_143 : f32 to vector<256x896xf32>
    %select_n3A_145 = arith.select %eq3A_142, %broadcast_in_dim3A_144, %select_n3A_129 : vector<256x896xi1>, vector<256x896xf32>
    %reduce_min3A_146 = arith.constant dense<0x7F800000> : vector<256xf32>
    %reduce_min3A_147 = vector.multi_reduction <minimumf>, %select_n3A_145, %reduce_min3A_146 [1] : vector<256x896xf32> to vector<256xf32>
    %broadcast_in_dim3A_148 = vector.shape_cast %reduce_min3A_147 : vector<256xf32> to vector<256x1xf32>
    %eq3A_149 = vector.broadcast %broadcast_in_dim3A_148 : vector<256x1xf32> to vector<256x896xf32>
    %eq3A_150 = arith.cmpf oeq, %select_n3A_145, %eq3A_149 : vector<256x896xf32>
    %jit3A_151 = arith.constant 1073741824 : i32
    %broadcast_in_dim3A_152 = vector.broadcast %jit3A_151 : i32 to vector<256x896xi32>
    %select_n3A_153 = arith.select %eq3A_150, %iota3A, %broadcast_in_dim3A_152 : vector<256x896xi1>, vector<256x896xi32>
    %reduce_min3A_154 = arith.constant dense<2147483647> : vector<256xi32>
    %reduce_min3A_155 = vector.multi_reduction <minsi>, %select_n3A_153, %reduce_min3A_154 [1] : vector<256x896xi32> to vector<256xi32>
    %broadcast_in_dim3A_156 = vector.shape_cast %reduce_min3A_155 : vector<256xi32> to vector<256x1xi32>
    %eq3A_157 = vector.broadcast %broadcast_in_dim3A_156 : vector<256x1xi32> to vector<256x896xi32>
    %eq3A_158 = arith.cmpi eq, %iota3A, %eq3A_157 : vector<256x896xi32>
    %jit3A_159 = arith.constant 1.000000e+30 : f32
    %broadcast_in_dim3A_160 = vector.broadcast %jit3A_159 : f32 to vector<256x896xf32>
    %select_n3A_161 = arith.select %eq3A_158, %broadcast_in_dim3A_160, %select_n3A_145 : vector<256x896xi1>, vector<256x896xf32>
    %reduce_min3A_162 = arith.constant dense<0x7F800000> : vector<256xf32>
    %reduce_min3A_163 = vector.multi_reduction <minimumf>, %select_n3A_161, %reduce_min3A_162 [1] : vector<256x896xf32> to vector<256xf32>
    %broadcast_in_dim3A_164 = vector.shape_cast %reduce_min3A_163 : vector<256xf32> to vector<256x1xf32>
    %eq3A_165 = vector.broadcast %broadcast_in_dim3A_164 : vector<256x1xf32> to vector<256x896xf32>
    %eq3A_166 = arith.cmpf oeq, %select_n3A_161, %eq3A_165 : vector<256x896xf32>
    %jit3A_167 = arith.constant 1073741824 : i32
    %broadcast_in_dim3A_168 = vector.broadcast %jit3A_167 : i32 to vector<256x896xi32>
    %select_n3A_169 = arith.select %eq3A_166, %iota3A, %broadcast_in_dim3A_168 : vector<256x896xi1>, vector<256x896xi32>
    %reduce_min3A_170 = arith.constant dense<2147483647> : vector<256xi32>
    %reduce_min3A_171 = vector.multi_reduction <minsi>, %select_n3A_169, %reduce_min3A_170 [1] : vector<256x896xi32> to vector<256xi32>
    %broadcast_in_dim3A_172 = vector.shape_cast %reduce_min3A_171 : vector<256xi32> to vector<256x1xi32>
    %eq3A_173 = vector.broadcast %broadcast_in_dim3A_172 : vector<256x1xi32> to vector<256x896xi32>
    %eq3A_174 = arith.cmpi eq, %iota3A, %eq3A_173 : vector<256x896xi32>
    %jit3A_175 = arith.constant 1.000000e+30 : f32
    %broadcast_in_dim3A_176 = vector.broadcast %jit3A_175 : f32 to vector<256x896xf32>
    %select_n3A_177 = arith.select %eq3A_174, %broadcast_in_dim3A_176, %select_n3A_161 : vector<256x896xi1>, vector<256x896xf32>
    %reduce_min3A_178 = arith.constant dense<0x7F800000> : vector<256xf32>
    %reduce_min3A_179 = vector.multi_reduction <minimumf>, %select_n3A_177, %reduce_min3A_178 [1] : vector<256x896xf32> to vector<256xf32>
    %broadcast_in_dim3A_180 = vector.shape_cast %reduce_min3A_179 : vector<256xf32> to vector<256x1xf32>
    %eq3A_181 = vector.broadcast %broadcast_in_dim3A_180 : vector<256x1xf32> to vector<256x896xf32>
    %eq3A_182 = arith.cmpf oeq, %select_n3A_177, %eq3A_181 : vector<256x896xf32>
    %jit3A_183 = arith.constant 1073741824 : i32
    %broadcast_in_dim3A_184 = vector.broadcast %jit3A_183 : i32 to vector<256x896xi32>
    %select_n3A_185 = arith.select %eq3A_182, %iota3A, %broadcast_in_dim3A_184 : vector<256x896xi1>, vector<256x896xi32>
    %reduce_min3A_186 = arith.constant dense<2147483647> : vector<256xi32>
    %reduce_min3A_187 = vector.multi_reduction <minsi>, %select_n3A_185, %reduce_min3A_186 [1] : vector<256x896xi32> to vector<256xi32>
    %broadcast_in_dim3A_188 = vector.shape_cast %reduce_min3A_187 : vector<256xi32> to vector<256x1xi32>
    %eq3A_189 = vector.broadcast %broadcast_in_dim3A_188 : vector<256x1xi32> to vector<256x896xi32>
    %eq3A_190 = arith.cmpi eq, %iota3A, %eq3A_189 : vector<256x896xi32>
    %jit3A_191 = arith.constant 1.000000e+30 : f32
    %broadcast_in_dim3A_192 = vector.broadcast %jit3A_191 : f32 to vector<256x896xf32>
    %select_n3A_193 = arith.select %eq3A_190, %broadcast_in_dim3A_192, %select_n3A_177 : vector<256x896xi1>, vector<256x896xf32>
    %reduce_min3A_194 = arith.constant dense<0x7F800000> : vector<256xf32>
    %reduce_min3A_195 = vector.multi_reduction <minimumf>, %select_n3A_193, %reduce_min3A_194 [1] : vector<256x896xf32> to vector<256xf32>
    %broadcast_in_dim3A_196 = vector.shape_cast %reduce_min3A_195 : vector<256xf32> to vector<256x1xf32>
    %eq3A_197 = vector.broadcast %broadcast_in_dim3A_196 : vector<256x1xf32> to vector<256x896xf32>
    %eq3A_198 = arith.cmpf oeq, %select_n3A_193, %eq3A_197 : vector<256x896xf32>
    %jit3A_199 = arith.constant 1073741824 : i32
    %broadcast_in_dim3A_200 = vector.broadcast %jit3A_199 : i32 to vector<256x896xi32>
    %select_n3A_201 = arith.select %eq3A_198, %iota3A, %broadcast_in_dim3A_200 : vector<256x896xi1>, vector<256x896xi32>
    %reduce_min3A_202 = arith.constant dense<2147483647> : vector<256xi32>
    %reduce_min3A_203 = vector.multi_reduction <minsi>, %select_n3A_201, %reduce_min3A_202 [1] : vector<256x896xi32> to vector<256xi32>
    %broadcast_in_dim3A_204 = vector.shape_cast %reduce_min3A_203 : vector<256xi32> to vector<256x1xi32>
    %eq3A_205 = vector.broadcast %broadcast_in_dim3A_204 : vector<256x1xi32> to vector<256x896xi32>
    %eq3A_206 = arith.cmpi eq, %iota3A, %eq3A_205 : vector<256x896xi32>
    %jit3A_207 = arith.constant 1.000000e+30 : f32
    %broadcast_in_dim3A_208 = vector.broadcast %jit3A_207 : f32 to vector<256x896xf32>
    %select_n3A_209 = arith.select %eq3A_206, %broadcast_in_dim3A_208, %select_n3A_193 : vector<256x896xi1>, vector<256x896xf32>
    %reduce_min3A_210 = arith.constant dense<0x7F800000> : vector<256xf32>
    %reduce_min3A_211 = vector.multi_reduction <minimumf>, %select_n3A_209, %reduce_min3A_210 [1] : vector<256x896xf32> to vector<256xf32>
    %broadcast_in_dim3A_212 = vector.shape_cast %reduce_min3A_211 : vector<256xf32> to vector<256x1xf32>
    %eq3A_213 = vector.broadcast %broadcast_in_dim3A_212 : vector<256x1xf32> to vector<256x896xf32>
    %eq3A_214 = arith.cmpf oeq, %select_n3A_209, %eq3A_213 : vector<256x896xf32>
    %jit3A_215 = arith.constant 1073741824 : i32
    %broadcast_in_dim3A_216 = vector.broadcast %jit3A_215 : i32 to vector<256x896xi32>
    %select_n3A_217 = arith.select %eq3A_214, %iota3A, %broadcast_in_dim3A_216 : vector<256x896xi1>, vector<256x896xi32>
    %reduce_min3A_218 = arith.constant dense<2147483647> : vector<256xi32>
    %reduce_min3A_219 = vector.multi_reduction <minsi>, %select_n3A_217, %reduce_min3A_218 [1] : vector<256x896xi32> to vector<256xi32>
    %broadcast_in_dim3A_220 = vector.shape_cast %reduce_min3A_219 : vector<256xi32> to vector<256x1xi32>
    %eq3A_221 = vector.broadcast %broadcast_in_dim3A_220 : vector<256x1xi32> to vector<256x896xi32>
    %eq3A_222 = arith.cmpi eq, %iota3A, %eq3A_221 : vector<256x896xi32>
    %jit3A_223 = arith.constant 1.000000e+30 : f32
    %broadcast_in_dim3A_224 = vector.broadcast %jit3A_223 : f32 to vector<256x896xf32>
    %select_n3A_225 = arith.select %eq3A_222, %broadcast_in_dim3A_224, %select_n3A_209 : vector<256x896xi1>, vector<256x896xf32>
    %reduce_min3A_226 = arith.constant dense<0x7F800000> : vector<256xf32>
    %reduce_min3A_227 = vector.multi_reduction <minimumf>, %select_n3A_225, %reduce_min3A_226 [1] : vector<256x896xf32> to vector<256xf32>
    %broadcast_in_dim3A_228 = vector.shape_cast %reduce_min3A_227 : vector<256xf32> to vector<256x1xf32>
    %eq3A_229 = vector.broadcast %broadcast_in_dim3A_228 : vector<256x1xf32> to vector<256x896xf32>
    %eq3A_230 = arith.cmpf oeq, %select_n3A_225, %eq3A_229 : vector<256x896xf32>
    %jit3A_231 = arith.constant 1073741824 : i32
    %broadcast_in_dim3A_232 = vector.broadcast %jit3A_231 : i32 to vector<256x896xi32>
    %select_n3A_233 = arith.select %eq3A_230, %iota3A, %broadcast_in_dim3A_232 : vector<256x896xi1>, vector<256x896xi32>
    %reduce_min3A_234 = arith.constant dense<2147483647> : vector<256xi32>
    %reduce_min3A_235 = vector.multi_reduction <minsi>, %select_n3A_233, %reduce_min3A_234 [1] : vector<256x896xi32> to vector<256xi32>
    %broadcast_in_dim3A_236 = vector.shape_cast %reduce_min3A_235 : vector<256xi32> to vector<256x1xi32>
    %eq3A_237 = vector.broadcast %broadcast_in_dim3A_236 : vector<256x1xi32> to vector<256x896xi32>
    %eq3A_238 = arith.cmpi eq, %iota3A, %eq3A_237 : vector<256x896xi32>
    %jit3A_239 = arith.constant 1.000000e+30 : f32
    %broadcast_in_dim3A_240 = vector.broadcast %jit3A_239 : f32 to vector<256x896xf32>
    %select_n3A_241 = arith.select %eq3A_238, %broadcast_in_dim3A_240, %select_n3A_225 : vector<256x896xi1>, vector<256x896xf32>
    %reduce_min3A_242 = arith.constant dense<0x7F800000> : vector<256xf32>
    %reduce_min3A_243 = vector.multi_reduction <minimumf>, %select_n3A_241, %reduce_min3A_242 [1] : vector<256x896xf32> to vector<256xf32>
    %broadcast_in_dim3A_244 = vector.shape_cast %reduce_min3A_243 : vector<256xf32> to vector<256x1xf32>
    %eq3A_245 = vector.broadcast %broadcast_in_dim3A_244 : vector<256x1xf32> to vector<256x896xf32>
    %eq3A_246 = arith.cmpf oeq, %select_n3A_241, %eq3A_245 : vector<256x896xf32>
    %jit3A_247 = arith.constant 1073741824 : i32
    %broadcast_in_dim3A_248 = vector.broadcast %jit3A_247 : i32 to vector<256x896xi32>
    %select_n3A_249 = arith.select %eq3A_246, %iota3A, %broadcast_in_dim3A_248 : vector<256x896xi1>, vector<256x896xi32>
    %reduce_min3A_250 = arith.constant dense<2147483647> : vector<256xi32>
    %reduce_min3A_251 = vector.multi_reduction <minsi>, %select_n3A_249, %reduce_min3A_250 [1] : vector<256x896xi32> to vector<256xi32>
    %broadcast_in_dim3A_252 = vector.shape_cast %reduce_min3A_251 : vector<256xi32> to vector<256x1xi32>
    %concatenate3A = tpu.concatenate %broadcast_in_dim3A_12, %broadcast_in_dim3A_28, %broadcast_in_dim3A_44, %broadcast_in_dim3A_60, %broadcast_in_dim3A_76, %broadcast_in_dim3A_92, %broadcast_in_dim3A_108, %broadcast_in_dim3A_124, %broadcast_in_dim3A_140, %broadcast_in_dim3A_156, %broadcast_in_dim3A_172, %broadcast_in_dim3A_188, %broadcast_in_dim3A_204, %broadcast_in_dim3A_220, %broadcast_in_dim3A_236, %broadcast_in_dim3A_252 in 1 : vector<256x1xi32>, vector<256x1xi32>, vector<256x1xi32>, vector<256x1xi32>, vector<256x1xi32>, vector<256x1xi32>, vector<256x1xi32>, vector<256x1xi32>, vector<256x1xi32>, vector<256x1xi32>, vector<256x1xi32>, vector<256x1xi32>, vector<256x1xi32>, vector<256x1xi32>, vector<256x1xi32>, vector<256x1xi32> -> vector<256x16xi32>
    %reduce_min3A_253 = arith.constant dense<2147483647> : vector<256xi32>
    %reduce_min3A_254 = vector.multi_reduction <minsi>, %concatenate3A, %reduce_min3A_253 [1] : vector<256x16xi32> to vector<256xi32>
    %broadcast_in_dim3A_255 = vector.shape_cast %reduce_min3A_254 : vector<256xi32> to vector<256x1xi32>
    %eq3A_256 = vector.broadcast %broadcast_in_dim3A_255 : vector<256x1xi32> to vector<256x16xi32>
    %eq3A_257 = arith.cmpi eq, %concatenate3A, %eq3A_256 : vector<256x16xi32>
    %jit3A_258 = arith.constant 1073741824 : i32
    %broadcast_in_dim3A_259 = vector.broadcast %jit3A_258 : i32 to vector<256x16xi32>
    %select_n3A_260 = arith.select %eq3A_257, %broadcast_in_dim3A_259, %concatenate3A : vector<256x16xi1>, vector<256x16xi32>
    %reduce_min3A_261 = arith.constant dense<2147483647> : vector<256xi32>
    %reduce_min3A_262 = vector.multi_reduction <minsi>, %select_n3A_260, %reduce_min3A_261 [1] : vector<256x16xi32> to vector<256xi32>
    %broadcast_in_dim3A_263 = vector.shape_cast %reduce_min3A_262 : vector<256xi32> to vector<256x1xi32>
    %eq3A_264 = vector.broadcast %broadcast_in_dim3A_263 : vector<256x1xi32> to vector<256x16xi32>
    %eq3A_265 = arith.cmpi eq, %select_n3A_260, %eq3A_264 : vector<256x16xi32>
    %jit3A_266 = arith.constant 1073741824 : i32
    %broadcast_in_dim3A_267 = vector.broadcast %jit3A_266 : i32 to vector<256x16xi32>
    %select_n3A_268 = arith.select %eq3A_265, %broadcast_in_dim3A_267, %select_n3A_260 : vector<256x16xi1>, vector<256x16xi32>
    %reduce_min3A_269 = arith.constant dense<2147483647> : vector<256xi32>
    %reduce_min3A_270 = vector.multi_reduction <minsi>, %select_n3A_268, %reduce_min3A_269 [1] : vector<256x16xi32> to vector<256xi32>
    %broadcast_in_dim3A_271 = vector.shape_cast %reduce_min3A_270 : vector<256xi32> to vector<256x1xi32>
    %eq3A_272 = vector.broadcast %broadcast_in_dim3A_271 : vector<256x1xi32> to vector<256x16xi32>
    %eq3A_273 = arith.cmpi eq, %select_n3A_268, %eq3A_272 : vector<256x16xi32>
    %jit3A_274 = arith.constant 1073741824 : i32
    %broadcast_in_dim3A_275 = vector.broadcast %jit3A_274 : i32 to vector<256x16xi32>
    %select_n3A_276 = arith.select %eq3A_273, %broadcast_in_dim3A_275, %select_n3A_268 : vector<256x16xi1>, vector<256x16xi32>
    %reduce_min3A_277 = arith.constant dense<2147483647> : vector<256xi32>
    %reduce_min3A_278 = vector.multi_reduction <minsi>, %select_n3A_276, %reduce_min3A_277 [1] : vector<256x16xi32> to vector<256xi32>
    %broadcast_in_dim3A_279 = vector.shape_cast %reduce_min3A_278 : vector<256xi32> to vector<256x1xi32>
    %eq3A_280 = vector.broadcast %broadcast_in_dim3A_279 : vector<256x1xi32> to vector<256x16xi32>
    %eq3A_281 = arith.cmpi eq, %select_n3A_276, %eq3A_280 : vector<256x16xi32>
    %jit3A_282 = arith.constant 1073741824 : i32
    %broadcast_in_dim3A_283 = vector.broadcast %jit3A_282 : i32 to vector<256x16xi32>
    %select_n3A_284 = arith.select %eq3A_281, %broadcast_in_dim3A_283, %select_n3A_276 : vector<256x16xi1>, vector<256x16xi32>
    %reduce_min3A_285 = arith.constant dense<2147483647> : vector<256xi32>
    %reduce_min3A_286 = vector.multi_reduction <minsi>, %select_n3A_284, %reduce_min3A_285 [1] : vector<256x16xi32> to vector<256xi32>
    %broadcast_in_dim3A_287 = vector.shape_cast %reduce_min3A_286 : vector<256xi32> to vector<256x1xi32>
    %eq3A_288 = vector.broadcast %broadcast_in_dim3A_287 : vector<256x1xi32> to vector<256x16xi32>
    %eq3A_289 = arith.cmpi eq, %select_n3A_284, %eq3A_288 : vector<256x16xi32>
    %jit3A_290 = arith.constant 1073741824 : i32
    %broadcast_in_dim3A_291 = vector.broadcast %jit3A_290 : i32 to vector<256x16xi32>
    %select_n3A_292 = arith.select %eq3A_289, %broadcast_in_dim3A_291, %select_n3A_284 : vector<256x16xi1>, vector<256x16xi32>
    %reduce_min3A_293 = arith.constant dense<2147483647> : vector<256xi32>
    %reduce_min3A_294 = vector.multi_reduction <minsi>, %select_n3A_292, %reduce_min3A_293 [1] : vector<256x16xi32> to vector<256xi32>
    %broadcast_in_dim3A_295 = vector.shape_cast %reduce_min3A_294 : vector<256xi32> to vector<256x1xi32>
    %eq3A_296 = vector.broadcast %broadcast_in_dim3A_295 : vector<256x1xi32> to vector<256x16xi32>
    %eq3A_297 = arith.cmpi eq, %select_n3A_292, %eq3A_296 : vector<256x16xi32>
    %jit3A_298 = arith.constant 1073741824 : i32
    %broadcast_in_dim3A_299 = vector.broadcast %jit3A_298 : i32 to vector<256x16xi32>
    %select_n3A_300 = arith.select %eq3A_297, %broadcast_in_dim3A_299, %select_n3A_292 : vector<256x16xi1>, vector<256x16xi32>
    %reduce_min3A_301 = arith.constant dense<2147483647> : vector<256xi32>
    %reduce_min3A_302 = vector.multi_reduction <minsi>, %select_n3A_300, %reduce_min3A_301 [1] : vector<256x16xi32> to vector<256xi32>
    %broadcast_in_dim3A_303 = vector.shape_cast %reduce_min3A_302 : vector<256xi32> to vector<256x1xi32>
    %eq3A_304 = vector.broadcast %broadcast_in_dim3A_303 : vector<256x1xi32> to vector<256x16xi32>
    %eq3A_305 = arith.cmpi eq, %select_n3A_300, %eq3A_304 : vector<256x16xi32>
    %jit3A_306 = arith.constant 1073741824 : i32
    %broadcast_in_dim3A_307 = vector.broadcast %jit3A_306 : i32 to vector<256x16xi32>
    %select_n3A_308 = arith.select %eq3A_305, %broadcast_in_dim3A_307, %select_n3A_300 : vector<256x16xi1>, vector<256x16xi32>
    %reduce_min3A_309 = arith.constant dense<2147483647> : vector<256xi32>
    %reduce_min3A_310 = vector.multi_reduction <minsi>, %select_n3A_308, %reduce_min3A_309 [1] : vector<256x16xi32> to vector<256xi32>
    %broadcast_in_dim3A_311 = vector.shape_cast %reduce_min3A_310 : vector<256xi32> to vector<256x1xi32>
    %eq3A_312 = vector.broadcast %broadcast_in_dim3A_311 : vector<256x1xi32> to vector<256x16xi32>
    %eq3A_313 = arith.cmpi eq, %select_n3A_308, %eq3A_312 : vector<256x16xi32>
    %jit3A_314 = arith.constant 1073741824 : i32
    %broadcast_in_dim3A_315 = vector.broadcast %jit3A_314 : i32 to vector<256x16xi32>
    %select_n3A_316 = arith.select %eq3A_313, %broadcast_in_dim3A_315, %select_n3A_308 : vector<256x16xi1>, vector<256x16xi32>
    %reduce_min3A_317 = arith.constant dense<2147483647> : vector<256xi32>
    %reduce_min3A_318 = vector.multi_reduction <minsi>, %select_n3A_316, %reduce_min3A_317 [1] : vector<256x16xi32> to vector<256xi32>
    %broadcast_in_dim3A_319 = vector.shape_cast %reduce_min3A_318 : vector<256xi32> to vector<256x1xi32>
    %eq3A_320 = vector.broadcast %broadcast_in_dim3A_319 : vector<256x1xi32> to vector<256x16xi32>
    %eq3A_321 = arith.cmpi eq, %select_n3A_316, %eq3A_320 : vector<256x16xi32>
    %jit3A_322 = arith.constant 1073741824 : i32
    %broadcast_in_dim3A_323 = vector.broadcast %jit3A_322 : i32 to vector<256x16xi32>
    %select_n3A_324 = arith.select %eq3A_321, %broadcast_in_dim3A_323, %select_n3A_316 : vector<256x16xi1>, vector<256x16xi32>
    %reduce_min3A_325 = arith.constant dense<2147483647> : vector<256xi32>
    %reduce_min3A_326 = vector.multi_reduction <minsi>, %select_n3A_324, %reduce_min3A_325 [1] : vector<256x16xi32> to vector<256xi32>
    %broadcast_in_dim3A_327 = vector.shape_cast %reduce_min3A_326 : vector<256xi32> to vector<256x1xi32>
    %eq3A_328 = vector.broadcast %broadcast_in_dim3A_327 : vector<256x1xi32> to vector<256x16xi32>
    %eq3A_329 = arith.cmpi eq, %select_n3A_324, %eq3A_328 : vector<256x16xi32>
    %jit3A_330 = arith.constant 1073741824 : i32
    %broadcast_in_dim3A_331 = vector.broadcast %jit3A_330 : i32 to vector<256x16xi32>
    %select_n3A_332 = arith.select %eq3A_329, %broadcast_in_dim3A_331, %select_n3A_324 : vector<256x16xi1>, vector<256x16xi32>
    %reduce_min3A_333 = arith.constant dense<2147483647> : vector<256xi32>
    %reduce_min3A_334 = vector.multi_reduction <minsi>, %select_n3A_332, %reduce_min3A_333 [1] : vector<256x16xi32> to vector<256xi32>
    %broadcast_in_dim3A_335 = vector.shape_cast %reduce_min3A_334 : vector<256xi32> to vector<256x1xi32>
    %eq3A_336 = vector.broadcast %broadcast_in_dim3A_335 : vector<256x1xi32> to vector<256x16xi32>
    %eq3A_337 = arith.cmpi eq, %select_n3A_332, %eq3A_336 : vector<256x16xi32>
    %jit3A_338 = arith.constant 1073741824 : i32
    %broadcast_in_dim3A_339 = vector.broadcast %jit3A_338 : i32 to vector<256x16xi32>
    %select_n3A_340 = arith.select %eq3A_337, %broadcast_in_dim3A_339, %select_n3A_332 : vector<256x16xi1>, vector<256x16xi32>
    %reduce_min3A_341 = arith.constant dense<2147483647> : vector<256xi32>
    %reduce_min3A_342 = vector.multi_reduction <minsi>, %select_n3A_340, %reduce_min3A_341 [1] : vector<256x16xi32> to vector<256xi32>
    %broadcast_in_dim3A_343 = vector.shape_cast %reduce_min3A_342 : vector<256xi32> to vector<256x1xi32>
    %eq3A_344 = vector.broadcast %broadcast_in_dim3A_343 : vector<256x1xi32> to vector<256x16xi32>
    %eq3A_345 = arith.cmpi eq, %select_n3A_340, %eq3A_344 : vector<256x16xi32>
    %jit3A_346 = arith.constant 1073741824 : i32
    %broadcast_in_dim3A_347 = vector.broadcast %jit3A_346 : i32 to vector<256x16xi32>
    %select_n3A_348 = arith.select %eq3A_345, %broadcast_in_dim3A_347, %select_n3A_340 : vector<256x16xi1>, vector<256x16xi32>
    %reduce_min3A_349 = arith.constant dense<2147483647> : vector<256xi32>
    %reduce_min3A_350 = vector.multi_reduction <minsi>, %select_n3A_348, %reduce_min3A_349 [1] : vector<256x16xi32> to vector<256xi32>
    %broadcast_in_dim3A_351 = vector.shape_cast %reduce_min3A_350 : vector<256xi32> to vector<256x1xi32>
    %eq3A_352 = vector.broadcast %broadcast_in_dim3A_351 : vector<256x1xi32> to vector<256x16xi32>
    %eq3A_353 = arith.cmpi eq, %select_n3A_348, %eq3A_352 : vector<256x16xi32>
    %jit3A_354 = arith.constant 1073741824 : i32
    %broadcast_in_dim3A_355 = vector.broadcast %jit3A_354 : i32 to vector<256x16xi32>
    %select_n3A_356 = arith.select %eq3A_353, %broadcast_in_dim3A_355, %select_n3A_348 : vector<256x16xi1>, vector<256x16xi32>
    %reduce_min3A_357 = arith.constant dense<2147483647> : vector<256xi32>
    %reduce_min3A_358 = vector.multi_reduction <minsi>, %select_n3A_356, %reduce_min3A_357 [1] : vector<256x16xi32> to vector<256xi32>
    %broadcast_in_dim3A_359 = vector.shape_cast %reduce_min3A_358 : vector<256xi32> to vector<256x1xi32>
    %eq3A_360 = vector.broadcast %broadcast_in_dim3A_359 : vector<256x1xi32> to vector<256x16xi32>
    %eq3A_361 = arith.cmpi eq, %select_n3A_356, %eq3A_360 : vector<256x16xi32>
    %jit3A_362 = arith.constant 1073741824 : i32
    %broadcast_in_dim3A_363 = vector.broadcast %jit3A_362 : i32 to vector<256x16xi32>
    %select_n3A_364 = arith.select %eq3A_361, %broadcast_in_dim3A_363, %select_n3A_356 : vector<256x16xi1>, vector<256x16xi32>
    %reduce_min3A_365 = arith.constant dense<2147483647> : vector<256xi32>
    %reduce_min3A_366 = vector.multi_reduction <minsi>, %select_n3A_364, %reduce_min3A_365 [1] : vector<256x16xi32> to vector<256xi32>
    %broadcast_in_dim3A_367 = vector.shape_cast %reduce_min3A_366 : vector<256xi32> to vector<256x1xi32>
    %eq3A_368 = vector.broadcast %broadcast_in_dim3A_367 : vector<256x1xi32> to vector<256x16xi32>
    %eq3A_369 = arith.cmpi eq, %select_n3A_364, %eq3A_368 : vector<256x16xi32>
    %jit3A_370 = arith.constant 1073741824 : i32
    %broadcast_in_dim3A_371 = vector.broadcast %jit3A_370 : i32 to vector<256x16xi32>
    %select_n3A_372 = arith.select %eq3A_369, %broadcast_in_dim3A_371, %select_n3A_364 : vector<256x16xi1>, vector<256x16xi32>
    %reduce_min3A_373 = arith.constant dense<2147483647> : vector<256xi32>
    %reduce_min3A_374 = vector.multi_reduction <minsi>, %select_n3A_372, %reduce_min3A_373 [1] : vector<256x16xi32> to vector<256xi32>
    %broadcast_in_dim3A_375 = vector.shape_cast %reduce_min3A_374 : vector<256xi32> to vector<256x1xi32>
    %concatenate3A_376 = tpu.concatenate %broadcast_in_dim3A_255, %broadcast_in_dim3A_263, %broadcast_in_dim3A_271, %broadcast_in_dim3A_279, %broadcast_in_dim3A_287, %broadcast_in_dim3A_295, %broadcast_in_dim3A_303, %broadcast_in_dim3A_311, %broadcast_in_dim3A_319, %broadcast_in_dim3A_327, %broadcast_in_dim3A_335, %broadcast_in_dim3A_343, %broadcast_in_dim3A_351, %broadcast_in_dim3A_359, %broadcast_in_dim3A_367, %broadcast_in_dim3A_375 in 1 : vector<256x1xi32>, vector<256x1xi32>, vector<256x1xi32>, vector<256x1xi32>, vector<256x1xi32>, vector<256x1xi32>, vector<256x1xi32>, vector<256x1xi32>, vector<256x1xi32>, vector<256x1xi32>, vector<256x1xi32>, vector<256x1xi32>, vector<256x1xi32>, vector<256x1xi32>, vector<256x1xi32>, vector<256x1xi32> -> vector<256x16xi32>
    %swap3A = arith.constant 0 : index
    %swap3A_377 = arith.constant 0 : index
    %swap3A_378 = vector.load %arg2[%swap3A, %swap3A_377] : memref<256x16xi32, #tpu.memory_space<vmem>>, vector<256x16xi32>
    tpu.vector_store %arg2[%swap3A, %swap3A_377], %concatenate3A_376 {strides = array<i32>} : memref<256x16xi32, #tpu.memory_space<vmem>>, vector<256x16xi32>,
    return
  }
  func.func @transform_0(%arg0: i32) -> (i32, i32) {
    %c0_i32 = arith.constant 0 : i32
    %c0_i32_0 = arith.constant 0 : i32
    return %arg0, %c0_i32 : i32, i32
  }
  func.func @transform_1(%arg0: i32) -> (i32, i32) {
    %c0_i32 = arith.constant 0 : i32
    %c0_i32_0 = arith.constant 0 : i32
    return %arg0, %c0_i32 : i32, i32
  }
}

module attributes {stable_mosaic.version = 14 : i64} {
  func.func @_padmask_body(%arg0: i32, %arg1: memref<2000x200xf32, #tpu.memory_space<vmem>>, %arg2: memref<2000x256xf32, #tpu.memory_space<vmem>>) attributes {dimension_semantics = [#tpu.dimension_semantics<arbitrary>], iteration_bounds = array<i64: 50>, scalar_prefetch = 0 : i64, scratch_operands = 0 : i64, tpu.core_type = #tpu.core_type<tc>, window_params = [{transform_indices = @transform_0, window_bounds = array<i64: 2000, 200>}, {transform_indices = @transform_1, window_bounds = array<i64: 2000, 256>}]} {
    %get3A = arith.constant 0 : index
    %get3A_0 = arith.constant 0 : index
    %get3A_1 = vector.load %arg1[%get3A, %get3A_0] : memref<2000x200xf32, #tpu.memory_space<vmem>>, vector<2000x200xf32>
    %broadcast_in_dim3A = arith.constant 0.000000e+00 : f32
    %broadcast_in_dim3A_2 = vector.broadcast %broadcast_in_dim3A : f32 to vector<2000x56xf32>
    %concatenate3A = tpu.concatenate %get3A_1, %broadcast_in_dim3A_2 in 1 : vector<2000x200xf32>, vector<2000x56xf32> -> vector<2000x256xf32>
    %swap3A = arith.constant 0 : index
    %swap3A_3 = arith.constant 0 : index
    %swap3A_4 = vector.load %arg2[%swap3A, %swap3A_3] : memref<2000x256xf32, #tpu.memory_space<vmem>>, vector<2000x256xf32>
    tpu.vector_store %arg2[%swap3A, %swap3A_3], %concatenate3A {strides = array<i32>} : memref<2000x256xf32, #tpu.memory_space<vmem>>, vector<2000x256xf32>,
    return
  }
  func.func @transform_0(%arg0: i32) -> (i32, i32) {
    %c0_i32 = arith.constant 0 : i32
    %c0_i32_0 = arith.constant 0 : i32
    return %arg0, %c0_i32 : i32, i32
  }
  func.func @transform_1(%arg0: i32) -> (i32, i32) {
    %c0_i32 = arith.constant 0 : i32
    %c0_i32_0 = arith.constant 0 : i32
    return %arg0, %c0_i32 : i32, i32
  }
}

module attributes {stable_mosaic.version = 14 : i64} {
  func.func @_final_body(%arg0: i32, %arg1: memref<256x2048xf32, #tpu.memory_space<vmem>>, %arg2: memref<256x16xi32, #tpu.memory_space<vmem>>, %arg3: memref<256x16xf32, #tpu.memory_space<vmem>>, %arg4: memref<256x16xi32, #tpu.memory_space<vmem>>) attributes {dimension_semantics = [#tpu.dimension_semantics<arbitrary>], iteration_bounds = array<i64: 4>, scalar_prefetch = 0 : i64, scratch_operands = 0 : i64, tpu.core_type = #tpu.core_type<tc>, window_params = [{transform_indices = @transform_0, window_bounds = array<i64: 256, 2048>}, {transform_indices = @transform_1, window_bounds = array<i64: 256, 16>}, {transform_indices = @transform_2, window_bounds = array<i64: 256, 16>}, {transform_indices = @transform_3, window_bounds = array<i64: 256, 16>}]} {
    %get3A = arith.constant 0 : index
    %get3A_0 = arith.constant 0 : index
    %get3A_1 = vector.load %arg1[%get3A, %get3A_0] : memref<256x2048xf32, #tpu.memory_space<vmem>>, vector<256x2048xf32>
    %get3A_2 = arith.constant 0 : index
    %get3A_3 = arith.constant 0 : index
    %get3A_4 = vector.load %arg2[%get3A_2, %get3A_3] : memref<256x16xi32, #tpu.memory_space<vmem>>, vector<256x16xi32>
    %broadcast_in_dim3A = vector.shape_cast %get3A_4 : vector<256x16xi32> to vector<256x16x1xi32>
    %mul3A = arith.constant 128 : i32
    %mul3A_5 = vector.broadcast %mul3A : i32 to vector<256x16x1xi32>
    %mul3A_6 = arith.muli %broadcast_in_dim3A, %mul3A_5 : vector<256x16x1xi32>
    %iota3A = tpu.iota {dimensions = array<i32: 2>} : vector<256x16x128xi32>
    %add3A = vector.broadcast %mul3A_6 : vector<256x16x1xi32> to vector<256x16x128xi32>
    %add3A_7 = arith.addi %add3A, %iota3A : vector<256x16x128xi32>
    %reshape3A = vector.shape_cast %add3A_7 : vector<256x16x128xi32> to vector<256x2048xi32>
    %add3A_8 = arith.constant 1.000000e+00 : f32
    %add3A_9 = vector.broadcast %add3A_8 : f32 to vector<256x2048xf32>
    %add3A_10 = arith.addf %add3A_9, %get3A_1 : vector<256x2048xf32>
    %max3A = arith.constant 1.00000095 : f32
    %max3A_11 = vector.broadcast %max3A : f32 to vector<256x2048xf32>
    %max3A_12 = arith.maximumf %add3A_10, %max3A_11 : vector<256x2048xf32>
    %sub3A = arith.constant 1.000000e+00 : f32
    %sub3A_13 = vector.broadcast %sub3A : f32 to vector<256x2048xf32>
    %sub3A_14 = arith.subf %max3A_12, %sub3A_13 : vector<256x2048xf32>
    %sqrt3A = math.sqrt %sub3A_14 : vector<256x2048xf32>
    %add3A_15 = arith.constant 1.000000e+00 : f32
    %add3A_16 = vector.broadcast %add3A_15 : f32 to vector<256x2048xf32>
    %add3A_17 = arith.addf %max3A_12, %add3A_16 : vector<256x2048xf32>
    %sqrt3A_18 = math.sqrt %add3A_17 : vector<256x2048xf32>
    %add3A_19 = arith.addf %sqrt3A, %sqrt3A_18 : vector<256x2048xf32>
    %mul3A_20 = arith.mulf %sqrt3A, %add3A_19 : vector<256x2048xf32>
    %log1p3A = math.log1p %mul3A_20 : vector<256x2048xf32>
    %reduce_min3A = arith.constant dense<0x7F800000> : vector<256xf32>
    %reduce_min3A_21 = vector.multi_reduction <minimumf>, %log1p3A, %reduce_min3A [1] : vector<256x2048xf32> to vector<256xf32>
    %broadcast_in_dim3A_22 = vector.shape_cast %reduce_min3A_21 : vector<256xf32> to vector<256x1xf32>
    %eq3A = vector.broadcast %broadcast_in_dim3A_22 : vector<256x1xf32> to vector<256x2048xf32>
    %eq3A_23 = arith.cmpf oeq, %log1p3A, %eq3A : vector<256x2048xf32>
    %jit3A = arith.constant 1073741824 : i32
    %broadcast_in_dim3A_24 = vector.broadcast %jit3A : i32 to vector<256x2048xi32>
    %select_n3A = arith.select %eq3A_23, %reshape3A, %broadcast_in_dim3A_24 : vector<256x2048xi1>, vector<256x2048xi32>
    %reduce_min3A_25 = arith.constant dense<2147483647> : vector<256xi32>
    %reduce_min3A_26 = vector.multi_reduction <minsi>, %select_n3A, %reduce_min3A_25 [1] : vector<256x2048xi32> to vector<256xi32>
    %broadcast_in_dim3A_27 = vector.shape_cast %reduce_min3A_26 : vector<256xi32> to vector<256x1xi32>
    %eq3A_28 = vector.broadcast %broadcast_in_dim3A_27 : vector<256x1xi32> to vector<256x2048xi32>
    %eq3A_29 = arith.cmpi eq, %reshape3A, %eq3A_28 : vector<256x2048xi32>
    %jit3A_30 = arith.constant 1.000000e+30 : f32
    %broadcast_in_dim3A_31 = vector.broadcast %jit3A_30 : f32 to vector<256x2048xf32>
    %select_n3A_32 = arith.select %eq3A_29, %broadcast_in_dim3A_31, %log1p3A : vector<256x2048xi1>, vector<256x2048xf32>
    %reduce_min3A_33 = arith.constant dense<0x7F800000> : vector<256xf32>
    %reduce_min3A_34 = vector.multi_reduction <minimumf>, %select_n3A_32, %reduce_min3A_33 [1] : vector<256x2048xf32> to vector<256xf32>
    %broadcast_in_dim3A_35 = vector.shape_cast %reduce_min3A_34 : vector<256xf32> to vector<256x1xf32>
    %eq3A_36 = vector.broadcast %broadcast_in_dim3A_35 : vector<256x1xf32> to vector<256x2048xf32>
    %eq3A_37 = arith.cmpf oeq, %select_n3A_32, %eq3A_36 : vector<256x2048xf32>
    %jit3A_38 = arith.constant 1073741824 : i32
    %broadcast_in_dim3A_39 = vector.broadcast %jit3A_38 : i32 to vector<256x2048xi32>
    %select_n3A_40 = arith.select %eq3A_37, %reshape3A, %broadcast_in_dim3A_39 : vector<256x2048xi1>, vector<256x2048xi32>
    %reduce_min3A_41 = arith.constant dense<2147483647> : vector<256xi32>
    %reduce_min3A_42 = vector.multi_reduction <minsi>, %select_n3A_40, %reduce_min3A_41 [1] : vector<256x2048xi32> to vector<256xi32>
    %broadcast_in_dim3A_43 = vector.shape_cast %reduce_min3A_42 : vector<256xi32> to vector<256x1xi32>
    %eq3A_44 = vector.broadcast %broadcast_in_dim3A_43 : vector<256x1xi32> to vector<256x2048xi32>
    %eq3A_45 = arith.cmpi eq, %reshape3A, %eq3A_44 : vector<256x2048xi32>
    %jit3A_46 = arith.constant 1.000000e+30 : f32
    %broadcast_in_dim3A_47 = vector.broadcast %jit3A_46 : f32 to vector<256x2048xf32>
    %select_n3A_48 = arith.select %eq3A_45, %broadcast_in_dim3A_47, %select_n3A_32 : vector<256x2048xi1>, vector<256x2048xf32>
    %reduce_min3A_49 = arith.constant dense<0x7F800000> : vector<256xf32>
    %reduce_min3A_50 = vector.multi_reduction <minimumf>, %select_n3A_48, %reduce_min3A_49 [1] : vector<256x2048xf32> to vector<256xf32>
    %broadcast_in_dim3A_51 = vector.shape_cast %reduce_min3A_50 : vector<256xf32> to vector<256x1xf32>
    %eq3A_52 = vector.broadcast %broadcast_in_dim3A_51 : vector<256x1xf32> to vector<256x2048xf32>
    %eq3A_53 = arith.cmpf oeq, %select_n3A_48, %eq3A_52 : vector<256x2048xf32>
    %jit3A_54 = arith.constant 1073741824 : i32
    %broadcast_in_dim3A_55 = vector.broadcast %jit3A_54 : i32 to vector<256x2048xi32>
    %select_n3A_56 = arith.select %eq3A_53, %reshape3A, %broadcast_in_dim3A_55 : vector<256x2048xi1>, vector<256x2048xi32>
    %reduce_min3A_57 = arith.constant dense<2147483647> : vector<256xi32>
    %reduce_min3A_58 = vector.multi_reduction <minsi>, %select_n3A_56, %reduce_min3A_57 [1] : vector<256x2048xi32> to vector<256xi32>
    %broadcast_in_dim3A_59 = vector.shape_cast %reduce_min3A_58 : vector<256xi32> to vector<256x1xi32>
    %eq3A_60 = vector.broadcast %broadcast_in_dim3A_59 : vector<256x1xi32> to vector<256x2048xi32>
    %eq3A_61 = arith.cmpi eq, %reshape3A, %eq3A_60 : vector<256x2048xi32>
    %jit3A_62 = arith.constant 1.000000e+30 : f32
    %broadcast_in_dim3A_63 = vector.broadcast %jit3A_62 : f32 to vector<256x2048xf32>
    %select_n3A_64 = arith.select %eq3A_61, %broadcast_in_dim3A_63, %select_n3A_48 : vector<256x2048xi1>, vector<256x2048xf32>
    %reduce_min3A_65 = arith.constant dense<0x7F800000> : vector<256xf32>
    %reduce_min3A_66 = vector.multi_reduction <minimumf>, %select_n3A_64, %reduce_min3A_65 [1] : vector<256x2048xf32> to vector<256xf32>
    %broadcast_in_dim3A_67 = vector.shape_cast %reduce_min3A_66 : vector<256xf32> to vector<256x1xf32>
    %eq3A_68 = vector.broadcast %broadcast_in_dim3A_67 : vector<256x1xf32> to vector<256x2048xf32>
    %eq3A_69 = arith.cmpf oeq, %select_n3A_64, %eq3A_68 : vector<256x2048xf32>
    %jit3A_70 = arith.constant 1073741824 : i32
    %broadcast_in_dim3A_71 = vector.broadcast %jit3A_70 : i32 to vector<256x2048xi32>
    %select_n3A_72 = arith.select %eq3A_69, %reshape3A, %broadcast_in_dim3A_71 : vector<256x2048xi1>, vector<256x2048xi32>
    %reduce_min3A_73 = arith.constant dense<2147483647> : vector<256xi32>
    %reduce_min3A_74 = vector.multi_reduction <minsi>, %select_n3A_72, %reduce_min3A_73 [1] : vector<256x2048xi32> to vector<256xi32>
    %broadcast_in_dim3A_75 = vector.shape_cast %reduce_min3A_74 : vector<256xi32> to vector<256x1xi32>
    %eq3A_76 = vector.broadcast %broadcast_in_dim3A_75 : vector<256x1xi32> to vector<256x2048xi32>
    %eq3A_77 = arith.cmpi eq, %reshape3A, %eq3A_76 : vector<256x2048xi32>
    %jit3A_78 = arith.constant 1.000000e+30 : f32
    %broadcast_in_dim3A_79 = vector.broadcast %jit3A_78 : f32 to vector<256x2048xf32>
    %select_n3A_80 = arith.select %eq3A_77, %broadcast_in_dim3A_79, %select_n3A_64 : vector<256x2048xi1>, vector<256x2048xf32>
    %reduce_min3A_81 = arith.constant dense<0x7F800000> : vector<256xf32>
    %reduce_min3A_82 = vector.multi_reduction <minimumf>, %select_n3A_80, %reduce_min3A_81 [1] : vector<256x2048xf32> to vector<256xf32>
    %broadcast_in_dim3A_83 = vector.shape_cast %reduce_min3A_82 : vector<256xf32> to vector<256x1xf32>
    %eq3A_84 = vector.broadcast %broadcast_in_dim3A_83 : vector<256x1xf32> to vector<256x2048xf32>
    %eq3A_85 = arith.cmpf oeq, %select_n3A_80, %eq3A_84 : vector<256x2048xf32>
    %jit3A_86 = arith.constant 1073741824 : i32
    %broadcast_in_dim3A_87 = vector.broadcast %jit3A_86 : i32 to vector<256x2048xi32>
    %select_n3A_88 = arith.select %eq3A_85, %reshape3A, %broadcast_in_dim3A_87 : vector<256x2048xi1>, vector<256x2048xi32>
    %reduce_min3A_89 = arith.constant dense<2147483647> : vector<256xi32>
    %reduce_min3A_90 = vector.multi_reduction <minsi>, %select_n3A_88, %reduce_min3A_89 [1] : vector<256x2048xi32> to vector<256xi32>
    %broadcast_in_dim3A_91 = vector.shape_cast %reduce_min3A_90 : vector<256xi32> to vector<256x1xi32>
    %eq3A_92 = vector.broadcast %broadcast_in_dim3A_91 : vector<256x1xi32> to vector<256x2048xi32>
    %eq3A_93 = arith.cmpi eq, %reshape3A, %eq3A_92 : vector<256x2048xi32>
    %jit3A_94 = arith.constant 1.000000e+30 : f32
    %broadcast_in_dim3A_95 = vector.broadcast %jit3A_94 : f32 to vector<256x2048xf32>
    %select_n3A_96 = arith.select %eq3A_93, %broadcast_in_dim3A_95, %select_n3A_80 : vector<256x2048xi1>, vector<256x2048xf32>
    %reduce_min3A_97 = arith.constant dense<0x7F800000> : vector<256xf32>
    %reduce_min3A_98 = vector.multi_reduction <minimumf>, %select_n3A_96, %reduce_min3A_97 [1] : vector<256x2048xf32> to vector<256xf32>
    %broadcast_in_dim3A_99 = vector.shape_cast %reduce_min3A_98 : vector<256xf32> to vector<256x1xf32>
    %eq3A_100 = vector.broadcast %broadcast_in_dim3A_99 : vector<256x1xf32> to vector<256x2048xf32>
    %eq3A_101 = arith.cmpf oeq, %select_n3A_96, %eq3A_100 : vector<256x2048xf32>
    %jit3A_102 = arith.constant 1073741824 : i32
    %broadcast_in_dim3A_103 = vector.broadcast %jit3A_102 : i32 to vector<256x2048xi32>
    %select_n3A_104 = arith.select %eq3A_101, %reshape3A, %broadcast_in_dim3A_103 : vector<256x2048xi1>, vector<256x2048xi32>
    %reduce_min3A_105 = arith.constant dense<2147483647> : vector<256xi32>
    %reduce_min3A_106 = vector.multi_reduction <minsi>, %select_n3A_104, %reduce_min3A_105 [1] : vector<256x2048xi32> to vector<256xi32>
    %broadcast_in_dim3A_107 = vector.shape_cast %reduce_min3A_106 : vector<256xi32> to vector<256x1xi32>
    %eq3A_108 = vector.broadcast %broadcast_in_dim3A_107 : vector<256x1xi32> to vector<256x2048xi32>
    %eq3A_109 = arith.cmpi eq, %reshape3A, %eq3A_108 : vector<256x2048xi32>
    %jit3A_110 = arith.constant 1.000000e+30 : f32
    %broadcast_in_dim3A_111 = vector.broadcast %jit3A_110 : f32 to vector<256x2048xf32>
    %select_n3A_112 = arith.select %eq3A_109, %broadcast_in_dim3A_111, %select_n3A_96 : vector<256x2048xi1>, vector<256x2048xf32>
    %reduce_min3A_113 = arith.constant dense<0x7F800000> : vector<256xf32>
    %reduce_min3A_114 = vector.multi_reduction <minimumf>, %select_n3A_112, %reduce_min3A_113 [1] : vector<256x2048xf32> to vector<256xf32>
    %broadcast_in_dim3A_115 = vector.shape_cast %reduce_min3A_114 : vector<256xf32> to vector<256x1xf32>
    %eq3A_116 = vector.broadcast %broadcast_in_dim3A_115 : vector<256x1xf32> to vector<256x2048xf32>
    %eq3A_117 = arith.cmpf oeq, %select_n3A_112, %eq3A_116 : vector<256x2048xf32>
    %jit3A_118 = arith.constant 1073741824 : i32
    %broadcast_in_dim3A_119 = vector.broadcast %jit3A_118 : i32 to vector<256x2048xi32>
    %select_n3A_120 = arith.select %eq3A_117, %reshape3A, %broadcast_in_dim3A_119 : vector<256x2048xi1>, vector<256x2048xi32>
    %reduce_min3A_121 = arith.constant dense<2147483647> : vector<256xi32>
    %reduce_min3A_122 = vector.multi_reduction <minsi>, %select_n3A_120, %reduce_min3A_121 [1] : vector<256x2048xi32> to vector<256xi32>
    %broadcast_in_dim3A_123 = vector.shape_cast %reduce_min3A_122 : vector<256xi32> to vector<256x1xi32>
    %eq3A_124 = vector.broadcast %broadcast_in_dim3A_123 : vector<256x1xi32> to vector<256x2048xi32>
    %eq3A_125 = arith.cmpi eq, %reshape3A, %eq3A_124 : vector<256x2048xi32>
    %jit3A_126 = arith.constant 1.000000e+30 : f32
    %broadcast_in_dim3A_127 = vector.broadcast %jit3A_126 : f32 to vector<256x2048xf32>
    %select_n3A_128 = arith.select %eq3A_125, %broadcast_in_dim3A_127, %select_n3A_112 : vector<256x2048xi1>, vector<256x2048xf32>
    %reduce_min3A_129 = arith.constant dense<0x7F800000> : vector<256xf32>
    %reduce_min3A_130 = vector.multi_reduction <minimumf>, %select_n3A_128, %reduce_min3A_129 [1] : vector<256x2048xf32> to vector<256xf32>
    %broadcast_in_dim3A_131 = vector.shape_cast %reduce_min3A_130 : vector<256xf32> to vector<256x1xf32>
    %eq3A_132 = vector.broadcast %broadcast_in_dim3A_131 : vector<256x1xf32> to vector<256x2048xf32>
    %eq3A_133 = arith.cmpf oeq, %select_n3A_128, %eq3A_132 : vector<256x2048xf32>
    %jit3A_134 = arith.constant 1073741824 : i32
    %broadcast_in_dim3A_135 = vector.broadcast %jit3A_134 : i32 to vector<256x2048xi32>
    %select_n3A_136 = arith.select %eq3A_133, %reshape3A, %broadcast_in_dim3A_135 : vector<256x2048xi1>, vector<256x2048xi32>
    %reduce_min3A_137 = arith.constant dense<2147483647> : vector<256xi32>
    %reduce_min3A_138 = vector.multi_reduction <minsi>, %select_n3A_136, %reduce_min3A_137 [1] : vector<256x2048xi32> to vector<256xi32>
    %broadcast_in_dim3A_139 = vector.shape_cast %reduce_min3A_138 : vector<256xi32> to vector<256x1xi32>
    %eq3A_140 = vector.broadcast %broadcast_in_dim3A_139 : vector<256x1xi32> to vector<256x2048xi32>
    %eq3A_141 = arith.cmpi eq, %reshape3A, %eq3A_140 : vector<256x2048xi32>
    %jit3A_142 = arith.constant 1.000000e+30 : f32
    %broadcast_in_dim3A_143 = vector.broadcast %jit3A_142 : f32 to vector<256x2048xf32>
    %select_n3A_144 = arith.select %eq3A_141, %broadcast_in_dim3A_143, %select_n3A_128 : vector<256x2048xi1>, vector<256x2048xf32>
    %reduce_min3A_145 = arith.constant dense<0x7F800000> : vector<256xf32>
    %reduce_min3A_146 = vector.multi_reduction <minimumf>, %select_n3A_144, %reduce_min3A_145 [1] : vector<256x2048xf32> to vector<256xf32>
    %broadcast_in_dim3A_147 = vector.shape_cast %reduce_min3A_146 : vector<256xf32> to vector<256x1xf32>
    %eq3A_148 = vector.broadcast %broadcast_in_dim3A_147 : vector<256x1xf32> to vector<256x2048xf32>
    %eq3A_149 = arith.cmpf oeq, %select_n3A_144, %eq3A_148 : vector<256x2048xf32>
    %jit3A_150 = arith.constant 1073741824 : i32
    %broadcast_in_dim3A_151 = vector.broadcast %jit3A_150 : i32 to vector<256x2048xi32>
    %select_n3A_152 = arith.select %eq3A_149, %reshape3A, %broadcast_in_dim3A_151 : vector<256x2048xi1>, vector<256x2048xi32>
    %reduce_min3A_153 = arith.constant dense<2147483647> : vector<256xi32>
    %reduce_min3A_154 = vector.multi_reduction <minsi>, %select_n3A_152, %reduce_min3A_153 [1] : vector<256x2048xi32> to vector<256xi32>
    %broadcast_in_dim3A_155 = vector.shape_cast %reduce_min3A_154 : vector<256xi32> to vector<256x1xi32>
    %eq3A_156 = vector.broadcast %broadcast_in_dim3A_155 : vector<256x1xi32> to vector<256x2048xi32>
    %eq3A_157 = arith.cmpi eq, %reshape3A, %eq3A_156 : vector<256x2048xi32>
    %jit3A_158 = arith.constant 1.000000e+30 : f32
    %broadcast_in_dim3A_159 = vector.broadcast %jit3A_158 : f32 to vector<256x2048xf32>
    %select_n3A_160 = arith.select %eq3A_157, %broadcast_in_dim3A_159, %select_n3A_144 : vector<256x2048xi1>, vector<256x2048xf32>
    %reduce_min3A_161 = arith.constant dense<0x7F800000> : vector<256xf32>
    %reduce_min3A_162 = vector.multi_reduction <minimumf>, %select_n3A_160, %reduce_min3A_161 [1] : vector<256x2048xf32> to vector<256xf32>
    %broadcast_in_dim3A_163 = vector.shape_cast %reduce_min3A_162 : vector<256xf32> to vector<256x1xf32>
    %eq3A_164 = vector.broadcast %broadcast_in_dim3A_163 : vector<256x1xf32> to vector<256x2048xf32>
    %eq3A_165 = arith.cmpf oeq, %select_n3A_160, %eq3A_164 : vector<256x2048xf32>
    %jit3A_166 = arith.constant 1073741824 : i32
    %broadcast_in_dim3A_167 = vector.broadcast %jit3A_166 : i32 to vector<256x2048xi32>
    %select_n3A_168 = arith.select %eq3A_165, %reshape3A, %broadcast_in_dim3A_167 : vector<256x2048xi1>, vector<256x2048xi32>
    %reduce_min3A_169 = arith.constant dense<2147483647> : vector<256xi32>
    %reduce_min3A_170 = vector.multi_reduction <minsi>, %select_n3A_168, %reduce_min3A_169 [1] : vector<256x2048xi32> to vector<256xi32>
    %broadcast_in_dim3A_171 = vector.shape_cast %reduce_min3A_170 : vector<256xi32> to vector<256x1xi32>
    %eq3A_172 = vector.broadcast %broadcast_in_dim3A_171 : vector<256x1xi32> to vector<256x2048xi32>
    %eq3A_173 = arith.cmpi eq, %reshape3A, %eq3A_172 : vector<256x2048xi32>
    %jit3A_174 = arith.constant 1.000000e+30 : f32
    %broadcast_in_dim3A_175 = vector.broadcast %jit3A_174 : f32 to vector<256x2048xf32>
    %select_n3A_176 = arith.select %eq3A_173, %broadcast_in_dim3A_175, %select_n3A_160 : vector<256x2048xi1>, vector<256x2048xf32>
    %reduce_min3A_177 = arith.constant dense<0x7F800000> : vector<256xf32>
    %reduce_min3A_178 = vector.multi_reduction <minimumf>, %select_n3A_176, %reduce_min3A_177 [1] : vector<256x2048xf32> to vector<256xf32>
    %broadcast_in_dim3A_179 = vector.shape_cast %reduce_min3A_178 : vector<256xf32> to vector<256x1xf32>
    %eq3A_180 = vector.broadcast %broadcast_in_dim3A_179 : vector<256x1xf32> to vector<256x2048xf32>
    %eq3A_181 = arith.cmpf oeq, %select_n3A_176, %eq3A_180 : vector<256x2048xf32>
    %jit3A_182 = arith.constant 1073741824 : i32
    %broadcast_in_dim3A_183 = vector.broadcast %jit3A_182 : i32 to vector<256x2048xi32>
    %select_n3A_184 = arith.select %eq3A_181, %reshape3A, %broadcast_in_dim3A_183 : vector<256x2048xi1>, vector<256x2048xi32>
    %reduce_min3A_185 = arith.constant dense<2147483647> : vector<256xi32>
    %reduce_min3A_186 = vector.multi_reduction <minsi>, %select_n3A_184, %reduce_min3A_185 [1] : vector<256x2048xi32> to vector<256xi32>
    %broadcast_in_dim3A_187 = vector.shape_cast %reduce_min3A_186 : vector<256xi32> to vector<256x1xi32>
    %eq3A_188 = vector.broadcast %broadcast_in_dim3A_187 : vector<256x1xi32> to vector<256x2048xi32>
    %eq3A_189 = arith.cmpi eq, %reshape3A, %eq3A_188 : vector<256x2048xi32>
    %jit3A_190 = arith.constant 1.000000e+30 : f32
    %broadcast_in_dim3A_191 = vector.broadcast %jit3A_190 : f32 to vector<256x2048xf32>
    %select_n3A_192 = arith.select %eq3A_189, %broadcast_in_dim3A_191, %select_n3A_176 : vector<256x2048xi1>, vector<256x2048xf32>
    %reduce_min3A_193 = arith.constant dense<0x7F800000> : vector<256xf32>
    %reduce_min3A_194 = vector.multi_reduction <minimumf>, %select_n3A_192, %reduce_min3A_193 [1] : vector<256x2048xf32> to vector<256xf32>
    %broadcast_in_dim3A_195 = vector.shape_cast %reduce_min3A_194 : vector<256xf32> to vector<256x1xf32>
    %eq3A_196 = vector.broadcast %broadcast_in_dim3A_195 : vector<256x1xf32> to vector<256x2048xf32>
    %eq3A_197 = arith.cmpf oeq, %select_n3A_192, %eq3A_196 : vector<256x2048xf32>
    %jit3A_198 = arith.constant 1073741824 : i32
    %broadcast_in_dim3A_199 = vector.broadcast %jit3A_198 : i32 to vector<256x2048xi32>
    %select_n3A_200 = arith.select %eq3A_197, %reshape3A, %broadcast_in_dim3A_199 : vector<256x2048xi1>, vector<256x2048xi32>
    %reduce_min3A_201 = arith.constant dense<2147483647> : vector<256xi32>
    %reduce_min3A_202 = vector.multi_reduction <minsi>, %select_n3A_200, %reduce_min3A_201 [1] : vector<256x2048xi32> to vector<256xi32>
    %broadcast_in_dim3A_203 = vector.shape_cast %reduce_min3A_202 : vector<256xi32> to vector<256x1xi32>
    %eq3A_204 = vector.broadcast %broadcast_in_dim3A_203 : vector<256x1xi32> to vector<256x2048xi32>
    %eq3A_205 = arith.cmpi eq, %reshape3A, %eq3A_204 : vector<256x2048xi32>
    %jit3A_206 = arith.constant 1.000000e+30 : f32
    %broadcast_in_dim3A_207 = vector.broadcast %jit3A_206 : f32 to vector<256x2048xf32>
    %select_n3A_208 = arith.select %eq3A_205, %broadcast_in_dim3A_207, %select_n3A_192 : vector<256x2048xi1>, vector<256x2048xf32>
    %reduce_min3A_209 = arith.constant dense<0x7F800000> : vector<256xf32>
    %reduce_min3A_210 = vector.multi_reduction <minimumf>, %select_n3A_208, %reduce_min3A_209 [1] : vector<256x2048xf32> to vector<256xf32>
    %broadcast_in_dim3A_211 = vector.shape_cast %reduce_min3A_210 : vector<256xf32> to vector<256x1xf32>
    %eq3A_212 = vector.broadcast %broadcast_in_dim3A_211 : vector<256x1xf32> to vector<256x2048xf32>
    %eq3A_213 = arith.cmpf oeq, %select_n3A_208, %eq3A_212 : vector<256x2048xf32>
    %jit3A_214 = arith.constant 1073741824 : i32
    %broadcast_in_dim3A_215 = vector.broadcast %jit3A_214 : i32 to vector<256x2048xi32>
    %select_n3A_216 = arith.select %eq3A_213, %reshape3A, %broadcast_in_dim3A_215 : vector<256x2048xi1>, vector<256x2048xi32>
    %reduce_min3A_217 = arith.constant dense<2147483647> : vector<256xi32>
    %reduce_min3A_218 = vector.multi_reduction <minsi>, %select_n3A_216, %reduce_min3A_217 [1] : vector<256x2048xi32> to vector<256xi32>
    %broadcast_in_dim3A_219 = vector.shape_cast %reduce_min3A_218 : vector<256xi32> to vector<256x1xi32>
    %eq3A_220 = vector.broadcast %broadcast_in_dim3A_219 : vector<256x1xi32> to vector<256x2048xi32>
    %eq3A_221 = arith.cmpi eq, %reshape3A, %eq3A_220 : vector<256x2048xi32>
    %jit3A_222 = arith.constant 1.000000e+30 : f32
    %broadcast_in_dim3A_223 = vector.broadcast %jit3A_222 : f32 to vector<256x2048xf32>
    %select_n3A_224 = arith.select %eq3A_221, %broadcast_in_dim3A_223, %select_n3A_208 : vector<256x2048xi1>, vector<256x2048xf32>
    %reduce_min3A_225 = arith.constant dense<0x7F800000> : vector<256xf32>
    %reduce_min3A_226 = vector.multi_reduction <minimumf>, %select_n3A_224, %reduce_min3A_225 [1] : vector<256x2048xf32> to vector<256xf32>
    %broadcast_in_dim3A_227 = vector.shape_cast %reduce_min3A_226 : vector<256xf32> to vector<256x1xf32>
    %eq3A_228 = vector.broadcast %broadcast_in_dim3A_227 : vector<256x1xf32> to vector<256x2048xf32>
    %eq3A_229 = arith.cmpf oeq, %select_n3A_224, %eq3A_228 : vector<256x2048xf32>
    %jit3A_230 = arith.constant 1073741824 : i32
    %broadcast_in_dim3A_231 = vector.broadcast %jit3A_230 : i32 to vector<256x2048xi32>
    %select_n3A_232 = arith.select %eq3A_229, %reshape3A, %broadcast_in_dim3A_231 : vector<256x2048xi1>, vector<256x2048xi32>
    %reduce_min3A_233 = arith.constant dense<2147483647> : vector<256xi32>
    %reduce_min3A_234 = vector.multi_reduction <minsi>, %select_n3A_232, %reduce_min3A_233 [1] : vector<256x2048xi32> to vector<256xi32>
    %broadcast_in_dim3A_235 = vector.shape_cast %reduce_min3A_234 : vector<256xi32> to vector<256x1xi32>
    %eq3A_236 = vector.broadcast %broadcast_in_dim3A_235 : vector<256x1xi32> to vector<256x2048xi32>
    %eq3A_237 = arith.cmpi eq, %reshape3A, %eq3A_236 : vector<256x2048xi32>
    %jit3A_238 = arith.constant 1.000000e+30 : f32
    %broadcast_in_dim3A_239 = vector.broadcast %jit3A_238 : f32 to vector<256x2048xf32>
    %select_n3A_240 = arith.select %eq3A_237, %broadcast_in_dim3A_239, %select_n3A_224 : vector<256x2048xi1>, vector<256x2048xf32>
    %reduce_min3A_241 = arith.constant dense<0x7F800000> : vector<256xf32>
    %reduce_min3A_242 = vector.multi_reduction <minimumf>, %select_n3A_240, %reduce_min3A_241 [1] : vector<256x2048xf32> to vector<256xf32>
    %broadcast_in_dim3A_243 = vector.shape_cast %reduce_min3A_242 : vector<256xf32> to vector<256x1xf32>
    %eq3A_244 = vector.broadcast %broadcast_in_dim3A_243 : vector<256x1xf32> to vector<256x2048xf32>
    %eq3A_245 = arith.cmpf oeq, %select_n3A_240, %eq3A_244 : vector<256x2048xf32>
    %jit3A_246 = arith.constant 1073741824 : i32
    %broadcast_in_dim3A_247 = vector.broadcast %jit3A_246 : i32 to vector<256x2048xi32>
    %select_n3A_248 = arith.select %eq3A_245, %reshape3A, %broadcast_in_dim3A_247 : vector<256x2048xi1>, vector<256x2048xi32>
    %reduce_min3A_249 = arith.constant dense<2147483647> : vector<256xi32>
    %reduce_min3A_250 = vector.multi_reduction <minsi>, %select_n3A_248, %reduce_min3A_249 [1] : vector<256x2048xi32> to vector<256xi32>
    %broadcast_in_dim3A_251 = vector.shape_cast %reduce_min3A_250 : vector<256xi32> to vector<256x1xi32>
    %eq3A_252 = vector.broadcast %broadcast_in_dim3A_251 : vector<256x1xi32> to vector<256x2048xi32>
    %eq3A_253 = arith.cmpi eq, %reshape3A, %eq3A_252 : vector<256x2048xi32>
    %jit3A_254 = arith.constant 1.000000e+30 : f32
    %broadcast_in_dim3A_255 = vector.broadcast %jit3A_254 : f32 to vector<256x2048xf32>
    %select_n3A_256 = arith.select %eq3A_253, %broadcast_in_dim3A_255, %select_n3A_240 : vector<256x2048xi1>, vector<256x2048xf32>
    %reduce_min3A_257 = arith.constant dense<0x7F800000> : vector<256xf32>
    %reduce_min3A_258 = vector.multi_reduction <minimumf>, %select_n3A_256, %reduce_min3A_257 [1] : vector<256x2048xf32> to vector<256xf32>
    %broadcast_in_dim3A_259 = vector.shape_cast %reduce_min3A_258 : vector<256xf32> to vector<256x1xf32>
    %eq3A_260 = vector.broadcast %broadcast_in_dim3A_259 : vector<256x1xf32> to vector<256x2048xf32>
    %eq3A_261 = arith.cmpf oeq, %select_n3A_256, %eq3A_260 : vector<256x2048xf32>
    %jit3A_262 = arith.constant 1073741824 : i32
    %broadcast_in_dim3A_263 = vector.broadcast %jit3A_262 : i32 to vector<256x2048xi32>
    %select_n3A_264 = arith.select %eq3A_261, %reshape3A, %broadcast_in_dim3A_263 : vector<256x2048xi1>, vector<256x2048xi32>
    %reduce_min3A_265 = arith.constant dense<2147483647> : vector<256xi32>
    %reduce_min3A_266 = vector.multi_reduction <minsi>, %select_n3A_264, %reduce_min3A_265 [1] : vector<256x2048xi32> to vector<256xi32>
    %broadcast_in_dim3A_267 = vector.shape_cast %reduce_min3A_266 : vector<256xi32> to vector<256x1xi32>
    %concatenate3A = tpu.concatenate %broadcast_in_dim3A_22, %broadcast_in_dim3A_35, %broadcast_in_dim3A_51, %broadcast_in_dim3A_67, %broadcast_in_dim3A_83, %broadcast_in_dim3A_99, %broadcast_in_dim3A_115, %broadcast_in_dim3A_131, %broadcast_in_dim3A_147, %broadcast_in_dim3A_163, %broadcast_in_dim3A_179, %broadcast_in_dim3A_195, %broadcast_in_dim3A_211, %broadcast_in_dim3A_227, %broadcast_in_dim3A_243, %broadcast_in_dim3A_259 in 1 : vector<256x1xf32>, vector<256x1xf32>, vector<256x1xf32>, vector<256x1xf32>, vector<256x1xf32>, vector<256x1xf32>, vector<256x1xf32>, vector<256x1xf32>, vector<256x1xf32>, vector<256x1xf32>, vector<256x1xf32>, vector<256x1xf32>, vector<256x1xf32>, vector<256x1xf32>, vector<256x1xf32>, vector<256x1xf32> -> vector<256x16xf32>
    %concatenate3A_268 = tpu.concatenate %broadcast_in_dim3A_27, %broadcast_in_dim3A_43, %broadcast_in_dim3A_59, %broadcast_in_dim3A_75, %broadcast_in_dim3A_91, %broadcast_in_dim3A_107, %broadcast_in_dim3A_123, %broadcast_in_dim3A_139, %broadcast_in_dim3A_155, %broadcast_in_dim3A_171, %broadcast_in_dim3A_187, %broadcast_in_dim3A_203, %broadcast_in_dim3A_219, %broadcast_in_dim3A_235, %broadcast_in_dim3A_251, %broadcast_in_dim3A_267 in 1 : vector<256x1xi32>, vector<256x1xi32>, vector<256x1xi32>, vector<256x1xi32>, vector<256x1xi32>, vector<256x1xi32>, vector<256x1xi32>, vector<256x1xi32>, vector<256x1xi32>, vector<256x1xi32>, vector<256x1xi32>, vector<256x1xi32>, vector<256x1xi32>, vector<256x1xi32>, vector<256x1xi32>, vector<256x1xi32> -> vector<256x16xi32>
    %slice3A = vector.extract_strided_slice %concatenate3A {offsets = [0, 0], sizes = [256, 1], strides = [1, 1]} : vector<256x16xf32> to vector<256x1xf32>
    %sub3A_269 = vector.broadcast %slice3A : vector<256x1xf32> to vector<256x16xf32>
    %sub3A_270 = arith.subf %sub3A_269, %concatenate3A : vector<256x16xf32>
    %exp3A = math.exp %sub3A_270 : vector<256x16xf32>
    %slice3A_271 = vector.extract_strided_slice %exp3A {offsets = [0, 0], sizes = [256, 8], strides = [1, 1]} : vector<256x16xf32> to vector<256x8xf32>
    %slice3A_272 = vector.extract_strided_slice %exp3A {offsets = [0, 8], sizes = [256, 8], strides = [1, 1]} : vector<256x16xf32> to vector<256x8xf32>
    %add3A_273 = arith.addf %slice3A_271, %slice3A_272 : vector<256x8xf32>
    %slice3A_274 = vector.extract_strided_slice %add3A_273 {offsets = [0, 0], sizes = [256, 4], strides = [1, 1]} : vector<256x8xf32> to vector<256x4xf32>
    %slice3A_275 = vector.extract_strided_slice %add3A_273 {offsets = [0, 4], sizes = [256, 4], strides = [1, 1]} : vector<256x8xf32> to vector<256x4xf32>
    %add3A_276 = arith.addf %slice3A_274, %slice3A_275 : vector<256x4xf32>
    %slice3A_277 = vector.extract_strided_slice %add3A_276 {offsets = [0, 0], sizes = [256, 2], strides = [1, 1]} : vector<256x4xf32> to vector<256x2xf32>
    %slice3A_278 = vector.extract_strided_slice %add3A_276 {offsets = [0, 2], sizes = [256, 2], strides = [1, 1]} : vector<256x4xf32> to vector<256x2xf32>
    %add3A_279 = arith.addf %slice3A_277, %slice3A_278 : vector<256x2xf32>
    %slice3A_280 = vector.extract_strided_slice %add3A_279 {offsets = [0, 0], sizes = [256, 1], strides = [1, 1]} : vector<256x2xf32> to vector<256x1xf32>
    %slice3A_281 = vector.extract_strided_slice %add3A_279 {offsets = [0, 1], sizes = [256, 1], strides = [1, 1]} : vector<256x2xf32> to vector<256x1xf32>
    %add3A_282 = arith.addf %slice3A_280, %slice3A_281 : vector<256x1xf32>
    %div3A = vector.broadcast %add3A_282 : vector<256x1xf32> to vector<256x16xf32>
    %div3A_283 = arith.divf %exp3A, %div3A : vector<256x16xf32>
    %swap3A = arith.constant 0 : index
    %swap3A_284 = arith.constant 0 : index
    %swap3A_285 = vector.load %arg3[%swap3A, %swap3A_284] : memref<256x16xf32, #tpu.memory_space<vmem>>, vector<256x16xf32>
    tpu.vector_store %arg3[%swap3A, %swap3A_284], %div3A_283 {strides = array<i32>} : memref<256x16xf32, #tpu.memory_space<vmem>>, vector<256x16xf32>,
    %swap3A_286 = arith.constant 0 : index
    %swap3A_287 = arith.constant 0 : index
    %swap3A_288 = vector.load %arg4[%swap3A_286, %swap3A_287] : memref<256x16xi32, #tpu.memory_space<vmem>>, vector<256x16xi32>
    tpu.vector_store %arg4[%swap3A_286, %swap3A_287], %concatenate3A_268 {strides = array<i32>} : memref<256x16xi32, #tpu.memory_space<vmem>>, vector<256x16xi32>,
    return
  }
  func.func @transform_0(%arg0: i32) -> (i32, i32) {
    %c0_i32 = arith.constant 0 : i32
    %c0_i32_0 = arith.constant 0 : i32
    return %arg0, %c0_i32 : i32, i32
  }
  func.func @transform_1(%arg0: i32) -> (i32, i32) {
    %c0_i32 = arith.constant 0 : i32
    %c0_i32_0 = arith.constant 0 : i32
    return %arg0, %c0_i32 : i32, i32
  }
  func.func @transform_2(%arg0: i32) -> (i32, i32) {
    %c0_i32 = arith.constant 0 : i32
    %c0_i32_0 = arith.constant 0 : i32
    return %arg0, %c0_i32 : i32, i32
  }
  func.func @transform_3(%arg0: i32) -> (i32, i32) {
    %c0_i32 = arith.constant 0 : i32
    %c0_i32_0 = arith.constant 0 : i32
    return %arg0, %c0_i32 : i32, i32
  }
}

</mosaic_0001>

<sc_bundles>
// kernel: kernel.10.cloned.1.call-start
scs
__scs_entry_jumppad:
0x0: {  	(pc) =	sbr.rel $0x88, $3  }
0x1: {  	(tag) =	ssettag $0x0;
	lr =	simm.s32 $0x1  }
0x2: {  	[smem:$0x3F9C] =	sst lr;
	_ =	strace $0xD0000000  }
0x3: {  	_ = 	snop  }
0x4: {  	_ = 	snop  }
0x5: {  	_ = 	snop  }
0x6: {  	_ = 	snop  }
0x7: {  	_ = 	snop  }
__scs_overlays_trampoline_lowered:
0x8: {  	[smem:$0x3FAB] =	sst s0  }
0x9: {  	[smem:$0x3FAC] =	sst s1  }
0xa: {  	[smem:$0x3FAD] =	sst s2  }
0xb: {  	[smem:$0x3FAE] =	sst s3  }
0xc: {  	[smem:$0x3FAF] =	sst s4  }
0xd: {  	[smem:$0x3FB0] =	sst s5  }
0xe: {  	[smem:$0x3FB1] =	sst s6  }
0xf: {  	[smem:$0x3FB2] =	sst s7  }
0x10: {  	[smem:$0x3FB3] =	sst s8  }
0x11: {  	[smem:$0x3FB4] =	sst s9;
	s0 =	simm.s32 @!p0 $0x0  }
0x12: {  	s1 =	sld [smem:$0x3F9A];
	s0 =	simm.s32 @p0 $0x1  }
0x13: {  	[smem:$0x3FB5] =	sst s0;
	s0 =	simm.s32 @!p1 $0x0  }
0x14: {  	s2 =	sld [smem:$0x3F99];
	s0 =	simm.s32 @p1 $0x1  }
0x15: {  	[smem:$0x3FB6] =	sst s0;
	s0 =	simm.s32 @!p2 $0x0  }
0x16: {  	s3 =	sld [smem:$0x3FDB];
	s0 =	simm.s32 @p2 $0x1  }
0x17: {  	s4 =	simm.s32 $0x1BF5;
	[smem:$0x3FB8] =	sst s0  }
0x18: {  	s0 =	sld [smem:$0x3F9B];
	_ =	swait.ge [sflag:s4], $0x0  }
0x19: {  	s7 =	sld [smem:$0x3F9C]  }
0x1a: {  	s8 =	sadd.s32 $0xFFFFE003, lr  }
0x1b: {  	s9 =	sadd.s32 $0xFFFFFEF7, lr;
	s5 =	simm.s32 $0xFFFFFFFF;
	p2 =	slt.u32 s8, $0xFFFFF086  }
0x1c: {  	p1 =	slt.u32 s9, $0xF7A;
	s5 =	simm.s32 @!p2 $0x0  }
0x1d: {  	s5 =	simm.s32 @p1 $0x1;
	p0 =	seq.s32 s7, s2  }
0x1e: {  	s7 =	smul.u32 @!p0 $0xF7A, s2;
	p2 =	seq.s32 @!p0 s5, $0x0  }
0x1f: {  	s9 =	smul.u32 $0xF7A, s1;
	s8 =	simm.s32 @!p0 $0x1BF5;
	p2 =	por !p2, p0  }
0x20: {  	[sflag:s8] =	ssyncset.s32 @!p0 $0xFFFFF086;
	s6 =	sadd.s32 @!p0 s3, s7;
	s7 =	simm.s32 @!p0 $0x108  }
0x21: {  	s3 =	sadd.s32 s3, s9;
	s6 =	sadd.s32 @!p0 $0x88, s6;
	s7 =	simm.s32 @p2 $0x1082  }
0x22: {  	[simem:s7], [sflag:s8] =	dma.local @!p0 [hbm:s6], $0xF7A  }
0x23: {  	s9 =	sor.u32 $0xD0000000, s2;
	s6 =	simm.s32 $0x108;
	_ =	swait.ge @!p0 [sflag:s8], $0x0  }
0x24: {  	s3 =	sadd.s32 $0x88, s3;
	s6 =	simm.s32 @!p1 $0x1082;
	[sflag:s4] =	ssyncset.s32 $0xFFFFF086  }
0x25: {  	[simem:s6], [sflag:s4] =	dma.local [hbm:s3], $0xF7A  }
0x26: {  	[smem:$0x3F9C] =	sst s1;
	(tag) =	ssettag s2;
	_ =	strace s9  }
0x27: {  	s1 =	sld [smem:$0x3FAC]  }
0x28: {  	s2 =	sld [smem:$0x3FAD]  }
0x29: {  	s4 =	sld [smem:$0x3FAF]  }
0x2a: {  	p0 =	seq.s32 s5, $0x0;
	s5 =	sld [smem:$0x3FB0]  }
0x2b: {  	s6 =	sld [smem:$0x3FB1]  }
0x2c: {  	s7 =	sld [smem:$0x3FB2]  }
0x2d: {  	s3 =	simm.s32 $0x108;
	s8 =	sld [smem:$0x3FB3]  }
0x2e: {  	s3 =	simm.s32 @!p0 $0x1082;
	s9 =	sld [smem:$0x3FB4]  }
0x2f: {  	lr =	sadd.s32 s0, s3;
	s0 =	sld [smem:$0x3FAB]  }
0x30: {  	s3 =	sld [smem:$0x3FAE]  }
0x31: {  	[smem:$0x3FB7] =	sst s10  }
0x32: {  	s10 =	sld [smem:$0x3FB5];
	_ =	sdelay $0x3  }
0x33: {  	p0 =	seq.s32 s10, $0x1;
	s10 =	sld [smem:$0x3FB7];
	_ =	sdelay $0x3  }
0x34: {  	[smem:$0x3FB7] =	sst s10  }
0x35: {  	s10 =	sld [smem:$0x3FB6];
	_ =	sdelay $0x3  }
0x36: {  	p1 =	seq.s32 s10, $0x1;
	s10 =	sld [smem:$0x3FB7];
	_ =	sdelay $0x3  }
0x37: {  	[smem:$0x3FB7] =	sst s10  }
0x38: {  	s10 =	sld [smem:$0x3FB8]  }
0x39: {  	_ = 	snop;
	(pc) =	sbr.ind lr, $3  }
0x3a: {  	_ = 	snop  }
0x3b: {  	_ = 	snop  }
0x3c: {  	p2 =	seq.s32 s10, $0x1;
	s10 =	sld [smem:$0x3FB7]  }
0x3d: {  	_ =	shalt  }
0x3e: {  	_ =	shalt  }
0x3f: {  	_ =	shalt  }
0x40: {  	_ =	shalt  }
0x41: {  	_ =	shalt  }
0x42: {  	_ =	shalt  }
0x43: {  	_ =	shalt  }
0x44: {  	_ =	shalt  }
0x45: {  	_ =	shalt  }
0x46: {  	_ =	shalt  }
0x47: {  	_ =	shalt  }
0x48: {  	_ =	shalt  }
0x49: {  	_ =	shalt  }
0x4a: {  	_ =	shalt  }
0x4b: {  	_ =	shalt  }
0x4c: {  	_ =	shalt  }
0x4d: {  	_ =	shalt  }
0x4e: {  	_ =	shalt  }
0x4f: {  	_ =	shalt  }
0x50: {  	_ =	shalt  }
0x51: {  	_ =	shalt  }
0x52: {  	_ =	shalt  }
0x53: {  	_ =	shalt  }
0x54: {  	_ =	shalt  }
0x55: {  	_ =	shalt  }
0x56: {  	_ =	shalt  }
0x57: {  	_ =	shalt  }
0x58: {  	_ =	shalt  }
0x59: {  	_ =	shalt  }
0x5a: {  	_ =	shalt  }
0x5b: {  	_ =	shalt  }
0x5c: {  	_ =	shalt  }
0x5d: {  	_ =	shalt  }
0x5e: {  	_ =	shalt  }
0x5f: {  	_ =	shalt  }
0x60: {  	_ =	shalt  }
0x61: {  	_ =	shalt  }
0x62: {  	_ =	shalt  }
0x63: {  	_ =	shalt  }
0x64: {  	_ =	shalt  }
0x65: {  	_ =	shalt  }
0x66: {  	_ =	shalt  }
0x67: {  	_ =	shalt  }
0x68: {  	_ =	shalt  }
0x69: {  	_ =	shalt  }
0x6a: {  	_ =	shalt  }
0x6b: {  	_ =	shalt  }
0x6c: {  	_ =	shalt  }
0x6d: {  	_ =	shalt  }
0x6e: {  	_ =	shalt  }
0x6f: {  	_ =	shalt  }
0x70: {  	_ =	shalt  }
0x71: {  	_ =	shalt  }
0x72: {  	_ =	shalt  }
0x73: {  	_ =	shalt  }
0x74: {  	_ =	shalt  }
0x75: {  	_ =	shalt  }
0x76: {  	_ =	shalt  }
0x77: {  	_ =	shalt  }
0x78: {  	_ =	shalt  }
0x79: {  	_ =	shalt  }
0x7a: {  	_ =	shalt  }
0x7b: {  	_ =	shalt  }
0x7c: {  	_ =	shalt  }
0x7d: {  	_ =	shalt  }
0x7e: {  	_ =	shalt  }
0x7f: {  	_ =	shalt  }
0x80: {  	_ =	shalt  }
0x81: {  	_ =	shalt  }
0x82: {  	_ =	shalt  }
0x83: {  	_ =	shalt  }
0x84: {  	_ =	shalt  }
0x85: {  	_ =	shalt  }
0x86: {  	_ =	shalt  }
0x87: {  	_ =	shalt  }
.Lfunc_end0:
.L_simem_size_0:
called_computation_lowered:
.L_overlay_start_0:
0x88: {  	s2 =	sld [smem:$0x3FD9]  }
0x89: {  	s3 =	sld [smem:$0x3FFE];
	_ =	sdelay $0x1  }
0x8a: {  	s1 =	srdreg.scid  }
0x8b: {  	s0 =	sand.u32 $0x1, s1  }
0x8c: {  	s14 =	sshll.u32 s0, $0xA;
	s2 =	sadd.s32 s3, s2  }
0x8d: {  	s2 =	sadd.s32 s2, s14  }
0x8e: {  	[smem:$0x3FC3] =	sst s2  }
0x8f: {  	_ = 	snop  }
0x90: {  	s2 =	sld [smem:$0x3FD0];
	_ =	sdelay $0x2  }
0x91: {  	s15 =	simm.s32 $0xA;
	s4 =	simm.s32 $0x10  }
0x92: {  	[smem:s4], [sflag:s15] =	dma.local [hbm:s2], $0x1  }
0x93: {  	_ =	swait.eq [sflag:s15], $0x1  }
0x94: {  	[sflag:s15] =	ssyncset.done $0x0  }
0x95: {  	s16 =	sld [smem:$0x10];
	[sflag:s15] =	ssyncadd.s32 $0xFFFFFFFF  }
0x96: {  	s17 =	sld [smem:$0x11];
	(tm) =	ssettm $0x1  }
0x97: {  	s18 =	sld [smem:$0x3FFB];
	_ =	sdelay $0x3  }
0x98: {  	_ =	strace s18  }
0x99: {  	s4 =	sld [smem:$0x3FFC];
	_ =	sdelay $0x3  }
0x9a: {  	_ =	strace s4  }
0x9b: {  	s4 =	sld [smem:$0x3FFD];
	_ =	sdelay $0x3  }
0x9c: {  	_ =	strace s4  }
0x9d: {  	_ =	strace $0x8FFFFFFF  }
0x9e: {  	s19 =	sld [smem:$0x3FDB];
	_ =	sdelay $0x1  }
0x9f: {  	s5 =	simm.s32 $_scs_section_size  }
0xa0: {  	s6 =	simm.s32 $_size__tile_overlayer_lowered;
	s7 =	simm.s32 $_tile_overlayer_lowered  }
0xa1: {  	s22 =	simm.s32 $0x1BFF;
	s21 =	sshll.u32 s7, $0x1;
	s4 =	sadd.s32 s5, s19  }
0xa2: {  	s8 =	simm.s32 $0x0;
	s20 =	sshll.u32 s6, $0x1;
	s6 =	sadd.s32 s21, s4  }
0xa3: {  	[timem:s8], [sflag:s22] =	dma.local [hbm:s6], s20  }
0xa4: {  	_ =	swait.ge [sflag:s22], s20  }
0xa5: {  	s5 =	ssub.s32 $0x0, s20;
	[sflag:s22] =	ssyncset.done $0x0  }
0xa6: {  	[sflag:s22] =	ssyncadd.s32 s5;
	_ =	sdelay $0x1  }
0xa7: {  	s23 =	simm.s32 $0x1B8B  }
0xa8: {  	_ =	swait.ge [sflag:s23], $0x1  }
0xa9: {  	[sflag:s23] =	ssyncset.done $0x0  }
0xaa: {  	s25 =	simm.s32 $0x1B8E;
	s24 =	sld [smem:$0x3FFE];
	[sflag:s23] =	ssyncadd.s32 $0xFFFFFFFF  }
0xab: {  	s26 =	simm.s32 $execute0_lowered;
	[smem:$0x3FD2] =	sst s25  }
0xac: {  	s6 =	sshll.u32 s26, $0x1;
	_ =	strace $0x80000046;
	[dreg:$0x1] =	wrdreg $0xFFFFFFFF  }
0xad: {  	s28 =	simm.s32 $_size_execute0_lowered;
	s4 =	sadd.s32 s4, s6;
	[dreg:$0x0] =	wrdreg $0x0  }
0xae: {  	s6 =	sshll.u32 s28, $0x1;
	[dreg:$0x2] =	wrdreg s4  }
0xaf: {  	[dreg:$0x3] =	wrdreg s6  }
0xb0: {  	[dreg:$0x4] =	wrdreg $0xC0  }
0xb1: {  	_ =	task [dreg:s8], $0x5FFFF  }
0xb2: {  	[dreg:$0x1] =	wrdreg $0xFFFFFFFF  }
0xb3: {  	[dreg:$0x0] =	wrdreg $0x60  }
0xb4: {  	[dreg:$0x2] =	wrdreg s16  }
0xb5: {  	[dreg:$0x3] =	wrdreg s24  }
0xb6: {  	[dreg:$0x4] =	wrdreg s17  }
0xb7: {  	[dreg:$0x5] =	wrdreg $0x9  }
0xb8: {  	_ =	task.clear_ibuf [dreg:s8], $0x6FFFF;
	_ =	strace $0x90000046  }
0xb9: {  	s29 =	simm.s32 $0x9;
	_ =	strace $0x80000048  }
0xba: {  	_ =	swait.ge [sflag:s29], $0x1  }
0xbb: {  	[sflag:s29] =	ssyncadd.s32 $0xFFFFFFFF  }
0xbc: {  	_ =	strace $0x90000048  }
0xbd: {  	_ =	sfence  }
0xbe: {  	s30 =	sld [smem:$0x0];
	_ =	sdelay $0x2  }
0xbf: {  	s31 =	sshll.u32 s1, $0xD;
	s1 =	sshrl.u32 s1, $0x2  }
0xc0: {  	s3 =	sand.u32 $0x4000, s31;
	s1 =	sadd.s32 s1, s30  }
0xc1: {  	s0 =	sor.u32 s3, s0;
	s1 =	sshll.u32 s1, $0x11  }
0xc2: {  	s0 =	sor.u32 s1, s0  }
0xc3: {  	s0 =	sadd.s32 $0x8F2B, s0  }
0xc4: {  	[sflag:s0] =	ssyncadd.remote.s32 $0x1  }
0xc5: {  	_ =	sfence.sel $0xFFFF  }
0xc6: {  	[dreg:$0x0] =	wrdreg $0xFFFFFFFF;
	(pc) =	sbr.abs _section_cstart, $3  }
0xc7: {  	[dreg:$0x1] =	wrdreg $0xFFFFFFFF  }
0xc8: {  	_ =	task.clear_ibuf [dreg:s8], $0x2FFFF;
	_ =	strace $0x9FFFFFFF  }
0xc9: {  	(tm) =	ssettm $0x7FFFFFFF  }
tec
execute0_lowered:
.L_overlay_start_1:
0x0: {  	(tag) =	ssettag $0x1  }
0x1: {  	s3 =	rddreg [dreg:$0x0]  }
0x2: {  	s5 =	rddreg [dreg:$0x1]  }
0x3: {  	s1 =	srdreg.scid;
	s0 =	stileid.u32  }
0x4: {  	s6 =	rddreg [dreg:$0x2];
	s7 =	sand.u32 $0x1, s1;
	s4 =	sshll.u32 s0, $0x1  }
0x5: {  	s2 =	simm.s32 $0x0;
	s1 =	rddreg [dreg:$0x3];
	s9 =	sor.u32 s7, s4  }
0x6: {  	[smem:$0x7FF] =	sst s2;
	s4 =	sshll.u32 s9, $0x6  }
0x7: {  	_ =	strace $0x80000047;
	s4 =	sadd.s32 s3, s4;
	s3 =	simm.s32 $0x2  }
0x8: {  	[tilespmem:s2], [sflag:$0x2] =	stream.linear.gather [hbm4b:s4+s2], $0x200, $0x38;
	[tilespmem:$0x4200] =	vst v63  }
0x9: {  	_ =	swait.ge [sflag:s3], $0x200  }
0xa: {  	[sflag:s3] =	ssyncset.done $0x0  }
0xb: {  	[sflag:s3] =	ssyncadd.s32 $0xFFFFFE00  }
0xc: {  	v2 =	vld [tilespmem:$0x1F0]  }
0xd: {  	s8 =	smul.u32 $0x6200, s9;
	v3 =	vld [tilespmem:$0x1E0]  }
0xe: {  	v4 =	vld [tilespmem:$0x130]  }
0xf: {  	s10 =	sadd.s32 $0x5EF0, s8;
	v5 =	vld [tilespmem:$0x1D0]  }
0x10: {  	s11 =	sadd.s32 $0x5BE0, s8;
	v0 =	vmov s10;
	v6 =	vld [tilespmem:$0x1C0]  }
0x11: {  	s20 =	sadd.s32 $0x3A30, s8;
	v1 =	vmov s11;
	v7 =	vld [tilespmem:$0x1B0];
	v8 =	vadd.s32 v0, v2  }
0x12: {  	s21 =	sadd.s32 $0x58D0, s8;
	v9 =	vld [tilespmem:$0x190];
	v2 =	vmov s20;
	v10 =	vadd.s32 v1, v3;
	[tilespmem:$0x1F0] =	vst v8  }
0x13: {  	s22 =	sadd.s32 $0x55C0, s8;
	v11 =	vld [tilespmem:$0x180];
	v3 =	vmov s21;
	v8 =	vadd.s32 v2, v4;
	[tilespmem:$0x1E0] =	vst v10  }
0x14: {  	s23 =	sadd.s32 $0x52B0, s8;
	v12 =	vld [tilespmem:$0x160];
	v4 =	vmov s22;
	[tilespmem:$0x130] =	vst v8;
	v8 =	vadd.s32 v3, v5  }
0x15: {  	s24 =	sadd.s32 $0x4C90, s8;
	v10 =	vld [tilespmem:$0x170];
	v5 =	vmov s23;
	v13 =	vadd.s32 v4, v6;
	[tilespmem:$0x1D0] =	vst v8  }
0x16: {  	s25 =	sadd.s32 $0x4980, s8;
	v14 =	vld [tilespmem:$0x150];
	v6 =	vmov s24;
	v8 =	vadd.s32 v5, v7;
	[tilespmem:$0x1C0] =	vst v13  }
0x17: {  	s28 =	sadd.s32 $0x4360, s8;
	v15 =	vld [tilespmem:$0xB0];
	v7 =	vmov s25;
	v9 =	vadd.s32 v6, v9;
	[tilespmem:$0x1B0] =	vst v8  }
0x18: {  	s26 =	sadd.s32 $0x4670, s8;
	v13 =	vld [tilespmem:$0x140];
	v11 =	vadd.s32 v7, v11;
	[tilespmem:$0x190] =	vst v9;
	v9 =	vmov s28  }
0x19: {  	s29 =	sadd.s32 $0x4050, s8;
	v16 =	vld [tilespmem:$0x120];
	v8 =	vmov s26;
	[tilespmem:$0x180] =	vst v11;
	v12 =	vadd.s32 v9, v12  }
0x1a: {  	s31 =	sadd.s32 $0x21B0, s8;
	v18 =	vld [tilespmem:$0x110];
	v17 =	vadd.s32 v8, v10;
	v10 =	vmov s29;
	[tilespmem:$0x160] =	vst v12  }
0x1b: {  	s30 =	sadd.s32 $0x3D40, s8;
	v19 =	vld [tilespmem:$0xE0];
	v12 =	vmov s31;
	[tilespmem:$0x170] =	vst v17;
	v14 =	vadd.s32 v10, v14  }
0x1c: {  	s12 =	sadd.s32 $0x3720, s8;
	v11 =	vmov s30;
	v17 =	vld [tilespmem:$0x100];
	v15 =	vadd.s32 v12, v15;
	[tilespmem:$0x150] =	vst v14  }
0x1d: {  	s13 =	sadd.s32 $0x3410, s8;
	v21 =	vld [tilespmem:$0xD0];
	v20 =	vadd.s32 v11, v13;
	v13 =	vmov s12;
	[tilespmem:$0xB0] =	vst v15  }
0x1e: {  	s15 =	sadd.s32 $0x2AE0, s8;
	v22 =	vld [tilespmem:$0x30];
	v14 =	vmov s13;
	[tilespmem:$0x140] =	vst v20;
	v16 =	vadd.s32 v13, v16  }
0x1f: {  	s14 =	sadd.s32 $0x3100, s8;
	v20 =	vld [tilespmem:$0xC0];
	v18 =	vadd.s32 v14, v18;
	[tilespmem:$0x120] =	vst v16;
	v16 =	vmov s15  }
0x20: {  	s16 =	sadd.s32 $0x27D0, s8;
	v23 =	vld [tilespmem:$0xA0];
	v15 =	vmov s14;
	[tilespmem:$0x110] =	vst v18;
	v19 =	vadd.s32 v16, v19  }
0x21: {  	s18 =	sadd.s32 $0x930, s8;
	v25 =	vld [tilespmem:$0x90];
	v24 =	vadd.s32 v15, v17;
	v17 =	vmov s16;
	[tilespmem:$0xE0] =	vst v19  }
0x22: {  	s17 =	sadd.s32 $0x24C0, s8;
	v26 =	vld [tilespmem:$0x60];
	v19 =	vmov s18;
	[tilespmem:$0x100] =	vst v24;
	v21 =	vadd.s32 v17, v21  }
0x23: {  	s19 =	sadd.s32 $0x1EA0, s8;
	v18 =	vmov s17;
	v24 =	vld [tilespmem:$0x80];
	v22 =	vadd.s32 v19, v22;
	[tilespmem:$0xD0] =	vst v21  }
0x24: {  	v28 =	vld [tilespmem:$0x50];
	s20 =	sadd.s32 $0x1B90, s8;
	v27 =	vadd.s32 v18, v20;
	v20 =	vmov s19;
	[tilespmem:$0x30] =	vst v22  }
0x25: {  	v29 =	vld [tilespmem:$0x1A0];
	s22 =	sadd.s32 $0x1260, s8;
	v21 =	vmov s20;
	[tilespmem:$0xC0] =	vst v27;
	v23 =	vadd.s32 v20, v23  }
0x26: {  	s21 =	sadd.s32 $0x1880, s8;
	v27 =	vld [tilespmem:$0x40];
	v25 =	vadd.s32 v21, v25;
	[tilespmem:$0xA0] =	vst v23;
	v23 =	vmov s22  }
0x27: {  	v30 =	vld [tilespmem:$0x20];
	s23 =	sadd.s32 $0xF50, s8;
	v22 =	vmov s21;
	[tilespmem:$0x90] =	vst v25;
	v26 =	vadd.s32 v23, v26  }
0x28: {  	s7 =	ssub.s32 $0x2, s7;
	v32 =	vld [tilespmem:$0x10];
	s25 =	sadd.s32 $0x4FA0, s8;
	v31 =	vadd.s32 v22, v24;
	v24 =	vmov s23;
	[tilespmem:$0x60] =	vst v26  }
0x29: {  	v34 =	vld [tilespmem:$0x70];
	s24 =	sadd.s32 $0xC40, s8;
	s30 =	sshrl.u32 s7, $0x1;
	v26 =	vmov s25;
	[tilespmem:$0x80] =	vst v31;
	v28 =	vadd.s32 v24, v28  }
0x2a: {  	s26 =	sadd.s32 $0x620, s8;
	s31 =	ssub.s32 s7, s30;
	v25 =	vmov s24;
	v31 =	vld [tilespmem:$0xF0];
	v29 =	vadd.s32 v26, v29;
	[tilespmem:$0x50] =	vst v28  }
0x2b: {  	v35 =	vld [tilespmem:$0x0];
	s28 =	sadd.s32 $0x310, s8;
	s15 =	smax.u32 s31, $0x1;
	v33 =	vadd.s32 v25, v27;
	v27 =	vmov s26;
	[tilespmem:$0x1A0] =	vst v29  }
0x2c: {  	s13 =	sadd.s32 $0x1570, s8;
	p0 =	sne.s32 s15, $0x1;
	v28 =	vmov s28;
	[tilespmem:$0x40] =	vst v33;
	v30 =	vadd.s32 v27, v30  }
.Ltmp0:
0x2d: {  	s29 =	sadd.s32 $0x2DF0, s8;
	v32 =	vadd.s32 v28, v32;
	[tilespmem:$0x20] =	vst v30;
	v30 =	vmov s13;
	(pc) =	sbr.rel @!p0 .LBB2_2-.Ltmp0, $4  }
0x2e: {  	s5 =	sadd.s32 $0x10D9600, s5;
	s9 =	sshll.u32 s9, $0xD;
	s10 =	simm.s32 $0x1;
	v29 =	vmov s29;
	[tilespmem:$0x10] =	vst v32;
	v62 =	vadd.s32 v30, v34  }
0x2f: {  	s12 =	sadd.s32 s6, s9;
	s9 =	simm.s32 $0x80;
	s14 =	simm.s32 $0x100;
	v61 =	vadd.s32 v29, v31;
	v31 =	vmov s8;
	[tilespmem:$0x70] =	vst v62  }
0x30: {  	s11 =	sadd.s32 $0x800, s12;
	s7 =	sadd.s32 $0x1000, s12;
	s6 =	sadd.s32 $0x1800, s12;
	[tilespmem:$0xF0] =	vst v61;
	v63 =	vadd.s32 v31, v35  }
0x31: {  	s15 =	sadd.s32 $0xFFFFFFFF, s15;
	s13 =	simm.s32 $0x180;
	s8 =	simm.s32 $0x200;
	[tilespmem:$0x0] =	vst v63  }
.LBB2_1:
0x32: {  	[tilespmem:s8], [sflag:$0x1] =	stream.indirect.gather [hbm4b:s5+s9], $0x80, s2, s9, $0xb8;
	[tilespmem:$0x4200] =	vst v63  }
0x33: {  	p0 =	sne.s32 s15, $0x1;
	s15 =	sadd.s32 $0xFFFFFFFF, s15;
	_ =	swait.ge [sflag:s10], $0x4000  }
0x34: {  	[sflag:s10] =	ssyncset.done $0x0  }
0x35: {  	[sflag:s10] =	ssyncadd.s32 $0xFFFFC000  }
0x36: {  	[hbm4b:s12+s2] =	stream.linear.scatter [tilespmem:s8], [sflag:$0x2], $0x4000, $0x38;
	[tilespmem:$0x4200] =	vst v63  }
0x37: {  	_ =	swait.ge [sflag:s3], $0x4000  }
0x38: {  	[sflag:s3] =	ssyncset.done $0x0  }
0x39: {  	[sflag:s3] =	ssyncadd.s32 $0xFFFFC000  }
0x3a: {  	[tilespmem:s8], [sflag:$0x1] =	stream.indirect.gather [hbm4b:s5+s9], $0x80, s9, s9, $0xb8;
	[tilespmem:$0x4200] =	vst v63  }
0x3b: {  	_ =	swait.ge [sflag:s10], $0x4000  }
0x3c: {  	[sflag:s10] =	ssyncset.done $0x0  }
0x3d: {  	[sflag:s10] =	ssyncadd.s32 $0xFFFFC000  }
0x3e: {  	[hbm4b:s11+s2] =	stream.linear.scatter [tilespmem:s8], [sflag:$0x2], $0x4000, $0x38;
	[tilespmem:$0x4200] =	vst v63  }
0x3f: {  	_ =	swait.ge [sflag:s3], $0x4000  }
0x40: {  	[sflag:s3] =	ssyncset.done $0x0  }
0x41: {  	[sflag:s3] =	ssyncadd.s32 $0xFFFFC000  }
0x42: {  	[tilespmem:s8], [sflag:$0x1] =	stream.indirect.gather [hbm4b:s5+s9], $0x80, s14, s9, $0xb8;
	[tilespmem:$0x4200] =	vst v63  }
0x43: {  	_ =	swait.ge [sflag:s10], $0x4000  }
0x44: {  	[sflag:s10] =	ssyncset.done $0x0  }
0x45: {  	[sflag:s10] =	ssyncadd.s32 $0xFFFFC000  }
0x46: {  	[hbm4b:s7+s2] =	stream.linear.scatter [tilespmem:s8], [sflag:$0x2], $0x4000, $0x38;
	[tilespmem:$0x4200] =	vst v63  }
0x47: {  	_ =	swait.ge [sflag:s3], $0x4000  }
0x48: {  	[sflag:s3] =	ssyncset.done $0x0  }
0x49: {  	[sflag:s3] =	ssyncadd.s32 $0xFFFFC000  }
0x4a: {  	[tilespmem:s8], [sflag:$0x1] =	stream.indirect.gather [hbm4b:s5+s9], $0x80, s13, s9, $0xb8;
	[tilespmem:$0x4200] =	vst v63  }
0x4b: {  	_ =	swait.ge [sflag:s10], $0x4000  }
0x4c: {  	[sflag:s10] =	ssyncset.done $0x0  }
0x4d: {  	[sflag:s10] =	ssyncadd.s32 $0xFFFFC000  }
0x4e: {  	[hbm4b:s6+s2] =	stream.linear.scatter [tilespmem:s8], [sflag:$0x2], $0x4000, $0x38;
	[tilespmem:$0x4200] =	vst v63  }
0x4f: {  	_ =	swait.ge [sflag:s3], $0x4000  }
0x50: {  	[sflag:s3] =	ssyncset.done $0x0  }
0x51: {  	[sflag:s3] =	ssyncadd.s32 $0xFFFFC000  }
0x52: {  	[tilespmem:s2], [sflag:$0x2] =	stream.linear.gather [hbm4b:s4+s2], $0x200, $0x38;
	[tilespmem:$0x4200] =	vst v63  }
0x53: {  	_ =	swait.ge [sflag:s3], $0x200  }
0x54: {  	[sflag:s3] =	ssyncset.done $0x0  }
0x55: {  	[sflag:s3] =	ssyncadd.s32 $0xFFFFFE00  }
0x56: {  	v32 =	vld [tilespmem:$0x1F0]  }
0x57: {  	v33 =	vld [tilespmem:$0x1E0]  }
0x58: {  	v34 =	vld [tilespmem:$0x130]  }
0x59: {  	v35 =	vld [tilespmem:$0x1D0]  }
0x5a: {  	v36 =	vld [tilespmem:$0x1C0]  }
0x5b: {  	v37 =	vld [tilespmem:$0x1B0];
	v32 =	vadd.s32 v0, v32  }
0x5c: {  	v38 =	vld [tilespmem:$0x190];
	v33 =	vadd.s32 v1, v33;
	[tilespmem:$0x1F0] =	vst v32  }
0x5d: {  	v32 =	vadd.s32 v2, v34;
	v34 =	vld [tilespmem:$0x180];
	[tilespmem:$0x1E0] =	vst v33  }
0x5e: {  	[tilespmem:$0x130] =	vst v32;
	v32 =	vld [tilespmem:$0x170];
	v33 =	vadd.s32 v3, v35  }
0x5f: {  	v35 =	vld [tilespmem:$0x160];
	v36 =	vadd.s32 v4, v36;
	[tilespmem:$0x1D0] =	vst v33  }
0x60: {  	v33 =	vld [tilespmem:$0x150];
	v37 =	vadd.s32 v5, v37;
	[tilespmem:$0x1C0] =	vst v36  }
0x61: {  	v36 =	vld [tilespmem:$0x140];
	v38 =	vadd.s32 v6, v38;
	[tilespmem:$0x1B0] =	vst v37  }
0x62: {  	v37 =	vld [tilespmem:$0xB0];
	v34 =	vadd.s32 v7, v34;
	[tilespmem:$0x190] =	vst v38  }
0x63: {  	v38 =	vld [tilespmem:$0x120];
	v32 =	vadd.s32 v8, v32;
	[tilespmem:$0x180] =	vst v34  }
0x64: {  	v34 =	vld [tilespmem:$0x110];
	v35 =	vadd.s32 v9, v35;
	[tilespmem:$0x170] =	vst v32  }
0x65: {  	v32 =	vld [tilespmem:$0x100];
	v33 =	vadd.s32 v10, v33;
	[tilespmem:$0x160] =	vst v35  }
0x66: {  	v35 =	vld [tilespmem:$0xE0];
	v36 =	vadd.s32 v11, v36;
	[tilespmem:$0x150] =	vst v33  }
0x67: {  	v33 =	vadd.s32 v12, v37;
	v37 =	vld [tilespmem:$0xD0];
	[tilespmem:$0x140] =	vst v36  }
0x68: {  	[tilespmem:$0xB0] =	vst v33;
	v33 =	vld [tilespmem:$0xC0];
	v36 =	vadd.s32 v13, v38  }
0x69: {  	v38 =	vld [tilespmem:$0x30];
	v34 =	vadd.s32 v14, v34;
	[tilespmem:$0x120] =	vst v36  }
0x6a: {  	v36 =	vld [tilespmem:$0xA0];
	v32 =	vadd.s32 v15, v32;
	[tilespmem:$0x110] =	vst v34  }
0x6b: {  	v34 =	vld [tilespmem:$0x90];
	v35 =	vadd.s32 v16, v35;
	[tilespmem:$0x100] =	vst v32  }
0x6c: {  	v32 =	vld [tilespmem:$0x80];
	v37 =	vadd.s32 v17, v37;
	[tilespmem:$0xE0] =	vst v35  }
0x6d: {  	v35 =	vld [tilespmem:$0x60];
	v33 =	vadd.s32 v18, v33;
	[tilespmem:$0xD0] =	vst v37  }
0x6e: {  	v37 =	vadd.s32 v19, v38;
	v38 =	vld [tilespmem:$0x50];
	[tilespmem:$0xC0] =	vst v33  }
0x6f: {  	[tilespmem:$0x30] =	vst v37;
	v33 =	vld [tilespmem:$0x40];
	v36 =	vadd.s32 v20, v36  }
0x70: {  	v34 =	vadd.s32 v21, v34;
	[tilespmem:$0xA0] =	vst v36;
	v36 =	vld [tilespmem:$0x1A0]  }
0x71: {  	v37 =	vld [tilespmem:$0x20];
	v32 =	vadd.s32 v22, v32;
	[tilespmem:$0x90] =	vst v34  }
0x72: {  	v34 =	vld [tilespmem:$0x10];
	v35 =	vadd.s32 v23, v35;
	[tilespmem:$0x80] =	vst v32  }
0x73: {  	v32 =	vadd.s32 v24, v38;
	[tilespmem:$0x60] =	vst v35;
	v35 =	vld [tilespmem:$0xF0]  }
0x74: {  	v33 =	vadd.s32 v25, v33;
	[tilespmem:$0x50] =	vst v32;
	v32 =	vld [tilespmem:$0x70]  }
0x75: {  	v38 =	vld [tilespmem:$0x0];
	[tilespmem:$0x40] =	vst v33;
	v33 =	vadd.s32 v26, v36  }
0x76: {  	v36 =	vadd.s32 v27, v37;
	[tilespmem:$0x1A0] =	vst v33  }
.Ltmp1:
0x77: {  	v33 =	vadd.s32 v28, v34;
	[tilespmem:$0x20] =	vst v36;
	(pc) =	sbr.rel @p0 .LBB2_1-.Ltmp1, $4  }
0x78: {  	[tilespmem:$0x10] =	vst v33;
	v33 =	vadd.s32 v29, v35  }
0x79: {  	v32 =	vadd.s32 v30, v32;
	[tilespmem:$0xF0] =	vst v33  }
0x7a: {  	v33 =	vadd.s32 v31, v38;
	[tilespmem:$0x70] =	vst v32  }
0x7b: {  	[tilespmem:$0x0] =	vst v33  }
.LBB2_2:
0x7c: {  	[tilespmem:s8], [sflag:$0x1] =	stream.indirect.gather [hbm4b:s5+s9], $0x80, s2, s9, $0xb8;
	[tilespmem:$0x4200] =	vst v63  }
0x7d: {  	_ =	swait.ge [sflag:s10], $0x4000  }
0x7e: {  	[sflag:s10] =	ssyncset.done $0x0  }
0x7f: {  	[sflag:s10] =	ssyncadd.s32 $0xFFFFC000  }
0x80: {  	[hbm4b:s12+s2] =	stream.linear.scatter [tilespmem:s8], [sflag:$0x2], $0x4000, $0x38;
	[tilespmem:$0x4200] =	vst v63  }
0x81: {  	_ =	swait.ge [sflag:s3], $0x4000  }
0x82: {  	[sflag:s3] =	ssyncset.done $0x0  }
0x83: {  	[sflag:s3] =	ssyncadd.s32 $0xFFFFC000  }
0x84: {  	[tilespmem:s8], [sflag:$0x1] =	stream.indirect.gather [hbm4b:s5+s9], $0x80, s9, s9, $0xb8;
	[tilespmem:$0x4200] =	vst v63  }
0x85: {  	_ =	swait.ge [sflag:s10], $0x4000  }
0x86: {  	[sflag:s10] =	ssyncset.done $0x0  }
0x87: {  	[sflag:s10] =	ssyncadd.s32 $0xFFFFC000  }
0x88: {  	[hbm4b:s11+s2] =	stream.linear.scatter [tilespmem:s8], [sflag:$0x2], $0x4000, $0x38;
	[tilespmem:$0x4200] =	vst v63  }
0x89: {  	_ =	swait.ge [sflag:s3], $0x4000  }
0x8a: {  	[sflag:s3] =	ssyncset.done $0x0  }
0x8b: {  	[sflag:s3] =	ssyncadd.s32 $0xFFFFC000  }
0x8c: {  	[tilespmem:s8], [sflag:$0x1] =	stream.indirect.gather [hbm4b:s5+s9], $0x80, s14, s9, $0xb8;
	[tilespmem:$0x4200] =	vst v63  }
0x8d: {  	_ =	swait.ge [sflag:s10], $0x4000  }
0x8e: {  	[sflag:s10] =	ssyncset.done $0x0  }
0x8f: {  	[sflag:s10] =	ssyncadd.s32 $0xFFFFC000  }
0x90: {  	[hbm4b:s7+s2] =	stream.linear.scatter [tilespmem:s8], [sflag:$0x2], $0x4000, $0x38;
	[tilespmem:$0x4200] =	vst v63  }
0x91: {  	_ =	swait.ge [sflag:s3], $0x4000  }
0x92: {  	[sflag:s3] =	ssyncset.done $0x0  }
0x93: {  	[sflag:s3] =	ssyncadd.s32 $0xFFFFC000  }
0x94: {  	[tilespmem:s8], [sflag:$0x1] =	stream.indirect.gather [hbm4b:s5+s9], $0x80, s13, s9, $0xb8;
	[tilespmem:$0x4200] =	vst v63  }
0x95: {  	_ =	swait.ge [sflag:s10], $0x4000  }
0x96: {  	[sflag:s10] =	ssyncset.done $0x0  }
0x97: {  	[sflag:s10] =	ssyncadd.s32 $0xFFFFC000  }
0x98: {  	[hbm4b:s6+s2] =	stream.linear.scatter [tilespmem:s8], [sflag:$0x2], $0x4000, $0x38;
	[tilespmem:$0x4200] =	vst v63  }
0x99: {  	_ =	swait.ge [sflag:s3], $0x4000  }
0x9a: {  	[sflag:s3] =	ssyncset.done $0x0  }
0x9b: {  	[sflag:s3] =	ssyncadd.s32 $0xFFFFC000  }
0x9c: {  	_ =	sfence.sel $0x180000  }
0x9d: {  	[bflag:$0x0] =	sbarrier.arrive $0xFFFF  }
0x9e: {  	p0 =	sne.s32 s0, $0x0;
	_ =	strace $0x90000047  }
0x9f: {  	s0 =	sadd.s32 @!p0 $0x100000, s1;
	[bflag:$0x2] =	sbarrier.arrive $0xFFFF  }
0xa0: {  	[sflag:s0] =	ssyncadd.tile.s32 @!p0 $0x1;
	_ =	shalt  }
.Lfunc_end2:
_tile_overlayer_lowered:
.L_overlay_start_2:
0xa1: {  	(tag) =	ssettag $0x2  }
0xa2: {  	s0 =	rddreg [dreg:$0x0];
	s2 =	stileid.u32  }
0xa3: {  	s1 =	rddreg [dreg:$0x1];
	p0 =	sne.s32 s2, $0x0  }
0xa4: {  	s3 =	rddreg [dreg:$0x2];
	[bflag:$0x3] =	sbarrier.arrive $0xFFFF;
	s2 =	simm.s32 @!p0 $0x1C02  }
0xa5: {  	[timem:s3], [sflag:s2] =	dma.local @!p0 [hbm:s0], s1  }
0xa6: {  	s0 =	simm.s32 @!p0 $0x2  }
0xa7: {  	_ =	swait.ge @!p0 [sflag:s0], s1  }
0xa8: {  	s1 =	ssub.s32 @!p0 $0x0, s1;
	[sflag:s0] =	ssyncset.done @!p0 $0x0  }
0xa9: {  	[sflag:s0] =	ssyncadd.s32 @!p0 s1  }
0xaa: {  	[bflag:$0x3] =	sbarrier.arrive $0xFFFF  }
0xab: {  	_ =	shalt  }

// kernel: kernel.13.cloned.1.call-start
scs
__scs_entry_jumppad:
0x0: {  	(pc) =	sbr.rel $0x88, $3  }
0x1: {  	(tag) =	ssettag $0x0;
	lr =	simm.s32 $0x1  }
0x2: {  	[smem:$0x3F9C] =	sst lr;
	_ =	strace $0xD0000000  }
0x3: {  	_ = 	snop  }
0x4: {  	_ = 	snop  }
0x5: {  	_ = 	snop  }
0x6: {  	_ = 	snop  }
0x7: {  	_ = 	snop  }
__scs_overlays_trampoline_lowered:
0x8: {  	[smem:$0x3FAB] =	sst s0  }
0x9: {  	[smem:$0x3FAC] =	sst s1  }
0xa: {  	[smem:$0x3FAD] =	sst s2  }
0xb: {  	[smem:$0x3FAE] =	sst s3  }
0xc: {  	[smem:$0x3FAF] =	sst s4  }
0xd: {  	[smem:$0x3FB0] =	sst s5  }
0xe: {  	[smem:$0x3FB1] =	sst s6  }
0xf: {  	[smem:$0x3FB2] =	sst s7  }
0x10: {  	[smem:$0x3FB3] =	sst s8  }
0x11: {  	[smem:$0x3FB4] =	sst s9;
	s0 =	simm.s32 @!p0 $0x0  }
0x12: {  	s1 =	sld [smem:$0x3F9A];
	s0 =	simm.s32 @p0 $0x1  }
0x13: {  	[smem:$0x3FB5] =	sst s0;
	s0 =	simm.s32 @!p1 $0x0  }
0x14: {  	s2 =	sld [smem:$0x3F99];
	s0 =	simm.s32 @p1 $0x1  }
0x15: {  	[smem:$0x3FB6] =	sst s0;
	s0 =	simm.s32 @!p2 $0x0  }
0x16: {  	s3 =	sld [smem:$0x3FDB];
	s0 =	simm.s32 @p2 $0x1  }
0x17: {  	s4 =	simm.s32 $0x1BF5;
	[smem:$0x3FB8] =	sst s0  }
0x18: {  	s0 =	sld [smem:$0x3F9B];
	_ =	swait.ge [sflag:s4], $0x0  }
0x19: {  	s7 =	sld [smem:$0x3F9C]  }
0x1a: {  	s8 =	sadd.s32 $0xFFFFE003, lr  }
0x1b: {  	s9 =	sadd.s32 $0xFFFFFEF7, lr;
	s5 =	simm.s32 $0xFFFFFFFF;
	p2 =	slt.u32 s8, $0xFFFFF086  }
0x1c: {  	p1 =	slt.u32 s9, $0xF7A;
	s5 =	simm.s32 @!p2 $0x0  }
0x1d: {  	s5 =	simm.s32 @p1 $0x1;
	p0 =	seq.s32 s7, s2  }
0x1e: {  	s7 =	smul.u32 @!p0 $0xF7A, s2;
	p2 =	seq.s32 @!p0 s5, $0x0  }
0x1f: {  	s9 =	smul.u32 $0xF7A, s1;
	s8 =	simm.s32 @!p0 $0x1BF5;
	p2 =	por !p2, p0  }
0x20: {  	[sflag:s8] =	ssyncset.s32 @!p0 $0xFFFFF086;
	s6 =	sadd.s32 @!p0 s3, s7;
	s7 =	simm.s32 @!p0 $0x108  }
0x21: {  	s3 =	sadd.s32 s3, s9;
	s6 =	sadd.s32 @!p0 $0x88, s6;
	s7 =	simm.s32 @p2 $0x1082  }
0x22: {  	[simem:s7], [sflag:s8] =	dma.local @!p0 [hbm:s6], $0xF7A  }
0x23: {  	s9 =	sor.u32 $0xD0000000, s2;
	s6 =	simm.s32 $0x108;
	_ =	swait.ge @!p0 [sflag:s8], $0x0  }
0x24: {  	s3 =	sadd.s32 $0x88, s3;
	s6 =	simm.s32 @!p1 $0x1082;
	[sflag:s4] =	ssyncset.s32 $0xFFFFF086  }
0x25: {  	[simem:s6], [sflag:s4] =	dma.local [hbm:s3], $0xF7A  }
0x26: {  	[smem:$0x3F9C] =	sst s1;
	(tag) =	ssettag s2;
	_ =	strace s9  }
0x27: {  	s1 =	sld [smem:$0x3FAC]  }
0x28: {  	s2 =	sld [smem:$0x3FAD]  }
0x29: {  	s4 =	sld [smem:$0x3FAF]  }
0x2a: {  	p0 =	seq.s32 s5, $0x0;
	s5 =	sld [smem:$0x3FB0]  }
0x2b: {  	s6 =	sld [smem:$0x3FB1]  }
0x2c: {  	s7 =	sld [smem:$0x3FB2]  }
0x2d: {  	s3 =	simm.s32 $0x108;
	s8 =	sld [smem:$0x3FB3]  }
0x2e: {  	s3 =	simm.s32 @!p0 $0x1082;
	s9 =	sld [smem:$0x3FB4]  }
0x2f: {  	lr =	sadd.s32 s0, s3;
	s0 =	sld [smem:$0x3FAB]  }
0x30: {  	s3 =	sld [smem:$0x3FAE]  }
0x31: {  	[smem:$0x3FB7] =	sst s10  }
0x32: {  	s10 =	sld [smem:$0x3FB5];
	_ =	sdelay $0x3  }
0x33: {  	p0 =	seq.s32 s10, $0x1;
	s10 =	sld [smem:$0x3FB7];
	_ =	sdelay $0x3  }
0x34: {  	[smem:$0x3FB7] =	sst s10  }
0x35: {  	s10 =	sld [smem:$0x3FB6];
	_ =	sdelay $0x3  }
0x36: {  	p1 =	seq.s32 s10, $0x1;
	s10 =	sld [smem:$0x3FB7];
	_ =	sdelay $0x3  }
0x37: {  	[smem:$0x3FB7] =	sst s10  }
0x38: {  	s10 =	sld [smem:$0x3FB8]  }
0x39: {  	_ = 	snop;
	(pc) =	sbr.ind lr, $3  }
0x3a: {  	_ = 	snop  }
0x3b: {  	_ = 	snop  }
0x3c: {  	p2 =	seq.s32 s10, $0x1;
	s10 =	sld [smem:$0x3FB7]  }
0x3d: {  	_ =	shalt  }
0x3e: {  	_ =	shalt  }
0x3f: {  	_ =	shalt  }
0x40: {  	_ =	shalt  }
0x41: {  	_ =	shalt  }
0x42: {  	_ =	shalt  }
0x43: {  	_ =	shalt  }
0x44: {  	_ =	shalt  }
0x45: {  	_ =	shalt  }
0x46: {  	_ =	shalt  }
0x47: {  	_ =	shalt  }
0x48: {  	_ =	shalt  }
0x49: {  	_ =	shalt  }
0x4a: {  	_ =	shalt  }
0x4b: {  	_ =	shalt  }
0x4c: {  	_ =	shalt  }
0x4d: {  	_ =	shalt  }
0x4e: {  	_ =	shalt  }
0x4f: {  	_ =	shalt  }
0x50: {  	_ =	shalt  }
0x51: {  	_ =	shalt  }
0x52: {  	_ =	shalt  }
0x53: {  	_ =	shalt  }
0x54: {  	_ =	shalt  }
0x55: {  	_ =	shalt  }
0x56: {  	_ =	shalt  }
0x57: {  	_ =	shalt  }
0x58: {  	_ =	shalt  }
0x59: {  	_ =	shalt  }
0x5a: {  	_ =	shalt  }
0x5b: {  	_ =	shalt  }
0x5c: {  	_ =	shalt  }
0x5d: {  	_ =	shalt  }
0x5e: {  	_ =	shalt  }
0x5f: {  	_ =	shalt  }
0x60: {  	_ =	shalt  }
0x61: {  	_ =	shalt  }
0x62: {  	_ =	shalt  }
0x63: {  	_ =	shalt  }
0x64: {  	_ =	shalt  }
0x65: {  	_ =	shalt  }
0x66: {  	_ =	shalt  }
0x67: {  	_ =	shalt  }
0x68: {  	_ =	shalt  }
0x69: {  	_ =	shalt  }
0x6a: {  	_ =	shalt  }
0x6b: {  	_ =	shalt  }
0x6c: {  	_ =	shalt  }
0x6d: {  	_ =	shalt  }
0x6e: {  	_ =	shalt  }
0x6f: {  	_ =	shalt  }
0x70: {  	_ =	shalt  }
0x71: {  	_ =	shalt  }
0x72: {  	_ =	shalt  }
0x73: {  	_ =	shalt  }
0x74: {  	_ =	shalt  }
0x75: {  	_ =	shalt  }
0x76: {  	_ =	shalt  }
0x77: {  	_ =	shalt  }
0x78: {  	_ =	shalt  }
0x79: {  	_ =	shalt  }
0x7a: {  	_ =	shalt  }
0x7b: {  	_ =	shalt  }
0x7c: {  	_ =	shalt  }
0x7d: {  	_ =	shalt  }
0x7e: {  	_ =	shalt  }
0x7f: {  	_ =	shalt  }
0x80: {  	_ =	shalt  }
0x81: {  	_ =	shalt  }
0x82: {  	_ =	shalt  }
0x83: {  	_ =	shalt  }
0x84: {  	_ =	shalt  }
0x85: {  	_ =	shalt  }
0x86: {  	_ =	shalt  }
0x87: {  	_ =	shalt  }
.Lfunc_end0:
.L_simem_size_0:
called_computation.1_lowered:
.L_overlay_start_0:
0x88: {  	s2 =	sld [smem:$0x3FD9]  }
0x89: {  	s3 =	sld [smem:$0x3FFE];
	_ =	sdelay $0x1  }
0x8a: {  	s1 =	srdreg.scid  }
0x8b: {  	s0 =	sand.u32 $0x1, s1  }
0x8c: {  	s14 =	sshll.u32 s0, $0xA;
	s2 =	sadd.s32 s3, s2  }
0x8d: {  	s2 =	sadd.s32 s2, s14  }
0x8e: {  	[smem:$0x3FC3] =	sst s2  }
0x8f: {  	_ = 	snop  }
0x90: {  	s2 =	sld [smem:$0x3FD0];
	_ =	sdelay $0x2  }
0x91: {  	s15 =	simm.s32 $0xA;
	s4 =	simm.s32 $0x10  }
0x92: {  	[smem:s4], [sflag:s15] =	dma.local [hbm:s2], $0x1  }
0x93: {  	_ =	swait.eq [sflag:s15], $0x1  }
0x94: {  	[sflag:s15] =	ssyncset.done $0x0  }
0x95: {  	[sflag:s15] =	ssyncadd.s32 $0xFFFFFFFF  }
0x96: {  	s16 =	sld [smem:$0x11];
	(tm) =	ssettm $0x1  }
0x97: {  	s17 =	sld [smem:$0x3FFB];
	_ =	sdelay $0x3  }
0x98: {  	_ =	strace s17  }
0x99: {  	s3 =	sld [smem:$0x3FFC];
	_ =	sdelay $0x3  }
0x9a: {  	_ =	strace s3  }
0x9b: {  	s3 =	sld [smem:$0x3FFD];
	_ =	sdelay $0x3  }
0x9c: {  	_ =	strace s3  }
0x9d: {  	_ =	strace $0x8FFFFFFF  }
0x9e: {  	s18 =	sld [smem:$0x3FDB];
	_ =	sdelay $0x1  }
0x9f: {  	s19 =	simm.s32 $_scs_section_size  }
0xa0: {  	s5 =	simm.s32 $_size__tile_overlayer_lowered;
	s6 =	simm.s32 $_tile_overlayer_lowered  }
0xa1: {  	s22 =	simm.s32 $0x1BFF;
	s21 =	sshll.u32 s6, $0x1;
	s3 =	sadd.s32 s19, s18  }
0xa2: {  	s7 =	simm.s32 $0x0;
	s20 =	sshll.u32 s5, $0x1;
	s5 =	sadd.s32 s21, s3  }
0xa3: {  	[timem:s7], [sflag:s22] =	dma.local [hbm:s5], s20  }
0xa4: {  	_ =	swait.ge [sflag:s22], s20  }
0xa5: {  	s4 =	ssub.s32 $0x0, s20;
	[sflag:s22] =	ssyncset.done $0x0  }
0xa6: {  	[sflag:s22] =	ssyncadd.s32 s4;
	_ =	sdelay $0x1  }
0xa7: {  	s23 =	simm.s32 $0x1B8B  }
0xa8: {  	_ =	swait.ge [sflag:s23], $0x1  }
0xa9: {  	[sflag:s23] =	ssyncset.done $0x0  }
0xaa: {  	s25 =	simm.s32 $0x1B8E;
	s24 =	sld [smem:$0x3FFE];
	[sflag:s23] =	ssyncadd.s32 $0xFFFFFFFF  }
0xab: {  	s26 =	simm.s32 $execute0_lowered;
	[smem:$0x3FD2] =	sst s25  }
0xac: {  	s5 =	sshll.u32 s26, $0x1;
	_ =	strace $0x80000049;
	[dreg:$0x1] =	wrdreg $0xFFFFFFFF  }
0xad: {  	s28 =	simm.s32 $_size_execute0_lowered;
	s3 =	sadd.s32 s3, s5;
	[dreg:$0x0] =	wrdreg $0x0  }
0xae: {  	s5 =	sshll.u32 s28, $0x1;
	[dreg:$0x2] =	wrdreg s3  }
0xaf: {  	[dreg:$0x3] =	wrdreg s5  }
0xb0: {  	[dreg:$0x4] =	wrdreg $0xC0  }
0xb1: {  	_ =	task [dreg:s7], $0x5FFFF  }
0xb2: {  	[dreg:$0x1] =	wrdreg $0xFFFFFFFF  }
0xb3: {  	[dreg:$0x0] =	wrdreg $0x60  }
0xb4: {  	[dreg:$0x2] =	wrdreg s16  }
0xb5: {  	[dreg:$0x3] =	wrdreg s24  }
0xb6: {  	[dreg:$0x4] =	wrdreg $0x9  }
0xb7: {  	_ =	task.clear_ibuf [dreg:s7], $0x5FFFF;
	_ =	strace $0x90000049  }
0xb8: {  	s29 =	simm.s32 $0x9;
	_ =	strace $0x8000004B  }
0xb9: {  	_ =	swait.ge [sflag:s29], $0x1  }
0xba: {  	[sflag:s29] =	ssyncadd.s32 $0xFFFFFFFF  }
0xbb: {  	_ =	strace $0x9000004B  }
0xbc: {  	_ =	sfence  }
0xbd: {  	s30 =	sld [smem:$0x0];
	_ =	sdelay $0x2  }
0xbe: {  	s31 =	sshll.u32 s1, $0xD;
	s1 =	sshrl.u32 s1, $0x2  }
0xbf: {  	s3 =	sand.u32 $0x4000, s31;
	s1 =	sadd.s32 s1, s30  }
0xc0: {  	s0 =	sor.u32 s3, s0;
	s1 =	sshll.u32 s1, $0x11  }
0xc1: {  	s0 =	sor.u32 s1, s0  }
0xc2: {  	s0 =	sadd.s32 $0x8F2B, s0  }
0xc3: {  	[sflag:s0] =	ssyncadd.remote.s32 $0x1  }
0xc4: {  	_ =	sfence.sel $0xFFFF  }
0xc5: {  	[dreg:$0x0] =	wrdreg $0xFFFFFFFF;
	(pc) =	sbr.abs _section_cstart, $3  }
0xc6: {  	[dreg:$0x1] =	wrdreg $0xFFFFFFFF  }
0xc7: {  	_ =	task.clear_ibuf [dreg:s7], $0x2FFFF;
	_ =	strace $0x9FFFFFFF  }
0xc8: {  	(tm) =	ssettm $0x7FFFFFFF  }
0xc9: {  	_ =	shalt  }
tec
execute0_lowered:
.L_overlay_start_1:
0x0: {  	(tag) =	ssettag $0x1  }
0x1: {  	s4 =	rddreg [dreg:$0x0]  }
0x2: {  	s5 =	rddreg [dreg:$0x1]  }
0x3: {  	s0 =	rddreg [dreg:$0x2];
	s3 =	srdreg.scid  }
0x4: {  	s2 =	simm.s32 $0x0;
	s1 =	stileid.u32;
	s10 =	simm.s32 $0x2  }
0x5: {  	s11 =	simm.s32 $0x200;
	s12 =	simm.s32 $0xA00;
	s13 =	simm.s32 $0x1200  }
0x6: {  	s14 =	simm.s32 $0x1A00;
	s15 =	simm.s32 $0x2200;
	s16 =	simm.s32 $0x2A00  }
0x7: {  	s17 =	simm.s32 $0x3200;
	s18 =	simm.s32 $0x3A00;
	s19 =	simm.s32 $0x4200  }
0x8: {  	s20 =	simm.s32 $0x4A00;
	s21 =	simm.s32 $0x5200;
	s22 =	simm.s32 $0x5A00  }
0x9: {  	s23 =	simm.s32 $0x6200;
	s24 =	simm.s32 $0x6A00;
	s25 =	simm.s32 $0x7200  }
0xa: {  	s26 =	simm.s32 $0x7A00;
	s28 =	simm.s32 $0x1;
	s3 =	sand.u32 $0x1, s3  }
0xb: {  	[smem:$0x7FF] =	sst s2;
	s6 =	sshll.u32 s1, $0xA;
	s7 =	sshll.u32 s3, $0x9  }
0xc: {  	_ =	strace $0x8000004A;
	s30 =	ssub.s32 $0x2, s3;
	s6 =	sor.u32 s7, s6  }
0xd: {  	s3 =	sadd.s32 $0x312A00, s5;
	s9 =	sshrl.u32 s30, $0x1;
	s8 =	sshll.u32 s6, $0x5  }
0xe: {  	v2 =	vlaneseq.u32;
	s9 =	ssub.s32 s30, s9;
	s31 =	sshrl.u32 s6, $0x3;
	s8 =	sadd.s32 s8, s5  }
0xf: {  	vm0 =	vmmov $0xffff;
	v1 =	vshrl.u32 v2, $0x3;
	s4 =	sadd.s32 s4, s31;
	s9 =	smax.u32 s9, $0x1;
	s5 =	sadd.s32 $0x1600, s8  }
0x10: {  	v0 =	vand.u32 $0x7, v2;
	v2 =	vor.u32 $0x8, v2;
	v1 =	vmul.u32 $0x8, v1;
	s6 =	sadd.s32 $0x2600, s8;
	s7 =	sadd.s32 $0x3600, s8;
	s8 =	sadd.s32 $0x4600, s8  }
.LBB2_1:
0x11: {  	[tilespmem:s2], [sflag:$0x2] =	stream.linear.gather [hbm4b:s4+s2], $0x200, $0x38;
	[tilespmem:$0x8200] =	vst v63  }
0x12: {  	_ =	swait.ge [sflag:s10], $0x200  }
0x13: {  	[sflag:s10] =	ssyncset.done $0x0  }
0x14: {  	[sflag:s10] =	ssyncadd.s32 $0xFFFFFE00  }
0x15: {  	v3 =	vld [tilespmem:$0x0];
	_ =	sdelay $0x4  }
0x16: {  	v4 =	vshll.u32 v3, $0x1  }
0x17: {  	v3 =	vand.u32 $0x7, v3;
	v4 =	vand.u32 $0xFFFFFFF0, v4  }
0x18: {  	v3 =	vor.u32 v3, v4  }
0x19: {  	v4 =	vperm.xlane v3, v0;
	_ =	sdelay $0x1  }
0x1a: {  	v3 =	vperm.xlane v3, v2;
	v4 =	vadd.s32 v1, v4;
	_ =	sdelay $0x1  }
0x1b: {  	v3 =	vadd.s32 v1, v3;
	_ =	sdelay $0x2  }
0x1c: {  	[tilespmem:s11], [sflag:$0x1] =	stream.indirect_vreg.gather [hbm4b:s3+s2], $0x80, v4, vm0, $0xb8;
	[tilespmem:$0x8200] =	vst v63  }
0x1d: {  	_ = 	snop  }
0x1e: {  	[tilespmem:s12], [sflag:$0x1] =	stream.indirect_vreg.gather [hbm4b:s3+s2], $0x80, v3, vm0, $0xb8;
	[tilespmem:$0x8200] =	vst v63  }
0x1f: {  	v3 =	vld [tilespmem:$0x10];
	_ =	sdelay $0x4  }
0x20: {  	v33 =	vshll.u32 v3, $0x1  }
0x21: {  	v3 =	vand.u32 $0x7, v3;
	v4 =	vand.u32 $0xFFFFFFF0, v33  }
0x22: {  	v3 =	vor.u32 v3, v4  }
0x23: {  	v4 =	vperm.xlane v3, v0;
	_ =	sdelay $0x1  }
0x24: {  	v3 =	vperm.xlane v3, v2;
	v4 =	vadd.s32 v1, v4;
	_ =	sdelay $0x1  }
0x25: {  	v3 =	vadd.s32 v1, v3;
	_ =	sdelay $0x2  }
0x26: {  	[tilespmem:s13], [sflag:$0x1] =	stream.indirect_vreg.gather [hbm4b:s3+s2], $0x80, v4, vm0, $0xb8;
	[tilespmem:$0x8200] =	vst v63  }
0x27: {  	_ = 	snop  }
0x28: {  	[tilespmem:s14], [sflag:$0x1] =	stream.indirect_vreg.gather [hbm4b:s3+s2], $0x80, v3, vm0, $0xb8;
	[tilespmem:$0x8200] =	vst v63  }
0x29: {  	v3 =	vld [tilespmem:$0x20];
	_ =	sdelay $0x4  }
0x2a: {  	v34 =	vshll.u32 v3, $0x1  }
0x2b: {  	v3 =	vand.u32 $0x7, v3;
	v4 =	vand.u32 $0xFFFFFFF0, v34  }
0x2c: {  	v3 =	vor.u32 v3, v4  }
0x2d: {  	v4 =	vperm.xlane v3, v0;
	_ =	sdelay $0x1  }
0x2e: {  	v3 =	vperm.xlane v3, v2;
	v4 =	vadd.s32 v1, v4;
	_ =	sdelay $0x1  }
0x2f: {  	v3 =	vadd.s32 v1, v3;
	_ =	sdelay $0x2  }
0x30: {  	[tilespmem:s15], [sflag:$0x1] =	stream.indirect_vreg.gather [hbm4b:s3+s2], $0x80, v4, vm0, $0xb8;
	[tilespmem:$0x8200] =	vst v63  }
0x31: {  	_ = 	snop  }
0x32: {  	[tilespmem:s16], [sflag:$0x1] =	stream.indirect_vreg.gather [hbm4b:s3+s2], $0x80, v3, vm0, $0xb8;
	[tilespmem:$0x8200] =	vst v63  }
0x33: {  	v3 =	vld [tilespmem:$0x30];
	_ =	sdelay $0x4  }
0x34: {  	v35 =	vshll.u32 v3, $0x1  }
0x35: {  	v3 =	vand.u32 $0x7, v3;
	v4 =	vand.u32 $0xFFFFFFF0, v35  }
0x36: {  	v3 =	vor.u32 v3, v4  }
0x37: {  	v4 =	vperm.xlane v3, v0;
	_ =	sdelay $0x1  }
0x38: {  	v3 =	vperm.xlane v3, v2;
	v4 =	vadd.s32 v1, v4;
	_ =	sdelay $0x1  }
0x39: {  	v3 =	vadd.s32 v1, v3;
	_ =	sdelay $0x2  }
0x3a: {  	[tilespmem:s17], [sflag:$0x1] =	stream.indirect_vreg.gather [hbm4b:s3+s2], $0x80, v4, vm0, $0xb8;
	[tilespmem:$0x8200] =	vst v63  }
0x3b: {  	_ = 	snop  }
0x3c: {  	[tilespmem:s18], [sflag:$0x1] =	stream.indirect_vreg.gather [hbm4b:s3+s2], $0x80, v3, vm0, $0xb8;
	[tilespmem:$0x8200] =	vst v63  }
0x3d: {  	v3 =	vld [tilespmem:$0x40];
	_ =	sdelay $0x4  }
0x3e: {  	v36 =	vshll.u32 v3, $0x1  }
0x3f: {  	v3 =	vand.u32 $0x7, v3;
	v4 =	vand.u32 $0xFFFFFFF0, v36  }
0x40: {  	v3 =	vor.u32 v3, v4  }
0x41: {  	v4 =	vperm.xlane v3, v0;
	_ =	sdelay $0x1  }
0x42: {  	v3 =	vperm.xlane v3, v2;
	v4 =	vadd.s32 v1, v4;
	_ =	sdelay $0x1  }
0x43: {  	v3 =	vadd.s32 v1, v3;
	_ =	sdelay $0x2  }
0x44: {  	[tilespmem:s19], [sflag:$0x1] =	stream.indirect_vreg.gather [hbm4b:s3+s2], $0x80, v4, vm0, $0xb8;
	[tilespmem:$0x8200] =	vst v63  }
0x45: {  	_ = 	snop  }
0x46: {  	[tilespmem:s20], [sflag:$0x1] =	stream.indirect_vreg.gather [hbm4b:s3+s2], $0x80, v3, vm0, $0xb8;
	[tilespmem:$0x8200] =	vst v63  }
0x47: {  	v3 =	vld [tilespmem:$0x50];
	_ =	sdelay $0x4  }
0x48: {  	v37 =	vshll.u32 v3, $0x1  }
0x49: {  	v3 =	vand.u32 $0x7, v3;
	v4 =	vand.u32 $0xFFFFFFF0, v37  }
0x4a: {  	v3 =	vor.u32 v3, v4  }
0x4b: {  	v4 =	vperm.xlane v3, v0;
	_ =	sdelay $0x1  }
0x4c: {  	v3 =	vperm.xlane v3, v2;
	v4 =	vadd.s32 v1, v4;
	_ =	sdelay $0x1  }
0x4d: {  	v3 =	vadd.s32 v1, v3;
	_ =	sdelay $0x2  }
0x4e: {  	[tilespmem:s21], [sflag:$0x1] =	stream.indirect_vreg.gather [hbm4b:s3+s2], $0x80, v4, vm0, $0xb8;
	[tilespmem:$0x8200] =	vst v63  }
0x4f: {  	_ = 	snop  }
0x50: {  	[tilespmem:s22], [sflag:$0x1] =	stream.indirect_vreg.gather [hbm4b:s3+s2], $0x80, v3, vm0, $0xb8;
	[tilespmem:$0x8200] =	vst v63  }
0x51: {  	v3 =	vld [tilespmem:$0x60];
	_ =	sdelay $0x4  }
0x52: {  	v38 =	vshll.u32 v3, $0x1  }
0x53: {  	v3 =	vand.u32 $0x7, v3;
	v4 =	vand.u32 $0xFFFFFFF0, v38  }
0x54: {  	v3 =	vor.u32 v3, v4  }
0x55: {  	v4 =	vperm.xlane v3, v0;
	_ =	sdelay $0x1  }
0x56: {  	v3 =	vperm.xlane v3, v2;
	v4 =	vadd.s32 v1, v4;
	_ =	sdelay $0x1  }
0x57: {  	v3 =	vadd.s32 v1, v3;
	_ =	sdelay $0x2  }
0x58: {  	[tilespmem:s23], [sflag:$0x1] =	stream.indirect_vreg.gather [hbm4b:s3+s2], $0x80, v4, vm0, $0xb8;
	[tilespmem:$0x8200] =	vst v63  }
0x59: {  	_ = 	snop  }
0x5a: {  	[tilespmem:s24], [sflag:$0x1] =	stream.indirect_vreg.gather [hbm4b:s3+s2], $0x80, v3, vm0, $0xb8;
	[tilespmem:$0x8200] =	vst v63  }
0x5b: {  	v3 =	vld [tilespmem:$0x70];
	_ =	sdelay $0x4  }
0x5c: {  	v39 =	vshll.u32 v3, $0x1  }
0x5d: {  	v3 =	vand.u32 $0x7, v3;
	v4 =	vand.u32 $0xFFFFFFF0, v39  }
0x5e: {  	v3 =	vor.u32 v3, v4  }
0x5f: {  	v4 =	vperm.xlane v3, v0;
	_ =	sdelay $0x1  }
0x60: {  	v3 =	vperm.xlane v3, v2;
	v4 =	vadd.s32 v1, v4;
	_ =	sdelay $0x1  }
0x61: {  	v3 =	vadd.s32 v1, v3;
	_ =	sdelay $0x2  }
0x62: {  	[tilespmem:s25], [sflag:$0x1] =	stream.indirect_vreg.gather [hbm4b:s3+s2], $0x80, v4, vm0, $0xb8;
	[tilespmem:$0x8200] =	vst v63  }
0x63: {  	_ = 	snop  }
0x64: {  	[tilespmem:s26], [sflag:$0x1] =	stream.indirect_vreg.gather [hbm4b:s3+s2], $0x80, v3, vm0, $0xb8;
	[tilespmem:$0x8200] =	vst v63  }
0x65: {  	_ =	swait.ge [sflag:s28], $0x8000  }
0x66: {  	[sflag:s28] =	ssyncset.done $0x0  }
0x67: {  	[sflag:s28] =	ssyncadd.s32 $0xFFFF8000  }
0x68: {  	[hbm4b:s5+s2] =	stream.linear.scatter [tilespmem:s11], [sflag:$0x2], $0x8000, $0x38;
	[tilespmem:$0x8200] =	vst v63  }
0x69: {  	_ =	swait.ge [sflag:s10], $0x8000  }
0x6a: {  	[sflag:s10] =	ssyncset.done $0x0  }
0x6b: {  	[sflag:s10] =	ssyncadd.s32 $0xFFFF8000  }
0x6c: {  	v3 =	vld [tilespmem:$0x80];
	_ =	sdelay $0x4  }
0x6d: {  	v40 =	vshll.u32 v3, $0x1  }
0x6e: {  	v3 =	vand.u32 $0x7, v3;
	v4 =	vand.u32 $0xFFFFFFF0, v40  }
0x6f: {  	v3 =	vor.u32 v3, v4  }
0x70: {  	v4 =	vperm.xlane v3, v0;
	_ =	sdelay $0x1  }
0x71: {  	v3 =	vperm.xlane v3, v2;
	v4 =	vadd.s32 v1, v4;
	_ =	sdelay $0x1  }
0x72: {  	v3 =	vadd.s32 v1, v3;
	_ =	sdelay $0x2  }
0x73: {  	[tilespmem:s11], [sflag:$0x1] =	stream.indirect_vreg.gather [hbm4b:s3+s2], $0x80, v4, vm0, $0xb8;
	[tilespmem:$0x8200] =	vst v63  }
0x74: {  	_ = 	snop  }
0x75: {  	[tilespmem:s12], [sflag:$0x1] =	stream.indirect_vreg.gather [hbm4b:s3+s2], $0x80, v3, vm0, $0xb8;
	[tilespmem:$0x8200] =	vst v63  }
0x76: {  	v3 =	vld [tilespmem:$0x90];
	_ =	sdelay $0x4  }
0x77: {  	v41 =	vshll.u32 v3, $0x1  }
0x78: {  	v3 =	vand.u32 $0x7, v3;
	v4 =	vand.u32 $0xFFFFFFF0, v41  }
0x79: {  	v3 =	vor.u32 v3, v4  }
0x7a: {  	v4 =	vperm.xlane v3, v0;
	_ =	sdelay $0x1  }
0x7b: {  	v3 =	vperm.xlane v3, v2;
	v4 =	vadd.s32 v1, v4;
	_ =	sdelay $0x1  }
0x7c: {  	v3 =	vadd.s32 v1, v3;
	_ =	sdelay $0x2  }
0x7d: {  	[tilespmem:s13], [sflag:$0x1] =	stream.indirect_vreg.gather [hbm4b:s3+s2], $0x80, v4, vm0, $0xb8;
	[tilespmem:$0x8200] =	vst v63  }
0x7e: {  	_ = 	snop  }
0x7f: {  	[tilespmem:s14], [sflag:$0x1] =	stream.indirect_vreg.gather [hbm4b:s3+s2], $0x80, v3, vm0, $0xb8;
	[tilespmem:$0x8200] =	vst v63  }
0x80: {  	v3 =	vld [tilespmem:$0xA0];
	_ =	sdelay $0x4  }
0x81: {  	v42 =	vshll.u32 v3, $0x1  }
0x82: {  	v3 =	vand.u32 $0x7, v3;
	v4 =	vand.u32 $0xFFFFFFF0, v42  }
0x83: {  	v3 =	vor.u32 v3, v4  }
0x84: {  	v4 =	vperm.xlane v3, v0;
	_ =	sdelay $0x1  }
0x85: {  	v3 =	vperm.xlane v3, v2;
	v4 =	vadd.s32 v1, v4;
	_ =	sdelay $0x1  }
0x86: {  	v3 =	vadd.s32 v1, v3;
	_ =	sdelay $0x2  }
0x87: {  	[tilespmem:s15], [sflag:$0x1] =	stream.indirect_vreg.gather [hbm4b:s3+s2], $0x80, v4, vm0, $0xb8;
	[tilespmem:$0x8200] =	vst v63  }
0x88: {  	_ = 	snop  }
0x89: {  	[tilespmem:s16], [sflag:$0x1] =	stream.indirect_vreg.gather [hbm4b:s3+s2], $0x80, v3, vm0, $0xb8;
	[tilespmem:$0x8200] =	vst v63  }
0x8a: {  	v3 =	vld [tilespmem:$0xB0];
	_ =	sdelay $0x4  }
0x8b: {  	v43 =	vshll.u32 v3, $0x1  }
0x8c: {  	v3 =	vand.u32 $0x7, v3;
	v4 =	vand.u32 $0xFFFFFFF0, v43  }
0x8d: {  	v3 =	vor.u32 v3, v4  }
0x8e: {  	v4 =	vperm.xlane v3, v0;
	_ =	sdelay $0x1  }
0x8f: {  	v3 =	vperm.xlane v3, v2;
	v4 =	vadd.s32 v1, v4;
	_ =	sdelay $0x1  }
0x90: {  	v3 =	vadd.s32 v1, v3;
	_ =	sdelay $0x2  }
0x91: {  	[tilespmem:s17], [sflag:$0x1] =	stream.indirect_vreg.gather [hbm4b:s3+s2], $0x80, v4, vm0, $0xb8;
	[tilespmem:$0x8200] =	vst v63  }
0x92: {  	_ = 	snop  }
0x93: {  	[tilespmem:s18], [sflag:$0x1] =	stream.indirect_vreg.gather [hbm4b:s3+s2], $0x80, v3, vm0, $0xb8;
	[tilespmem:$0x8200] =	vst v63  }
0x94: {  	v3 =	vld [tilespmem:$0xC0];
	_ =	sdelay $0x4  }
0x95: {  	v44 =	vshll.u32 v3, $0x1  }
0x96: {  	v3 =	vand.u32 $0x7, v3;
	v4 =	vand.u32 $0xFFFFFFF0, v44  }
0x97: {  	v3 =	vor.u32 v3, v4  }
0x98: {  	v4 =	vperm.xlane v3, v0;
	_ =	sdelay $0x1  }
0x99: {  	v3 =	vperm.xlane v3, v2;
	v4 =	vadd.s32 v1, v4;
	_ =	sdelay $0x1  }
0x9a: {  	v3 =	vadd.s32 v1, v3;
	_ =	sdelay $0x2  }
0x9b: {  	[tilespmem:s19], [sflag:$0x1] =	stream.indirect_vreg.gather [hbm4b:s3+s2], $0x80, v4, vm0, $0xb8;
	[tilespmem:$0x8200] =	vst v63  }
0x9c: {  	_ = 	snop  }
0x9d: {  	[tilespmem:s20], [sflag:$0x1] =	stream.indirect_vreg.gather [hbm4b:s3+s2], $0x80, v3, vm0, $0xb8;
	[tilespmem:$0x8200] =	vst v63  }
0x9e: {  	v3 =	vld [tilespmem:$0xD0];
	_ =	sdelay $0x4  }
0x9f: {  	v45 =	vshll.u32 v3, $0x1  }
0xa0: {  	v3 =	vand.u32 $0x7, v3;
	v4 =	vand.u32 $0xFFFFFFF0, v45  }
0xa1: {  	v3 =	vor.u32 v3, v4  }
0xa2: {  	v4 =	vperm.xlane v3, v0;
	_ =	sdelay $0x1  }
0xa3: {  	v3 =	vperm.xlane v3, v2;
	v4 =	vadd.s32 v1, v4;
	_ =	sdelay $0x1  }
0xa4: {  	v3 =	vadd.s32 v1, v3;
	_ =	sdelay $0x2  }
0xa5: {  	[tilespmem:s21], [sflag:$0x1] =	stream.indirect_vreg.gather [hbm4b:s3+s2], $0x80, v4, vm0, $0xb8;
	[tilespmem:$0x8200] =	vst v63  }
0xa6: {  	_ = 	snop  }
0xa7: {  	[tilespmem:s22], [sflag:$0x1] =	stream.indirect_vreg.gather [hbm4b:s3+s2], $0x80, v3, vm0, $0xb8;
	[tilespmem:$0x8200] =	vst v63  }
0xa8: {  	v3 =	vld [tilespmem:$0xE0];
	_ =	sdelay $0x4  }
0xa9: {  	v46 =	vshll.u32 v3, $0x1  }
0xaa: {  	v3 =	vand.u32 $0x7, v3;
	v4 =	vand.u32 $0xFFFFFFF0, v46  }
0xab: {  	v3 =	vor.u32 v3, v4  }
0xac: {  	v4 =	vperm.xlane v3, v0;
	_ =	sdelay $0x1  }
0xad: {  	v3 =	vperm.xlane v3, v2;
	v4 =	vadd.s32 v1, v4;
	_ =	sdelay $0x1  }
0xae: {  	v3 =	vadd.s32 v1, v3;
	_ =	sdelay $0x2  }
0xaf: {  	[tilespmem:s23], [sflag:$0x1] =	stream.indirect_vreg.gather [hbm4b:s3+s2], $0x80, v4, vm0, $0xb8;
	[tilespmem:$0x8200] =	vst v63  }
0xb0: {  	_ = 	snop  }
0xb1: {  	[tilespmem:s24], [sflag:$0x1] =	stream.indirect_vreg.gather [hbm4b:s3+s2], $0x80, v3, vm0, $0xb8;
	[tilespmem:$0x8200] =	vst v63  }
0xb2: {  	v3 =	vld [tilespmem:$0xF0];
	_ =	sdelay $0x4  }
0xb3: {  	v47 =	vshll.u32 v3, $0x1  }
0xb4: {  	v3 =	vand.u32 $0x7, v3;
	v4 =	vand.u32 $0xFFFFFFF0, v47  }
0xb5: {  	v3 =	vor.u32 v3, v4  }
0xb6: {  	v4 =	vperm.xlane v3, v0;
	_ =	sdelay $0x1  }
0xb7: {  	v3 =	vperm.xlane v3, v2;
	v4 =	vadd.s32 v1, v4;
	_ =	sdelay $0x1  }
0xb8: {  	v3 =	vadd.s32 v1, v3;
	_ =	sdelay $0x2  }
0xb9: {  	[tilespmem:s25], [sflag:$0x1] =	stream.indirect_vreg.gather [hbm4b:s3+s2], $0x80, v4, vm0, $0xb8;
	[tilespmem:$0x8200] =	vst v63  }
0xba: {  	_ = 	snop  }
0xbb: {  	[tilespmem:s26], [sflag:$0x1] =	stream.indirect_vreg.gather [hbm4b:s3+s2], $0x80, v3, vm0, $0xb8;
	[tilespmem:$0x8200] =	vst v63  }
0xbc: {  	_ =	swait.ge [sflag:s28], $0x8000  }
0xbd: {  	[sflag:s28] =	ssyncset.done $0x0  }
0xbe: {  	[sflag:s28] =	ssyncadd.s32 $0xFFFF8000  }
0xbf: {  	[hbm4b:s6+s2] =	stream.linear.scatter [tilespmem:s11], [sflag:$0x2], $0x8000, $0x38;
	[tilespmem:$0x8200] =	vst v63  }
0xc0: {  	_ =	swait.ge [sflag:s10], $0x8000  }
0xc1: {  	[sflag:s10] =	ssyncset.done $0x0  }
0xc2: {  	[sflag:s10] =	ssyncadd.s32 $0xFFFF8000  }
0xc3: {  	v3 =	vld [tilespmem:$0x100];
	_ =	sdelay $0x4  }
0xc4: {  	v48 =	vshll.u32 v3, $0x1  }
0xc5: {  	v3 =	vand.u32 $0x7, v3;
	v4 =	vand.u32 $0xFFFFFFF0, v48  }
0xc6: {  	v3 =	vor.u32 v3, v4  }
0xc7: {  	v4 =	vperm.xlane v3, v0;
	_ =	sdelay $0x1  }
0xc8: {  	v3 =	vperm.xlane v3, v2;
	v4 =	vadd.s32 v1, v4;
	_ =	sdelay $0x1  }
0xc9: {  	v3 =	vadd.s32 v1, v3;
	_ =	sdelay $0x2  }
0xca: {  	[tilespmem:s11], [sflag:$0x1] =	stream.indirect_vreg.gather [hbm4b:s3+s2], $0x80, v4, vm0, $0xb8;
	[tilespmem:$0x8200] =	vst v63  }
0xcb: {  	_ = 	snop  }
0xcc: {  	[tilespmem:s12], [sflag:$0x1] =	stream.indirect_vreg.gather [hbm4b:s3+s2], $0x80, v3, vm0, $0xb8;
	[tilespmem:$0x8200] =	vst v63  }
0xcd: {  	v3 =	vld [tilespmem:$0x110];
	_ =	sdelay $0x4  }
0xce: {  	v49 =	vshll.u32 v3, $0x1  }
0xcf: {  	v3 =	vand.u32 $0x7, v3;
	v4 =	vand.u32 $0xFFFFFFF0, v49  }
0xd0: {  	v3 =	vor.u32 v3, v4  }
0xd1: {  	v4 =	vperm.xlane v3, v0;
	_ =	sdelay $0x1  }
0xd2: {  	v3 =	vperm.xlane v3, v2;
	v4 =	vadd.s32 v1, v4;
	_ =	sdelay $0x1  }
0xd3: {  	v3 =	vadd.s32 v1, v3;
	_ =	sdelay $0x2  }
0xd4: {  	[tilespmem:s13], [sflag:$0x1] =	stream.indirect_vreg.gather [hbm4b:s3+s2], $0x80, v4, vm0, $0xb8;
	[tilespmem:$0x8200] =	vst v63  }
0xd5: {  	_ = 	snop  }
0xd6: {  	[tilespmem:s14], [sflag:$0x1] =	stream.indirect_vreg.gather [hbm4b:s3+s2], $0x80, v3, vm0, $0xb8;
	[tilespmem:$0x8200] =	vst v63  }
0xd7: {  	v3 =	vld [tilespmem:$0x120];
	_ =	sdelay $0x4  }
0xd8: {  	v50 =	vshll.u32 v3, $0x1  }
0xd9: {  	v3 =	vand.u32 $0x7, v3;
	v4 =	vand.u32 $0xFFFFFFF0, v50  }
0xda: {  	v3 =	vor.u32 v3, v4  }
0xdb: {  	v4 =	vperm.xlane v3, v0;
	_ =	sdelay $0x1  }
0xdc: {  	v3 =	vperm.xlane v3, v2;
	v4 =	vadd.s32 v1, v4;
	_ =	sdelay $0x1  }
0xdd: {  	v3 =	vadd.s32 v1, v3;
	_ =	sdelay $0x2  }
0xde: {  	[tilespmem:s15], [sflag:$0x1] =	stream.indirect_vreg.gather [hbm4b:s3+s2], $0x80, v4, vm0, $0xb8;
	[tilespmem:$0x8200] =	vst v63  }
0xdf: {  	_ = 	snop  }
0xe0: {  	[tilespmem:s16], [sflag:$0x1] =	stream.indirect_vreg.gather [hbm4b:s3+s2], $0x80, v3, vm0, $0xb8;
	[tilespmem:$0x8200] =	vst v63  }
0xe1: {  	v3 =	vld [tilespmem:$0x130];
	_ =	sdelay $0x4  }
0xe2: {  	v51 =	vshll.u32 v3, $0x1  }
0xe3: {  	v3 =	vand.u32 $0x7, v3;
	v4 =	vand.u32 $0xFFFFFFF0, v51  }
0xe4: {  	v3 =	vor.u32 v3, v4  }
0xe5: {  	v4 =	vperm.xlane v3, v0;
	_ =	sdelay $0x1  }
0xe6: {  	v3 =	vperm.xlane v3, v2;
	v4 =	vadd.s32 v1, v4;
	_ =	sdelay $0x1  }
0xe7: {  	v3 =	vadd.s32 v1, v3;
	_ =	sdelay $0x2  }
0xe8: {  	[tilespmem:s17], [sflag:$0x1] =	stream.indirect_vreg.gather [hbm4b:s3+s2], $0x80, v4, vm0, $0xb8;
	[tilespmem:$0x8200] =	vst v63  }
0xe9: {  	_ = 	snop  }
0xea: {  	[tilespmem:s18], [sflag:$0x1] =	stream.indirect_vreg.gather [hbm4b:s3+s2], $0x80, v3, vm0, $0xb8;
	[tilespmem:$0x8200] =	vst v63  }
0xeb: {  	v3 =	vld [tilespmem:$0x140];
	_ =	sdelay $0x4  }
0xec: {  	v52 =	vshll.u32 v3, $0x1  }
0xed: {  	v3 =	vand.u32 $0x7, v3;
	v4 =	vand.u32 $0xFFFFFFF0, v52  }
0xee: {  	v3 =	vor.u32 v3, v4  }
0xef: {  	v4 =	vperm.xlane v3, v0;
	_ =	sdelay $0x1  }
0xf0: {  	v3 =	vperm.xlane v3, v2;
	v4 =	vadd.s32 v1, v4;
	_ =	sdelay $0x1  }
0xf1: {  	v3 =	vadd.s32 v1, v3;
	_ =	sdelay $0x2  }
0xf2: {  	[tilespmem:s19], [sflag:$0x1] =	stream.indirect_vreg.gather [hbm4b:s3+s2], $0x80, v4, vm0, $0xb8;
	[tilespmem:$0x8200] =	vst v63  }
0xf3: {  	_ = 	snop  }
0xf4: {  	[tilespmem:s20], [sflag:$0x1] =	stream.indirect_vreg.gather [hbm4b:s3+s2], $0x80, v3, vm0, $0xb8;
	[tilespmem:$0x8200] =	vst v63  }
0xf5: {  	v3 =	vld [tilespmem:$0x150];
	_ =	sdelay $0x4  }
0xf6: {  	v53 =	vshll.u32 v3, $0x1  }
0xf7: {  	v3 =	vand.u32 $0x7, v3;
	v4 =	vand.u32 $0xFFFFFFF0, v53  }
0xf8: {  	v3 =	vor.u32 v3, v4  }
0xf9: {  	v4 =	vperm.xlane v3, v0;
	_ =	sdelay $0x1  }
0xfa: {  	v3 =	vperm.xlane v3, v2;
	v4 =	vadd.s32 v1, v4;
	_ =	sdelay $0x1  }
0xfb: {  	v3 =	vadd.s32 v1, v3;
	_ =	sdelay $0x2  }
0xfc: {  	[tilespmem:s21], [sflag:$0x1] =	stream.indirect_vreg.gather [hbm4b:s3+s2], $0x80, v4, vm0, $0xb8;
	[tilespmem:$0x8200] =	vst v63  }
0xfd: {  	_ = 	snop  }
0xfe: {  	[tilespmem:s22], [sflag:$0x1] =	stream.indirect_vreg.gather [hbm4b:s3+s2], $0x80, v3, vm0, $0xb8;
	[tilespmem:$0x8200] =	vst v63  }
0xff: {  	v3 =	vld [tilespmem:$0x160];
	_ =	sdelay $0x4  }
0x100: {  	v54 =	vshll.u32 v3, $0x1  }
0x101: {  	v3 =	vand.u32 $0x7, v3;
	v4 =	vand.u32 $0xFFFFFFF0, v54  }
0x102: {  	v3 =	vor.u32 v3, v4  }
0x103: {  	v4 =	vperm.xlane v3, v0;
	_ =	sdelay $0x1  }
0x104: {  	v3 =	vperm.xlane v3, v2;
	v4 =	vadd.s32 v1, v4;
	_ =	sdelay $0x1  }
0x105: {  	v3 =	vadd.s32 v1, v3;
	_ =	sdelay $0x2  }
0x106: {  	[tilespmem:s23], [sflag:$0x1] =	stream.indirect_vreg.gather [hbm4b:s3+s2], $0x80, v4, vm0, $0xb8;
	[tilespmem:$0x8200] =	vst v63  }
0x107: {  	_ = 	snop  }
0x108: {  	[tilespmem:s24], [sflag:$0x1] =	stream.indirect_vreg.gather [hbm4b:s3+s2], $0x80, v3, vm0, $0xb8;
	[tilespmem:$0x8200] =	vst v63  }
0x109: {  	v3 =	vld [tilespmem:$0x170];
	_ =	sdelay $0x4  }
0x10a: {  	v55 =	vshll.u32 v3, $0x1  }
0x10b: {  	v3 =	vand.u32 $0x7, v3;
	v4 =	vand.u32 $0xFFFFFFF0, v55  }
0x10c: {  	v3 =	vor.u32 v3, v4  }
0x10d: {  	v4 =	vperm.xlane v3, v0;
	_ =	sdelay $0x1  }
0x10e: {  	v3 =	vperm.xlane v3, v2;
	v4 =	vadd.s32 v1, v4;
	_ =	sdelay $0x1  }
0x10f: {  	v3 =	vadd.s32 v1, v3;
	_ =	sdelay $0x2  }
0x110: {  	[tilespmem:s25], [sflag:$0x1] =	stream.indirect_vreg.gather [hbm4b:s3+s2], $0x80, v4, vm0, $0xb8;
	[tilespmem:$0x8200] =	vst v63  }
0x111: {  	_ = 	snop  }
0x112: {  	[tilespmem:s26], [sflag:$0x1] =	stream.indirect_vreg.gather [hbm4b:s3+s2], $0x80, v3, vm0, $0xb8;
	[tilespmem:$0x8200] =	vst v63  }
0x113: {  	_ =	swait.ge [sflag:s28], $0x8000  }
0x114: {  	[sflag:s28] =	ssyncset.done $0x0  }
0x115: {  	[sflag:s28] =	ssyncadd.s32 $0xFFFF8000  }
0x116: {  	[hbm4b:s7+s2] =	stream.linear.scatter [tilespmem:s11], [sflag:$0x2], $0x8000, $0x38;
	[tilespmem:$0x8200] =	vst v63  }
0x117: {  	_ =	swait.ge [sflag:s10], $0x8000  }
0x118: {  	[sflag:s10] =	ssyncset.done $0x0  }
0x119: {  	[sflag:s10] =	ssyncadd.s32 $0xFFFF8000  }
0x11a: {  	v3 =	vld [tilespmem:$0x180];
	_ =	sdelay $0x4  }
0x11b: {  	v56 =	vshll.u32 v3, $0x1  }
0x11c: {  	v3 =	vand.u32 $0x7, v3;
	v4 =	vand.u32 $0xFFFFFFF0, v56  }
0x11d: {  	v3 =	vor.u32 v3, v4  }
0x11e: {  	v4 =	vperm.xlane v3, v0;
	_ =	sdelay $0x1  }
0x11f: {  	v3 =	vperm.xlane v3, v2;
	v4 =	vadd.s32 v1, v4;
	_ =	sdelay $0x1  }
0x120: {  	v3 =	vadd.s32 v1, v3;
	_ =	sdelay $0x2  }
0x121: {  	[tilespmem:s11], [sflag:$0x1] =	stream.indirect_vreg.gather [hbm4b:s3+s2], $0x80, v4, vm0, $0xb8;
	[tilespmem:$0x8200] =	vst v63  }
0x122: {  	_ = 	snop  }
0x123: {  	[tilespmem:s12], [sflag:$0x1] =	stream.indirect_vreg.gather [hbm4b:s3+s2], $0x80, v3, vm0, $0xb8;
	[tilespmem:$0x8200] =	vst v63  }
0x124: {  	v3 =	vld [tilespmem:$0x190];
	_ =	sdelay $0x4  }
0x125: {  	v57 =	vshll.u32 v3, $0x1  }
0x126: {  	v3 =	vand.u32 $0x7, v3;
	v4 =	vand.u32 $0xFFFFFFF0, v57  }
0x127: {  	v3 =	vor.u32 v3, v4  }
0x128: {  	v4 =	vperm.xlane v3, v0;
	_ =	sdelay $0x1  }
0x129: {  	v3 =	vperm.xlane v3, v2;
	v4 =	vadd.s32 v1, v4;
	_ =	sdelay $0x1  }
0x12a: {  	v3 =	vadd.s32 v1, v3;
	_ =	sdelay $0x2  }
0x12b: {  	[tilespmem:s13], [sflag:$0x1] =	stream.indirect_vreg.gather [hbm4b:s3+s2], $0x80, v4, vm0, $0xb8;
	[tilespmem:$0x8200] =	vst v63  }
0x12c: {  	_ = 	snop  }
0x12d: {  	[tilespmem:s14], [sflag:$0x1] =	stream.indirect_vreg.gather [hbm4b:s3+s2], $0x80, v3, vm0, $0xb8;
	[tilespmem:$0x8200] =	vst v63  }
0x12e: {  	v3 =	vld [tilespmem:$0x1A0];
	_ =	sdelay $0x4  }
0x12f: {  	v58 =	vshll.u32 v3, $0x1  }
0x130: {  	v3 =	vand.u32 $0x7, v3;
	v4 =	vand.u32 $0xFFFFFFF0, v58  }
0x131: {  	v3 =	vor.u32 v3, v4  }
0x132: {  	v4 =	vperm.xlane v3, v0;
	_ =	sdelay $0x1  }
0x133: {  	v3 =	vperm.xlane v3, v2;
	v4 =	vadd.s32 v1, v4;
	_ =	sdelay $0x1  }
0x134: {  	v3 =	vadd.s32 v1, v3;
	_ =	sdelay $0x2  }
0x135: {  	[tilespmem:s15], [sflag:$0x1] =	stream.indirect_vreg.gather [hbm4b:s3+s2], $0x80, v4, vm0, $0xb8;
	[tilespmem:$0x8200] =	vst v63  }
0x136: {  	_ = 	snop  }
0x137: {  	[tilespmem:s16], [sflag:$0x1] =	stream.indirect_vreg.gather [hbm4b:s3+s2], $0x80, v3, vm0, $0xb8;
	[tilespmem:$0x8200] =	vst v63  }
0x138: {  	v3 =	vld [tilespmem:$0x1B0];
	_ =	sdelay $0x4  }
0x139: {  	v59 =	vshll.u32 v3, $0x1  }
0x13a: {  	v3 =	vand.u32 $0x7, v3;
	v4 =	vand.u32 $0xFFFFFFF0, v59  }
0x13b: {  	v3 =	vor.u32 v3, v4  }
0x13c: {  	v4 =	vperm.xlane v3, v0;
	_ =	sdelay $0x1  }
0x13d: {  	v3 =	vperm.xlane v3, v2;
	v4 =	vadd.s32 v1, v4;
	_ =	sdelay $0x1  }
0x13e: {  	v3 =	vadd.s32 v1, v3;
	_ =	sdelay $0x2  }
0x13f: {  	[tilespmem:s17], [sflag:$0x1] =	stream.indirect_vreg.gather [hbm4b:s3+s2], $0x80, v4, vm0, $0xb8;
	[tilespmem:$0x8200] =	vst v63  }
0x140: {  	_ = 	snop  }
0x141: {  	[tilespmem:s18], [sflag:$0x1] =	stream.indirect_vreg.gather [hbm4b:s3+s2], $0x80, v3, vm0, $0xb8;
	[tilespmem:$0x8200] =	vst v63  }
0x142: {  	v3 =	vld [tilespmem:$0x1C0];
	_ =	sdelay $0x4  }
0x143: {  	v60 =	vshll.u32 v3, $0x1  }
0x144: {  	v3 =	vand.u32 $0x7, v3;
	v4 =	vand.u32 $0xFFFFFFF0, v60  }
0x145: {  	v3 =	vor.u32 v3, v4  }
0x146: {  	v4 =	vperm.xlane v3, v0;
	_ =	sdelay $0x1  }
0x147: {  	v3 =	vperm.xlane v3, v2;
	v4 =	vadd.s32 v1, v4;
	_ =	sdelay $0x1  }
0x148: {  	v3 =	vadd.s32 v1, v3;
	_ =	sdelay $0x2  }
0x149: {  	[tilespmem:s19], [sflag:$0x1] =	stream.indirect_vreg.gather [hbm4b:s3+s2], $0x80, v4, vm0, $0xb8;
	[tilespmem:$0x8200] =	vst v63  }
0x14a: {  	_ = 	snop  }
0x14b: {  	[tilespmem:s20], [sflag:$0x1] =	stream.indirect_vreg.gather [hbm4b:s3+s2], $0x80, v3, vm0, $0xb8;
	[tilespmem:$0x8200] =	vst v63  }
0x14c: {  	v3 =	vld [tilespmem:$0x1D0];
	_ =	sdelay $0x4  }
0x14d: {  	v61 =	vshll.u32 v3, $0x1  }
0x14e: {  	v3 =	vand.u32 $0x7, v3;
	v4 =	vand.u32 $0xFFFFFFF0, v61  }
0x14f: {  	v3 =	vor.u32 v3, v4  }
0x150: {  	v4 =	vperm.xlane v3, v0;
	_ =	sdelay $0x1  }
0x151: {  	v3 =	vperm.xlane v3, v2;
	v4 =	vadd.s32 v1, v4;
	_ =	sdelay $0x1  }
0x152: {  	v3 =	vadd.s32 v1, v3;
	_ =	sdelay $0x2  }
0x153: {  	[tilespmem:s21], [sflag:$0x1] =	stream.indirect_vreg.gather [hbm4b:s3+s2], $0x80, v4, vm0, $0xb8;
	[tilespmem:$0x8200] =	vst v63  }
0x154: {  	_ = 	snop  }
0x155: {  	[tilespmem:s22], [sflag:$0x1] =	stream.indirect_vreg.gather [hbm4b:s3+s2], $0x80, v3, vm0, $0xb8;
	[tilespmem:$0x8200] =	vst v63  }
0x156: {  	v3 =	vld [tilespmem:$0x1E0];
	_ =	sdelay $0x4  }
0x157: {  	v62 =	vshll.u32 v3, $0x1  }
0x158: {  	v3 =	vand.u32 $0x7, v3;
	v4 =	vand.u32 $0xFFFFFFF0, v62  }
0x159: {  	v3 =	vor.u32 v3, v4  }
0x15a: {  	v4 =	vperm.xlane v3, v0;
	_ =	sdelay $0x1  }
0x15b: {  	v3 =	vperm.xlane v3, v2;
	v4 =	vadd.s32 v1, v4;
	_ =	sdelay $0x1  }
0x15c: {  	v3 =	vadd.s32 v1, v3;
	_ =	sdelay $0x2  }
0x15d: {  	[tilespmem:s23], [sflag:$0x1] =	stream.indirect_vreg.gather [hbm4b:s3+s2], $0x80, v4, vm0, $0xb8;
	[tilespmem:$0x8200] =	vst v63  }
0x15e: {  	_ = 	snop  }
0x15f: {  	[tilespmem:s24], [sflag:$0x1] =	stream.indirect_vreg.gather [hbm4b:s3+s2], $0x80, v3, vm0, $0xb8;
	[tilespmem:$0x8200] =	vst v63  }
0x160: {  	v3 =	vld [tilespmem:$0x1F0];
	_ =	sdelay $0x4  }
0x161: {  	v63 =	vshll.u32 v3, $0x1  }
0x162: {  	v3 =	vand.u32 $0x7, v3;
	v4 =	vand.u32 $0xFFFFFFF0, v63  }
0x163: {  	v3 =	vor.u32 v3, v4  }
0x164: {  	v4 =	vperm.xlane v3, v0;
	_ =	sdelay $0x1  }
0x165: {  	v3 =	vperm.xlane v3, v2;
	v4 =	vadd.s32 v1, v4;
	_ =	sdelay $0x1  }
0x166: {  	v3 =	vadd.s32 v1, v3;
	_ =	sdelay $0x2  }
0x167: {  	[tilespmem:s25], [sflag:$0x1] =	stream.indirect_vreg.gather [hbm4b:s3+s2], $0x80, v4, vm0, $0xb8;
	[tilespmem:$0x8200] =	vst v63  }
0x168: {  	_ = 	snop  }
0x169: {  	[tilespmem:s26], [sflag:$0x1] =	stream.indirect_vreg.gather [hbm4b:s3+s2], $0x80, v3, vm0, $0xb8;
	[tilespmem:$0x8200] =	vst v63  }
0x16a: {  	_ =	swait.ge [sflag:s28], $0x8000  }
0x16b: {  	p0 =	sne.s32 s9, $0x1;
	[sflag:s28] =	ssyncset.done $0x0  }
.Ltmp0:
0x16c: {  	[sflag:s28] =	ssyncadd.s32 $0xFFFF8000;
	(pc) =	sbr.rel @p0 .LBB2_1-.Ltmp0, $4  }
0x16d: {  	[hbm4b:s8+s2] =	stream.linear.scatter [tilespmem:s11], [sflag:$0x2], $0x8000, $0x38;
	[tilespmem:$0x8200] =	vst v63  }
0x16e: {  	_ =	swait.ge [sflag:s10], $0x8000  }
0x16f: {  	[sflag:s10] =	ssyncset.done $0x0  }
0x170: {  	s9 =	sadd.s32 $0xFFFFFFFF, s9;
	[sflag:s10] =	ssyncadd.s32 $0xFFFF8000  }
0x171: {  	_ =	sfence.sel $0x180000  }
0x172: {  	[bflag:$0x0] =	sbarrier.arrive $0xFFFF  }
0x173: {  	p0 =	sne.s32 s1, $0x0;
	_ =	strace $0x9000004A  }
0x174: {  	s0 =	sadd.s32 @!p0 $0x100000, s0;
	[bflag:$0x2] =	sbarrier.arrive $0xFFFF  }
0x175: {  	[sflag:s0] =	ssyncadd.tile.s32 @!p0 $0x1;
	_ =	shalt  }
.Lfunc_end2:
_tile_overlayer_lowered:
.L_overlay_start_2:
0x176: {  	(tag) =	ssettag $0x2  }
0x177: {  	s0 =	rddreg [dreg:$0x0];
	s2 =	stileid.u32  }
0x178: {  	s1 =	rddreg [dreg:$0x1];
	p0 =	sne.s32 s2, $0x0  }
0x179: {  	s3 =	rddreg [dreg:$0x2];
	[bflag:$0x3] =	sbarrier.arrive $0xFFFF;
	s2 =	simm.s32 @!p0 $0x1C02  }
0x17a: {  	[timem:s3], [sflag:s2] =	dma.local @!p0 [hbm:s0], s1  }
0x17b: {  	s0 =	simm.s32 @!p0 $0x2  }
0x17c: {  	_ =	swait.ge @!p0 [sflag:s0], s1  }
0x17d: {  	s1 =	ssub.s32 @!p0 $0x0, s1;
	[sflag:s0] =	ssyncset.done @!p0 $0x0  }
0x17e: {  	[sflag:s0] =	ssyncadd.s32 @!p0 s1  }
0x17f: {  	[bflag:$0x3] =	sbarrier.arrive $0xFFFF  }
0x180: {  	_ =	shalt  }

</sc_bundles>
